<compile_context>
chip_gen: v7x
topology: tpu7x:2x2x1
jax: 0.10.2.dev20260603
libtpu: 0.0.44.dev20260713+nightly
codegen_flags: <defaults>
</compile_context>

<pallas_src>
import functools

import jax
import jax.numpy as jnp
from jax import lax
from jax.experimental import pallas as pl
from jax.experimental.pallas import tpu as pltpu
from jax.experimental.pallas import tpu_sc as plsc

_W = 128


@functools.lru_cache(maxsize=None)
def _build_gather(hist, batch, vocab):
    info = plsc.get_sparse_core_info()
    nw = info.num_cores * info.num_subcores
    band = batch // nw
    nbb = band // _W
    nblk = hist * nbb
    assert batch % nw == 0 and band % _W == 0 and nblk % 2 == 0
    mesh = plsc.VectorSubcoreMesh(core_axis_name="c", subcore_axis_name="s")

    @functools.partial(
        pl.kernel,
        mesh=mesh,
        out_type=jax.ShapeDtypeStruct((hist, batch, _W), jnp.float32),
        scratch_types=[
            pltpu.VMEM((nblk * _W,), jnp.int32),
            pltpu.VMEM((4, _W, _W), jnp.float32),
            pltpu.SemaphoreType.DMA,
            pltpu.SemaphoreType.DMA,
            pltpu.SemaphoreType.DMA,
            pltpu.SemaphoreType.DMA,
            pltpu.SemaphoreType.DMA,
            pltpu.SemaphoreType.DMA,
            pltpu.SemaphoreType.DMA,
            pltpu.SemaphoreType.DMA,
            pltpu.SemaphoreType.DMA,
        ],
        compiler_params=pltpu.CompilerParams(
            use_tc_tiling_on_sc=True, needs_layout_passes=False
        ),
    )
    def gather_kernel(idx_hbm, table_hbm, out_hbm, dv, rows, isem,
                      gsem0, gsem1, gsem2, gsem3,
                      osem0, osem1, osem2, osem3):
        gsems = (gsem0, gsem1, gsem2, gsem3)
        osems = (osem0, osem1, osem2, osem3)
        wid = lax.axis_index("s") * info.num_cores + lax.axis_index("c")
        col0 = wid * band

        for h in range(hist):
            pltpu.async_copy(
                idx_hbm.at[h, pl.ds(col0, band)],
                dv.at[pl.ds(h * band, band)],
                isem,
            )
        for h in range(hist):
            pltpu.make_async_copy(
                idx_hbm.at[h, pl.ds(col0, band)],
                dv.at[pl.ds(h * band, band)],
                isem,
            ).wait()

        def fire(i, slot):
            pltpu.async_copy(
                table_hbm.at[dv.at[pl.ds(i * _W, _W)]],
                rows.at[slot],
                gsems[slot],
            )

        def drain_gather(slot):
            pltpu.make_async_copy(
                table_hbm.at[dv.at[pl.ds(0, _W)]],
                rows.at[slot],
                gsems[slot],
            ).wait()

        def out_copy(i, slot, start):
            h = i // nbb
            b0 = col0 + (i % nbb) * _W
            cp = pltpu.make_async_copy(
                rows.at[slot],
                out_hbm.at[h].at[pl.ds(b0, _W)],
                osems[slot],
            )
            if start:
                cp.start()
            else:
                cp.wait()

        fire(0, 0)
        fire(1, 1)

        def quad(p, carry):
            for b in range(4):
                i = p * 4 + b
                s = b
                ns = (b + 2) % 4
                drain_gather(s)
                out_copy(i, s, start=True)
                if b < 2:
                    @pl.when(i >= 2)
                    def _():
                        out_copy(i - 2, ns, start=False)
                    fire(i + 2, ns)
                else:
                    out_copy(i - 2, ns, start=False)

                    @pl.when(i + 2 < nblk)
                    def _():
                        fire(i + 2, ns)
            return carry

        lax.fori_loop(0, nblk // 4, quad, 0)
        out_copy(nblk - 2, (nblk - 2) % 4, start=False)
        out_copy(nblk - 1, (nblk - 1) % 4, start=False)

    return gather_kernel


def kernel(word_indices, embeddings):
    batch, hist = word_indices.shape
    vocab, d = embeddings.shape
    assert d == 64
    table_p = jnp.pad(embeddings, ((0, 0), (0, d)))
    idx_t = word_indices.T
    lines = _build_gather(hist, batch, vocab)(idx_t, table_p)
    return lines.transpose(1, 0, 2)[:, :, :d]

# --- scband reference (transcript-rebuilt; emitter-appended) ---
"""Pipeline reference for scband-semantic-embedding-model-1108101562424 (READ-ONLY COPY).

The authoritative reference and input builder live on the scoring server;
editing this copy changes nothing except your own understanding.
"""

import jax, jax.numpy as jnp
import numpy as np

VOCAB = 1000000
EMBED_DIM = 64
BATCH = 16384
HIST = 50

def _xavier_uniform(key, shape, dtype=jnp.float32):
    fan_in, fan_out = shape[1], shape[0]
    a = np.sqrt(6.0 / (fan_in + fan_out))
    return jax.random.uniform(key, shape, dtype=dtype, minval=-a, maxval=a)

def setup_inputs(seed: int = 0) -> dict:
    key = jax.random.key(seed)
    k_idx, k_w = jax.random.split(key)
    word_indices = jax.random.randint(k_idx, (BATCH, HIST), 0, VOCAB, dtype=jnp.int64 if jax.config.jax_enable_x64 else jnp.int32)
    embeddings = _xavier_uniform(k_w, (VOCAB, EMBED_DIM))
    return {"word_indices": word_indices, "embeddings": embeddings}

def reference(word_indices, embeddings):
    # nn.Embedding forward: gather rows of the table
    return jnp.take(embeddings, word_indices, axis=0)

if __name__ == "__main__":
    import jax
    _d = setup_inputs()
    print(jax.jit(kernel)(*tuple(_d.values())))

</pallas_src>

<mosaic_0001>
#map = affine_map<(d0, d1) -> (0, 0)>
#map1 = affine_map<(d0, d1) -> (0, 0, 0)>
module attributes {stable_mosaic.version = 14 : i64} {
  func.func @gather_kernel(%arg0: i32, %arg1: i32, %arg2: memref<50x16384xi32, #tpu.memory_space<hbm>>, %arg3: memref<1000000x128xf32, #tpu.memory_space<hbm>>, %arg4: memref<50x16384x128xf32, #tpu.memory_space<hbm>>, %arg5: memref<25600xi32, #tpu.memory_space<vmem>>, %arg6: memref<4x128x128xf32, #tpu.memory_space<vmem>>, %arg7: memref<!tpu.dma_semaphore, #tpu.memory_space<semaphore_mem>>, %arg8: memref<!tpu.dma_semaphore, #tpu.memory_space<semaphore_mem>>, %arg9: memref<!tpu.dma_semaphore, #tpu.memory_space<semaphore_mem>>, %arg10: memref<!tpu.dma_semaphore, #tpu.memory_space<semaphore_mem>>, %arg11: memref<!tpu.dma_semaphore, #tpu.memory_space<semaphore_mem>>, %arg12: memref<!tpu.dma_semaphore, #tpu.memory_space<semaphore_mem>>, %arg13: memref<!tpu.dma_semaphore, #tpu.memory_space<semaphore_mem>>, %arg14: memref<!tpu.dma_semaphore, #tpu.memory_space<semaphore_mem>>, %arg15: memref<!tpu.dma_semaphore, #tpu.memory_space<semaphore_mem>>) attributes {dimension_semantics = [#tpu.dimension_semantics<core_parallel>, #tpu.dimension_semantics<subcore_parallel>], iteration_bounds = array<i64: 2, 16>, scalar_prefetch = 0 : i64, scratch_operands = 11 : i64, tpu.core_type = #tpu.core_type<sc_vector_subcore>, window_params = [{transform_indices = #map}, {transform_indices = #map}, {transform_indices = #map1}]} {
    %mul3A = arith.constant 2 : i32
    %mul3A_0 = arith.muli %arg1, %mul3A : i32
    %add3A = arith.addi %mul3A_0, %arg0 : i32
    %mul3A_1 = arith.constant 512 : i32
    %mul3A_2 = arith.muli %add3A, %mul3A_1 : i32
    %dma_start3A = arith.constant 0 : i32
    %dma_start3A_3 = arith.constant 0 : i32
    %dma_start3A_4 = tpu.memref_slice %arg5[%dma_start3A_3] : memref<25600xi32, #tpu.memory_space<vmem>> -> memref<512xi32, #tpu.memory_space<vmem>>
    %dma_start3A_5 = tpu.memref_slice %arg2[%dma_start3A, %mul3A_2] : memref<50x16384xi32, #tpu.memory_space<hbm>> -> memref<1x512xi32, #tpu.memory_space<hbm>>
    %dma_start3A_6 = tpu.memref_squeeze %dma_start3A_5 : memref<1x512xi32, #tpu.memory_space<hbm>> -> memref<512xi32, #tpu.memory_space<hbm>>
    %dma_start3A_7 = arith.constant 0 : i32
    %dma_start3A_8 = tpu.memref_slice %arg5[%dma_start3A_7] : memref<25600xi32, #tpu.memory_space<vmem>> -> memref<512xi32, #tpu.memory_space<vmem>>
    %dma_start3A_9 = tpu.memref_slice %arg2[%dma_start3A, %mul3A_2] : memref<50x16384xi32, #tpu.memory_space<hbm>> -> memref<1x512xi32, #tpu.memory_space<hbm>>
    %dma_start3A_10 = tpu.memref_squeeze %dma_start3A_9 : memref<1x512xi32, #tpu.memory_space<hbm>> -> memref<512xi32, #tpu.memory_space<hbm>>
    tpu.enqueue_dma source(%dma_start3A_10 : memref<512xi32, #tpu.memory_space<hbm>>) target(%dma_start3A_8 : memref<512xi32, #tpu.memory_space<vmem>>) target_semaphore(%arg7 : memref<!tpu.dma_semaphore, #tpu.memory_space<semaphore_mem>>)
    %dma_start3A_11 = arith.constant 1 : i32
    %dma_start3A_12 = arith.constant 512 : i32
    %dma_start3A_13 = tpu.memref_slice %arg5[%dma_start3A_12] : memref<25600xi32, #tpu.memory_space<vmem>> -> memref<512xi32, #tpu.memory_space<vmem>>
    %dma_start3A_14 = tpu.memref_slice %arg2[%dma_start3A_11, %mul3A_2] : memref<50x16384xi32, #tpu.memory_space<hbm>> -> memref<1x512xi32, #tpu.memory_space<hbm>>
    %dma_start3A_15 = tpu.memref_squeeze %dma_start3A_14 : memref<1x512xi32, #tpu.memory_space<hbm>> -> memref<512xi32, #tpu.memory_space<hbm>>
    %dma_start3A_16 = arith.constant 512 : i32
    %dma_start3A_17 = tpu.memref_slice %arg5[%dma_start3A_16] : memref<25600xi32, #tpu.memory_space<vmem>> -> memref<512xi32, #tpu.memory_space<vmem>>
    %dma_start3A_18 = tpu.memref_slice %arg2[%dma_start3A_11, %mul3A_2] : memref<50x16384xi32, #tpu.memory_space<hbm>> -> memref<1x512xi32, #tpu.memory_space<hbm>>
    %dma_start3A_19 = tpu.memref_squeeze %dma_start3A_18 : memref<1x512xi32, #tpu.memory_space<hbm>> -> memref<512xi32, #tpu.memory_space<hbm>>
    tpu.enqueue_dma source(%dma_start3A_19 : memref<512xi32, #tpu.memory_space<hbm>>) target(%dma_start3A_17 : memref<512xi32, #tpu.memory_space<vmem>>) target_semaphore(%arg7 : memref<!tpu.dma_semaphore, #tpu.memory_space<semaphore_mem>>)
    %dma_start3A_20 = arith.constant 2 : i32
    %dma_start3A_21 = arith.constant 1024 : i32
    %dma_start3A_22 = tpu.memref_slice %arg5[%dma_start3A_21] : memref<25600xi32, #tpu.memory_space<vmem>> -> memref<512xi32, #tpu.memory_space<vmem>>
    %dma_start3A_23 = tpu.memref_slice %arg2[%dma_start3A_20, %mul3A_2] : memref<50x16384xi32, #tpu.memory_space<hbm>> -> memref<1x512xi32, #tpu.memory_space<hbm>>
    %dma_start3A_24 = tpu.memref_squeeze %dma_start3A_23 : memref<1x512xi32, #tpu.memory_space<hbm>> -> memref<512xi32, #tpu.memory_space<hbm>>
    %dma_start3A_25 = arith.constant 1024 : i32
    %dma_start3A_26 = tpu.memref_slice %arg5[%dma_start3A_25] : memref<25600xi32, #tpu.memory_space<vmem>> -> memref<512xi32, #tpu.memory_space<vmem>>
    %dma_start3A_27 = tpu.memref_slice %arg2[%dma_start3A_20, %mul3A_2] : memref<50x16384xi32, #tpu.memory_space<hbm>> -> memref<1x512xi32, #tpu.memory_space<hbm>>
    %dma_start3A_28 = tpu.memref_squeeze %dma_start3A_27 : memref<1x512xi32, #tpu.memory_space<hbm>> -> memref<512xi32, #tpu.memory_space<hbm>>
    tpu.enqueue_dma source(%dma_start3A_28 : memref<512xi32, #tpu.memory_space<hbm>>) target(%dma_start3A_26 : memref<512xi32, #tpu.memory_space<vmem>>) target_semaphore(%arg7 : memref<!tpu.dma_semaphore, #tpu.memory_space<semaphore_mem>>)
    %dma_start3A_29 = arith.constant 3 : i32
    %dma_start3A_30 = arith.constant 1536 : i32
    %dma_start3A_31 = tpu.memref_slice %arg5[%dma_start3A_30] : memref<25600xi32, #tpu.memory_space<vmem>> -> memref<512xi32, #tpu.memory_space<vmem>>
    %dma_start3A_32 = tpu.memref_slice %arg2[%dma_start3A_29, %mul3A_2] : memref<50x16384xi32, #tpu.memory_space<hbm>> -> memref<1x512xi32, #tpu.memory_space<hbm>>
    %dma_start3A_33 = tpu.memref_squeeze %dma_start3A_32 : memref<1x512xi32, #tpu.memory_space<hbm>> -> memref<512xi32, #tpu.memory_space<hbm>>
    %dma_start3A_34 = arith.constant 1536 : i32
    %dma_start3A_35 = tpu.memref_slice %arg5[%dma_start3A_34] : memref<25600xi32, #tpu.memory_space<vmem>> -> memref<512xi32, #tpu.memory_space<vmem>>
    %dma_start3A_36 = tpu.memref_slice %arg2[%dma_start3A_29, %mul3A_2] : memref<50x16384xi32, #tpu.memory_space<hbm>> -> memref<1x512xi32, #tpu.memory_space<hbm>>
    %dma_start3A_37 = tpu.memref_squeeze %dma_start3A_36 : memref<1x512xi32, #tpu.memory_space<hbm>> -> memref<512xi32, #tpu.memory_space<hbm>>
    tpu.enqueue_dma source(%dma_start3A_37 : memref<512xi32, #tpu.memory_space<hbm>>) target(%dma_start3A_35 : memref<512xi32, #tpu.memory_space<vmem>>) target_semaphore(%arg7 : memref<!tpu.dma_semaphore, #tpu.memory_space<semaphore_mem>>)
    %dma_start3A_38 = arith.constant 4 : i32
    %dma_start3A_39 = arith.constant 2048 : i32
    %dma_start3A_40 = tpu.memref_slice %arg5[%dma_start3A_39] : memref<25600xi32, #tpu.memory_space<vmem>> -> memref<512xi32, #tpu.memory_space<vmem>>
    %dma_start3A_41 = tpu.memref_slice %arg2[%dma_start3A_38, %mul3A_2] : memref<50x16384xi32, #tpu.memory_space<hbm>> -> memref<1x512xi32, #tpu.memory_space<hbm>>
    %dma_start3A_42 = tpu.memref_squeeze %dma_start3A_41 : memref<1x512xi32, #tpu.memory_space<hbm>> -> memref<512xi32, #tpu.memory_space<hbm>>
    %dma_start3A_43 = arith.constant 2048 : i32
    %dma_start3A_44 = tpu.memref_slice %arg5[%dma_start3A_43] : memref<25600xi32, #tpu.memory_space<vmem>> -> memref<512xi32, #tpu.memory_space<vmem>>
    %dma_start3A_45 = tpu.memref_slice %arg2[%dma_start3A_38, %mul3A_2] : memref<50x16384xi32, #tpu.memory_space<hbm>> -> memref<1x512xi32, #tpu.memory_space<hbm>>
    %dma_start3A_46 = tpu.memref_squeeze %dma_start3A_45 : memref<1x512xi32, #tpu.memory_space<hbm>> -> memref<512xi32, #tpu.memory_space<hbm>>
    tpu.enqueue_dma source(%dma_start3A_46 : memref<512xi32, #tpu.memory_space<hbm>>) target(%dma_start3A_44 : memref<512xi32, #tpu.memory_space<vmem>>) target_semaphore(%arg7 : memref<!tpu.dma_semaphore, #tpu.memory_space<semaphore_mem>>)
    %dma_start3A_47 = arith.constant 5 : i32
    %dma_start3A_48 = arith.constant 2560 : i32
    %dma_start3A_49 = tpu.memref_slice %arg5[%dma_start3A_48] : memref<25600xi32, #tpu.memory_space<vmem>> -> memref<512xi32, #tpu.memory_space<vmem>>
    %dma_start3A_50 = tpu.memref_slice %arg2[%dma_start3A_47, %mul3A_2] : memref<50x16384xi32, #tpu.memory_space<hbm>> -> memref<1x512xi32, #tpu.memory_space<hbm>>
    %dma_start3A_51 = tpu.memref_squeeze %dma_start3A_50 : memref<1x512xi32, #tpu.memory_space<hbm>> -> memref<512xi32, #tpu.memory_space<hbm>>
    %dma_start3A_52 = arith.constant 2560 : i32
    %dma_start3A_53 = tpu.memref_slice %arg5[%dma_start3A_52] : memref<25600xi32, #tpu.memory_space<vmem>> -> memref<512xi32, #tpu.memory_space<vmem>>
    %dma_start3A_54 = tpu.memref_slice %arg2[%dma_start3A_47, %mul3A_2] : memref<50x16384xi32, #tpu.memory_space<hbm>> -> memref<1x512xi32, #tpu.memory_space<hbm>>
    %dma_start3A_55 = tpu.memref_squeeze %dma_start3A_54 : memref<1x512xi32, #tpu.memory_space<hbm>> -> memref<512xi32, #tpu.memory_space<hbm>>
    tpu.enqueue_dma source(%dma_start3A_55 : memref<512xi32, #tpu.memory_space<hbm>>) target(%dma_start3A_53 : memref<512xi32, #tpu.memory_space<vmem>>) target_semaphore(%arg7 : memref<!tpu.dma_semaphore, #tpu.memory_space<semaphore_mem>>)
    %dma_start3A_56 = arith.constant 6 : i32
    %dma_start3A_57 = arith.constant 3072 : i32
    %dma_start3A_58 = tpu.memref_slice %arg5[%dma_start3A_57] : memref<25600xi32, #tpu.memory_space<vmem>> -> memref<512xi32, #tpu.memory_space<vmem>>
    %dma_start3A_59 = tpu.memref_slice %arg2[%dma_start3A_56, %mul3A_2] : memref<50x16384xi32, #tpu.memory_space<hbm>> -> memref<1x512xi32, #tpu.memory_space<hbm>>
    %dma_start3A_60 = tpu.memref_squeeze %dma_start3A_59 : memref<1x512xi32, #tpu.memory_space<hbm>> -> memref<512xi32, #tpu.memory_space<hbm>>
    %dma_start3A_61 = arith.constant 3072 : i32
    %dma_start3A_62 = tpu.memref_slice %arg5[%dma_start3A_61] : memref<25600xi32, #tpu.memory_space<vmem>> -> memref<512xi32, #tpu.memory_space<vmem>>
    %dma_start3A_63 = tpu.memref_slice %arg2[%dma_start3A_56, %mul3A_2] : memref<50x16384xi32, #tpu.memory_space<hbm>> -> memref<1x512xi32, #tpu.memory_space<hbm>>
    %dma_start3A_64 = tpu.memref_squeeze %dma_start3A_63 : memref<1x512xi32, #tpu.memory_space<hbm>> -> memref<512xi32, #tpu.memory_space<hbm>>
    tpu.enqueue_dma source(%dma_start3A_64 : memref<512xi32, #tpu.memory_space<hbm>>) target(%dma_start3A_62 : memref<512xi32, #tpu.memory_space<vmem>>) target_semaphore(%arg7 : memref<!tpu.dma_semaphore, #tpu.memory_space<semaphore_mem>>)
    %dma_start3A_65 = arith.constant 7 : i32
    %dma_start3A_66 = arith.constant 3584 : i32
    %dma_start3A_67 = tpu.memref_slice %arg5[%dma_start3A_66] : memref<25600xi32, #tpu.memory_space<vmem>> -> memref<512xi32, #tpu.memory_space<vmem>>
    %dma_start3A_68 = tpu.memref_slice %arg2[%dma_start3A_65, %mul3A_2] : memref<50x16384xi32, #tpu.memory_space<hbm>> -> memref<1x512xi32, #tpu.memory_space<hbm>>
    %dma_start3A_69 = tpu.memref_squeeze %dma_start3A_68 : memref<1x512xi32, #tpu.memory_space<hbm>> -> memref<512xi32, #tpu.memory_space<hbm>>
    %dma_start3A_70 = arith.constant 3584 : i32
    %dma_start3A_71 = tpu.memref_slice %arg5[%dma_start3A_70] : memref<25600xi32, #tpu.memory_space<vmem>> -> memref<512xi32, #tpu.memory_space<vmem>>
    %dma_start3A_72 = tpu.memref_slice %arg2[%dma_start3A_65, %mul3A_2] : memref<50x16384xi32, #tpu.memory_space<hbm>> -> memref<1x512xi32, #tpu.memory_space<hbm>>
    %dma_start3A_73 = tpu.memref_squeeze %dma_start3A_72 : memref<1x512xi32, #tpu.memory_space<hbm>> -> memref<512xi32, #tpu.memory_space<hbm>>
    tpu.enqueue_dma source(%dma_start3A_73 : memref<512xi32, #tpu.memory_space<hbm>>) target(%dma_start3A_71 : memref<512xi32, #tpu.memory_space<vmem>>) target_semaphore(%arg7 : memref<!tpu.dma_semaphore, #tpu.memory_space<semaphore_mem>>)
    %dma_start3A_74 = arith.constant 8 : i32
    %dma_start3A_75 = arith.constant 4096 : i32
    %dma_start3A_76 = tpu.memref_slice %arg5[%dma_start3A_75] : memref<25600xi32, #tpu.memory_space<vmem>> -> memref<512xi32, #tpu.memory_space<vmem>>
    %dma_start3A_77 = tpu.memref_slice %arg2[%dma_start3A_74, %mul3A_2] : memref<50x16384xi32, #tpu.memory_space<hbm>> -> memref<1x512xi32, #tpu.memory_space<hbm>>
    %dma_start3A_78 = tpu.memref_squeeze %dma_start3A_77 : memref<1x512xi32, #tpu.memory_space<hbm>> -> memref<512xi32, #tpu.memory_space<hbm>>
    %dma_start3A_79 = arith.constant 4096 : i32
    %dma_start3A_80 = tpu.memref_slice %arg5[%dma_start3A_79] : memref<25600xi32, #tpu.memory_space<vmem>> -> memref<512xi32, #tpu.memory_space<vmem>>
    %dma_start3A_81 = tpu.memref_slice %arg2[%dma_start3A_74, %mul3A_2] : memref<50x16384xi32, #tpu.memory_space<hbm>> -> memref<1x512xi32, #tpu.memory_space<hbm>>
    %dma_start3A_82 = tpu.memref_squeeze %dma_start3A_81 : memref<1x512xi32, #tpu.memory_space<hbm>> -> memref<512xi32, #tpu.memory_space<hbm>>
    tpu.enqueue_dma source(%dma_start3A_82 : memref<512xi32, #tpu.memory_space<hbm>>) target(%dma_start3A_80 : memref<512xi32, #tpu.memory_space<vmem>>) target_semaphore(%arg7 : memref<!tpu.dma_semaphore, #tpu.memory_space<semaphore_mem>>)
    %dma_start3A_83 = arith.constant 9 : i32
    %dma_start3A_84 = arith.constant 4608 : i32
    %dma_start3A_85 = tpu.memref_slice %arg5[%dma_start3A_84] : memref<25600xi32, #tpu.memory_space<vmem>> -> memref<512xi32, #tpu.memory_space<vmem>>
    %dma_start3A_86 = tpu.memref_slice %arg2[%dma_start3A_83, %mul3A_2] : memref<50x16384xi32, #tpu.memory_space<hbm>> -> memref<1x512xi32, #tpu.memory_space<hbm>>
    %dma_start3A_87 = tpu.memref_squeeze %dma_start3A_86 : memref<1x512xi32, #tpu.memory_space<hbm>> -> memref<512xi32, #tpu.memory_space<hbm>>
    %dma_start3A_88 = arith.constant 4608 : i32
    %dma_start3A_89 = tpu.memref_slice %arg5[%dma_start3A_88] : memref<25600xi32, #tpu.memory_space<vmem>> -> memref<512xi32, #tpu.memory_space<vmem>>
    %dma_start3A_90 = tpu.memref_slice %arg2[%dma_start3A_83, %mul3A_2] : memref<50x16384xi32, #tpu.memory_space<hbm>> -> memref<1x512xi32, #tpu.memory_space<hbm>>
    %dma_start3A_91 = tpu.memref_squeeze %dma_start3A_90 : memref<1x512xi32, #tpu.memory_space<hbm>> -> memref<512xi32, #tpu.memory_space<hbm>>
    tpu.enqueue_dma source(%dma_start3A_91 : memref<512xi32, #tpu.memory_space<hbm>>) target(%dma_start3A_89 : memref<512xi32, #tpu.memory_space<vmem>>) target_semaphore(%arg7 : memref<!tpu.dma_semaphore, #tpu.memory_space<semaphore_mem>>)
    %dma_start3A_92 = arith.constant 10 : i32
    %dma_start3A_93 = arith.constant 5120 : i32
    %dma_start3A_94 = tpu.memref_slice %arg5[%dma_start3A_93] : memref<25600xi32, #tpu.memory_space<vmem>> -> memref<512xi32, #tpu.memory_space<vmem>>
    %dma_start3A_95 = tpu.memref_slice %arg2[%dma_start3A_92, %mul3A_2] : memref<50x16384xi32, #tpu.memory_space<hbm>> -> memref<1x512xi32, #tpu.memory_space<hbm>>
    %dma_start3A_96 = tpu.memref_squeeze %dma_start3A_95 : memref<1x512xi32, #tpu.memory_space<hbm>> -> memref<512xi32, #tpu.memory_space<hbm>>
    %dma_start3A_97 = arith.constant 5120 : i32
    %dma_start3A_98 = tpu.memref_slice %arg5[%dma_start3A_97] : memref<25600xi32, #tpu.memory_space<vmem>> -> memref<512xi32, #tpu.memory_space<vmem>>
    %dma_start3A_99 = tpu.memref_slice %arg2[%dma_start3A_92, %mul3A_2] : memref<50x16384xi32, #tpu.memory_space<hbm>> -> memref<1x512xi32, #tpu.memory_space<hbm>>
    %dma_start3A_100 = tpu.memref_squeeze %dma_start3A_99 : memref<1x512xi32, #tpu.memory_space<hbm>> -> memref<512xi32, #tpu.memory_space<hbm>>
    tpu.enqueue_dma source(%dma_start3A_100 : memref<512xi32, #tpu.memory_space<hbm>>) target(%dma_start3A_98 : memref<512xi32, #tpu.memory_space<vmem>>) target_semaphore(%arg7 : memref<!tpu.dma_semaphore, #tpu.memory_space<semaphore_mem>>)
    %dma_start3A_101 = arith.constant 11 : i32
    %dma_start3A_102 = arith.constant 5632 : i32
    %dma_start3A_103 = tpu.memref_slice %arg5[%dma_start3A_102] : memref<25600xi32, #tpu.memory_space<vmem>> -> memref<512xi32, #tpu.memory_space<vmem>>
    %dma_start3A_104 = tpu.memref_slice %arg2[%dma_start3A_101, %mul3A_2] : memref<50x16384xi32, #tpu.memory_space<hbm>> -> memref<1x512xi32, #tpu.memory_space<hbm>>
    %dma_start3A_105 = tpu.memref_squeeze %dma_start3A_104 : memref<1x512xi32, #tpu.memory_space<hbm>> -> memref<512xi32, #tpu.memory_space<hbm>>
    %dma_start3A_106 = arith.constant 5632 : i32
    %dma_start3A_107 = tpu.memref_slice %arg5[%dma_start3A_106] : memref<25600xi32, #tpu.memory_space<vmem>> -> memref<512xi32, #tpu.memory_space<vmem>>
    %dma_start3A_108 = tpu.memref_slice %arg2[%dma_start3A_101, %mul3A_2] : memref<50x16384xi32, #tpu.memory_space<hbm>> -> memref<1x512xi32, #tpu.memory_space<hbm>>
    %dma_start3A_109 = tpu.memref_squeeze %dma_start3A_108 : memref<1x512xi32, #tpu.memory_space<hbm>> -> memref<512xi32, #tpu.memory_space<hbm>>
    tpu.enqueue_dma source(%dma_start3A_109 : memref<512xi32, #tpu.memory_space<hbm>>) target(%dma_start3A_107 : memref<512xi32, #tpu.memory_space<vmem>>) target_semaphore(%arg7 : memref<!tpu.dma_semaphore, #tpu.memory_space<semaphore_mem>>)
    %dma_start3A_110 = arith.constant 12 : i32
    %dma_start3A_111 = arith.constant 6144 : i32
    %dma_start3A_112 = tpu.memref_slice %arg5[%dma_start3A_111] : memref<25600xi32, #tpu.memory_space<vmem>> -> memref<512xi32, #tpu.memory_space<vmem>>
    %dma_start3A_113 = tpu.memref_slice %arg2[%dma_start3A_110, %mul3A_2] : memref<50x16384xi32, #tpu.memory_space<hbm>> -> memref<1x512xi32, #tpu.memory_space<hbm>>
    %dma_start3A_114 = tpu.memref_squeeze %dma_start3A_113 : memref<1x512xi32, #tpu.memory_space<hbm>> -> memref<512xi32, #tpu.memory_space<hbm>>
    %dma_start3A_115 = arith.constant 6144 : i32
    %dma_start3A_116 = tpu.memref_slice %arg5[%dma_start3A_115] : memref<25600xi32, #tpu.memory_space<vmem>> -> memref<512xi32, #tpu.memory_space<vmem>>
    %dma_start3A_117 = tpu.memref_slice %arg2[%dma_start3A_110, %mul3A_2] : memref<50x16384xi32, #tpu.memory_space<hbm>> -> memref<1x512xi32, #tpu.memory_space<hbm>>
    %dma_start3A_118 = tpu.memref_squeeze %dma_start3A_117 : memref<1x512xi32, #tpu.memory_space<hbm>> -> memref<512xi32, #tpu.memory_space<hbm>>
    tpu.enqueue_dma source(%dma_start3A_118 : memref<512xi32, #tpu.memory_space<hbm>>) target(%dma_start3A_116 : memref<512xi32, #tpu.memory_space<vmem>>) target_semaphore(%arg7 : memref<!tpu.dma_semaphore, #tpu.memory_space<semaphore_mem>>)
    %dma_start3A_119 = arith.constant 13 : i32
    %dma_start3A_120 = arith.constant 6656 : i32
    %dma_start3A_121 = tpu.memref_slice %arg5[%dma_start3A_120] : memref<25600xi32, #tpu.memory_space<vmem>> -> memref<512xi32, #tpu.memory_space<vmem>>
    %dma_start3A_122 = tpu.memref_slice %arg2[%dma_start3A_119, %mul3A_2] : memref<50x16384xi32, #tpu.memory_space<hbm>> -> memref<1x512xi32, #tpu.memory_space<hbm>>
    %dma_start3A_123 = tpu.memref_squeeze %dma_start3A_122 : memref<1x512xi32, #tpu.memory_space<hbm>> -> memref<512xi32, #tpu.memory_space<hbm>>
    %dma_start3A_124 = arith.constant 6656 : i32
    %dma_start3A_125 = tpu.memref_slice %arg5[%dma_start3A_124] : memref<25600xi32, #tpu.memory_space<vmem>> -> memref<512xi32, #tpu.memory_space<vmem>>
    %dma_start3A_126 = tpu.memref_slice %arg2[%dma_start3A_119, %mul3A_2] : memref<50x16384xi32, #tpu.memory_space<hbm>> -> memref<1x512xi32, #tpu.memory_space<hbm>>
    %dma_start3A_127 = tpu.memref_squeeze %dma_start3A_126 : memref<1x512xi32, #tpu.memory_space<hbm>> -> memref<512xi32, #tpu.memory_space<hbm>>
    tpu.enqueue_dma source(%dma_start3A_127 : memref<512xi32, #tpu.memory_space<hbm>>) target(%dma_start3A_125 : memref<512xi32, #tpu.memory_space<vmem>>) target_semaphore(%arg7 : memref<!tpu.dma_semaphore, #tpu.memory_space<semaphore_mem>>)
    %dma_start3A_128 = arith.constant 14 : i32
    %dma_start3A_129 = arith.constant 7168 : i32
    %dma_start3A_130 = tpu.memref_slice %arg5[%dma_start3A_129] : memref<25600xi32, #tpu.memory_space<vmem>> -> memref<512xi32, #tpu.memory_space<vmem>>
    %dma_start3A_131 = tpu.memref_slice %arg2[%dma_start3A_128, %mul3A_2] : memref<50x16384xi32, #tpu.memory_space<hbm>> -> memref<1x512xi32, #tpu.memory_space<hbm>>
    %dma_start3A_132 = tpu.memref_squeeze %dma_start3A_131 : memref<1x512xi32, #tpu.memory_space<hbm>> -> memref<512xi32, #tpu.memory_space<hbm>>
    %dma_start3A_133 = arith.constant 7168 : i32
    %dma_start3A_134 = tpu.memref_slice %arg5[%dma_start3A_133] : memref<25600xi32, #tpu.memory_space<vmem>> -> memref<512xi32, #tpu.memory_space<vmem>>
    %dma_start3A_135 = tpu.memref_slice %arg2[%dma_start3A_128, %mul3A_2] : memref<50x16384xi32, #tpu.memory_space<hbm>> -> memref<1x512xi32, #tpu.memory_space<hbm>>
    %dma_start3A_136 = tpu.memref_squeeze %dma_start3A_135 : memref<1x512xi32, #tpu.memory_space<hbm>> -> memref<512xi32, #tpu.memory_space<hbm>>
    tpu.enqueue_dma source(%dma_start3A_136 : memref<512xi32, #tpu.memory_space<hbm>>) target(%dma_start3A_134 : memref<512xi32, #tpu.memory_space<vmem>>) target_semaphore(%arg7 : memref<!tpu.dma_semaphore, #tpu.memory_space<semaphore_mem>>)
    %dma_start3A_137 = arith.constant 15 : i32
    %dma_start3A_138 = arith.constant 7680 : i32
    %dma_start3A_139 = tpu.memref_slice %arg5[%dma_start3A_138] : memref<25600xi32, #tpu.memory_space<vmem>> -> memref<512xi32, #tpu.memory_space<vmem>>
    %dma_start3A_140 = tpu.memref_slice %arg2[%dma_start3A_137, %mul3A_2] : memref<50x16384xi32, #tpu.memory_space<hbm>> -> memref<1x512xi32, #tpu.memory_space<hbm>>
    %dma_start3A_141 = tpu.memref_squeeze %dma_start3A_140 : memref<1x512xi32, #tpu.memory_space<hbm>> -> memref<512xi32, #tpu.memory_space<hbm>>
    %dma_start3A_142 = arith.constant 7680 : i32
    %dma_start3A_143 = tpu.memref_slice %arg5[%dma_start3A_142] : memref<25600xi32, #tpu.memory_space<vmem>> -> memref<512xi32, #tpu.memory_space<vmem>>
    %dma_start3A_144 = tpu.memref_slice %arg2[%dma_start3A_137, %mul3A_2] : memref<50x16384xi32, #tpu.memory_space<hbm>> -> memref<1x512xi32, #tpu.memory_space<hbm>>
    %dma_start3A_145 = tpu.memref_squeeze %dma_start3A_144 : memref<1x512xi32, #tpu.memory_space<hbm>> -> memref<512xi32, #tpu.memory_space<hbm>>
    tpu.enqueue_dma source(%dma_start3A_145 : memref<512xi32, #tpu.memory_space<hbm>>) target(%dma_start3A_143 : memref<512xi32, #tpu.memory_space<vmem>>) target_semaphore(%arg7 : memref<!tpu.dma_semaphore, #tpu.memory_space<semaphore_mem>>)
    %dma_start3A_146 = arith.constant 16 : i32
    %dma_start3A_147 = arith.constant 8192 : i32
    %dma_start3A_148 = tpu.memref_slice %arg5[%dma_start3A_147] : memref<25600xi32, #tpu.memory_space<vmem>> -> memref<512xi32, #tpu.memory_space<vmem>>
    %dma_start3A_149 = tpu.memref_slice %arg2[%dma_start3A_146, %mul3A_2] : memref<50x16384xi32, #tpu.memory_space<hbm>> -> memref<1x512xi32, #tpu.memory_space<hbm>>
    %dma_start3A_150 = tpu.memref_squeeze %dma_start3A_149 : memref<1x512xi32, #tpu.memory_space<hbm>> -> memref<512xi32, #tpu.memory_space<hbm>>
    %dma_start3A_151 = arith.constant 8192 : i32
    %dma_start3A_152 = tpu.memref_slice %arg5[%dma_start3A_151] : memref<25600xi32, #tpu.memory_space<vmem>> -> memref<512xi32, #tpu.memory_space<vmem>>
    %dma_start3A_153 = tpu.memref_slice %arg2[%dma_start3A_146, %mul3A_2] : memref<50x16384xi32, #tpu.memory_space<hbm>> -> memref<1x512xi32, #tpu.memory_space<hbm>>
    %dma_start3A_154 = tpu.memref_squeeze %dma_start3A_153 : memref<1x512xi32, #tpu.memory_space<hbm>> -> memref<512xi32, #tpu.memory_space<hbm>>
    tpu.enqueue_dma source(%dma_start3A_154 : memref<512xi32, #tpu.memory_space<hbm>>) target(%dma_start3A_152 : memref<512xi32, #tpu.memory_space<vmem>>) target_semaphore(%arg7 : memref<!tpu.dma_semaphore, #tpu.memory_space<semaphore_mem>>)
    %dma_start3A_155 = arith.constant 17 : i32
    %dma_start3A_156 = arith.constant 8704 : i32
    %dma_start3A_157 = tpu.memref_slice %arg5[%dma_start3A_156] : memref<25600xi32, #tpu.memory_space<vmem>> -> memref<512xi32, #tpu.memory_space<vmem>>
    %dma_start3A_158 = tpu.memref_slice %arg2[%dma_start3A_155, %mul3A_2] : memref<50x16384xi32, #tpu.memory_space<hbm>> -> memref<1x512xi32, #tpu.memory_space<hbm>>
    %dma_start3A_159 = tpu.memref_squeeze %dma_start3A_158 : memref<1x512xi32, #tpu.memory_space<hbm>> -> memref<512xi32, #tpu.memory_space<hbm>>
    %dma_start3A_160 = arith.constant 8704 : i32
    %dma_start3A_161 = tpu.memref_slice %arg5[%dma_start3A_160] : memref<25600xi32, #tpu.memory_space<vmem>> -> memref<512xi32, #tpu.memory_space<vmem>>
    %dma_start3A_162 = tpu.memref_slice %arg2[%dma_start3A_155, %mul3A_2] : memref<50x16384xi32, #tpu.memory_space<hbm>> -> memref<1x512xi32, #tpu.memory_space<hbm>>
    %dma_start3A_163 = tpu.memref_squeeze %dma_start3A_162 : memref<1x512xi32, #tpu.memory_space<hbm>> -> memref<512xi32, #tpu.memory_space<hbm>>
    tpu.enqueue_dma source(%dma_start3A_163 : memref<512xi32, #tpu.memory_space<hbm>>) target(%dma_start3A_161 : memref<512xi32, #tpu.memory_space<vmem>>) target_semaphore(%arg7 : memref<!tpu.dma_semaphore, #tpu.memory_space<semaphore_mem>>)
    %dma_start3A_164 = arith.constant 18 : i32
    %dma_start3A_165 = arith.constant 9216 : i32
    %dma_start3A_166 = tpu.memref_slice %arg5[%dma_start3A_165] : memref<25600xi32, #tpu.memory_space<vmem>> -> memref<512xi32, #tpu.memory_space<vmem>>
    %dma_start3A_167 = tpu.memref_slice %arg2[%dma_start3A_164, %mul3A_2] : memref<50x16384xi32, #tpu.memory_space<hbm>> -> memref<1x512xi32, #tpu.memory_space<hbm>>
    %dma_start3A_168 = tpu.memref_squeeze %dma_start3A_167 : memref<1x512xi32, #tpu.memory_space<hbm>> -> memref<512xi32, #tpu.memory_space<hbm>>
    %dma_start3A_169 = arith.constant 9216 : i32
    %dma_start3A_170 = tpu.memref_slice %arg5[%dma_start3A_169] : memref<25600xi32, #tpu.memory_space<vmem>> -> memref<512xi32, #tpu.memory_space<vmem>>
    %dma_start3A_171 = tpu.memref_slice %arg2[%dma_start3A_164, %mul3A_2] : memref<50x16384xi32, #tpu.memory_space<hbm>> -> memref<1x512xi32, #tpu.memory_space<hbm>>
    %dma_start3A_172 = tpu.memref_squeeze %dma_start3A_171 : memref<1x512xi32, #tpu.memory_space<hbm>> -> memref<512xi32, #tpu.memory_space<hbm>>
    tpu.enqueue_dma source(%dma_start3A_172 : memref<512xi32, #tpu.memory_space<hbm>>) target(%dma_start3A_170 : memref<512xi32, #tpu.memory_space<vmem>>) target_semaphore(%arg7 : memref<!tpu.dma_semaphore, #tpu.memory_space<semaphore_mem>>)
    %dma_start3A_173 = arith.constant 19 : i32
    %dma_start3A_174 = arith.constant 9728 : i32
    %dma_start3A_175 = tpu.memref_slice %arg5[%dma_start3A_174] : memref<25600xi32, #tpu.memory_space<vmem>> -> memref<512xi32, #tpu.memory_space<vmem>>
    %dma_start3A_176 = tpu.memref_slice %arg2[%dma_start3A_173, %mul3A_2] : memref<50x16384xi32, #tpu.memory_space<hbm>> -> memref<1x512xi32, #tpu.memory_space<hbm>>
    %dma_start3A_177 = tpu.memref_squeeze %dma_start3A_176 : memref<1x512xi32, #tpu.memory_space<hbm>> -> memref<512xi32, #tpu.memory_space<hbm>>
    %dma_start3A_178 = arith.constant 9728 : i32
    %dma_start3A_179 = tpu.memref_slice %arg5[%dma_start3A_178] : memref<25600xi32, #tpu.memory_space<vmem>> -> memref<512xi32, #tpu.memory_space<vmem>>
    %dma_start3A_180 = tpu.memref_slice %arg2[%dma_start3A_173, %mul3A_2] : memref<50x16384xi32, #tpu.memory_space<hbm>> -> memref<1x512xi32, #tpu.memory_space<hbm>>
    %dma_start3A_181 = tpu.memref_squeeze %dma_start3A_180 : memref<1x512xi32, #tpu.memory_space<hbm>> -> memref<512xi32, #tpu.memory_space<hbm>>
    tpu.enqueue_dma source(%dma_start3A_181 : memref<512xi32, #tpu.memory_space<hbm>>) target(%dma_start3A_179 : memref<512xi32, #tpu.memory_space<vmem>>) target_semaphore(%arg7 : memref<!tpu.dma_semaphore, #tpu.memory_space<semaphore_mem>>)
    %dma_start3A_182 = arith.constant 20 : i32
    %dma_start3A_183 = arith.constant 10240 : i32
    %dma_start3A_184 = tpu.memref_slice %arg5[%dma_start3A_183] : memref<25600xi32, #tpu.memory_space<vmem>> -> memref<512xi32, #tpu.memory_space<vmem>>
    %dma_start3A_185 = tpu.memref_slice %arg2[%dma_start3A_182, %mul3A_2] : memref<50x16384xi32, #tpu.memory_space<hbm>> -> memref<1x512xi32, #tpu.memory_space<hbm>>
    %dma_start3A_186 = tpu.memref_squeeze %dma_start3A_185 : memref<1x512xi32, #tpu.memory_space<hbm>> -> memref<512xi32, #tpu.memory_space<hbm>>
    %dma_start3A_187 = arith.constant 10240 : i32
    %dma_start3A_188 = tpu.memref_slice %arg5[%dma_start3A_187] : memref<25600xi32, #tpu.memory_space<vmem>> -> memref<512xi32, #tpu.memory_space<vmem>>
    %dma_start3A_189 = tpu.memref_slice %arg2[%dma_start3A_182, %mul3A_2] : memref<50x16384xi32, #tpu.memory_space<hbm>> -> memref<1x512xi32, #tpu.memory_space<hbm>>
    %dma_start3A_190 = tpu.memref_squeeze %dma_start3A_189 : memref<1x512xi32, #tpu.memory_space<hbm>> -> memref<512xi32, #tpu.memory_space<hbm>>
    tpu.enqueue_dma source(%dma_start3A_190 : memref<512xi32, #tpu.memory_space<hbm>>) target(%dma_start3A_188 : memref<512xi32, #tpu.memory_space<vmem>>) target_semaphore(%arg7 : memref<!tpu.dma_semaphore, #tpu.memory_space<semaphore_mem>>)
    %dma_start3A_191 = arith.constant 21 : i32
    %dma_start3A_192 = arith.constant 10752 : i32
    %dma_start3A_193 = tpu.memref_slice %arg5[%dma_start3A_192] : memref<25600xi32, #tpu.memory_space<vmem>> -> memref<512xi32, #tpu.memory_space<vmem>>
    %dma_start3A_194 = tpu.memref_slice %arg2[%dma_start3A_191, %mul3A_2] : memref<50x16384xi32, #tpu.memory_space<hbm>> -> memref<1x512xi32, #tpu.memory_space<hbm>>
    %dma_start3A_195 = tpu.memref_squeeze %dma_start3A_194 : memref<1x512xi32, #tpu.memory_space<hbm>> -> memref<512xi32, #tpu.memory_space<hbm>>
    %dma_start3A_196 = arith.constant 10752 : i32
    %dma_start3A_197 = tpu.memref_slice %arg5[%dma_start3A_196] : memref<25600xi32, #tpu.memory_space<vmem>> -> memref<512xi32, #tpu.memory_space<vmem>>
    %dma_start3A_198 = tpu.memref_slice %arg2[%dma_start3A_191, %mul3A_2] : memref<50x16384xi32, #tpu.memory_space<hbm>> -> memref<1x512xi32, #tpu.memory_space<hbm>>
    %dma_start3A_199 = tpu.memref_squeeze %dma_start3A_198 : memref<1x512xi32, #tpu.memory_space<hbm>> -> memref<512xi32, #tpu.memory_space<hbm>>
    tpu.enqueue_dma source(%dma_start3A_199 : memref<512xi32, #tpu.memory_space<hbm>>) target(%dma_start3A_197 : memref<512xi32, #tpu.memory_space<vmem>>) target_semaphore(%arg7 : memref<!tpu.dma_semaphore, #tpu.memory_space<semaphore_mem>>)
    %dma_start3A_200 = arith.constant 22 : i32
    %dma_start3A_201 = arith.constant 11264 : i32
    %dma_start3A_202 = tpu.memref_slice %arg5[%dma_start3A_201] : memref<25600xi32, #tpu.memory_space<vmem>> -> memref<512xi32, #tpu.memory_space<vmem>>
    %dma_start3A_203 = tpu.memref_slice %arg2[%dma_start3A_200, %mul3A_2] : memref<50x16384xi32, #tpu.memory_space<hbm>> -> memref<1x512xi32, #tpu.memory_space<hbm>>
    %dma_start3A_204 = tpu.memref_squeeze %dma_start3A_203 : memref<1x512xi32, #tpu.memory_space<hbm>> -> memref<512xi32, #tpu.memory_space<hbm>>
    %dma_start3A_205 = arith.constant 11264 : i32
    %dma_start3A_206 = tpu.memref_slice %arg5[%dma_start3A_205] : memref<25600xi32, #tpu.memory_space<vmem>> -> memref<512xi32, #tpu.memory_space<vmem>>
    %dma_start3A_207 = tpu.memref_slice %arg2[%dma_start3A_200, %mul3A_2] : memref<50x16384xi32, #tpu.memory_space<hbm>> -> memref<1x512xi32, #tpu.memory_space<hbm>>
    %dma_start3A_208 = tpu.memref_squeeze %dma_start3A_207 : memref<1x512xi32, #tpu.memory_space<hbm>> -> memref<512xi32, #tpu.memory_space<hbm>>
    tpu.enqueue_dma source(%dma_start3A_208 : memref<512xi32, #tpu.memory_space<hbm>>) target(%dma_start3A_206 : memref<512xi32, #tpu.memory_space<vmem>>) target_semaphore(%arg7 : memref<!tpu.dma_semaphore, #tpu.memory_space<semaphore_mem>>)
    %dma_start3A_209 = arith.constant 23 : i32
    %dma_start3A_210 = arith.constant 11776 : i32
    %dma_start3A_211 = tpu.memref_slice %arg5[%dma_start3A_210] : memref<25600xi32, #tpu.memory_space<vmem>> -> memref<512xi32, #tpu.memory_space<vmem>>
    %dma_start3A_212 = tpu.memref_slice %arg2[%dma_start3A_209, %mul3A_2] : memref<50x16384xi32, #tpu.memory_space<hbm>> -> memref<1x512xi32, #tpu.memory_space<hbm>>
    %dma_start3A_213 = tpu.memref_squeeze %dma_start3A_212 : memref<1x512xi32, #tpu.memory_space<hbm>> -> memref<512xi32, #tpu.memory_space<hbm>>
    %dma_start3A_214 = arith.constant 11776 : i32
    %dma_start3A_215 = tpu.memref_slice %arg5[%dma_start3A_214] : memref<25600xi32, #tpu.memory_space<vmem>> -> memref<512xi32, #tpu.memory_space<vmem>>
    %dma_start3A_216 = tpu.memref_slice %arg2[%dma_start3A_209, %mul3A_2] : memref<50x16384xi32, #tpu.memory_space<hbm>> -> memref<1x512xi32, #tpu.memory_space<hbm>>
    %dma_start3A_217 = tpu.memref_squeeze %dma_start3A_216 : memref<1x512xi32, #tpu.memory_space<hbm>> -> memref<512xi32, #tpu.memory_space<hbm>>
    tpu.enqueue_dma source(%dma_start3A_217 : memref<512xi32, #tpu.memory_space<hbm>>) target(%dma_start3A_215 : memref<512xi32, #tpu.memory_space<vmem>>) target_semaphore(%arg7 : memref<!tpu.dma_semaphore, #tpu.memory_space<semaphore_mem>>)
    %dma_start3A_218 = arith.constant 24 : i32
    %dma_start3A_219 = arith.constant 12288 : i32
    %dma_start3A_220 = tpu.memref_slice %arg5[%dma_start3A_219] : memref<25600xi32, #tpu.memory_space<vmem>> -> memref<512xi32, #tpu.memory_space<vmem>>
    %dma_start3A_221 = tpu.memref_slice %arg2[%dma_start3A_218, %mul3A_2] : memref<50x16384xi32, #tpu.memory_space<hbm>> -> memref<1x512xi32, #tpu.memory_space<hbm>>
    %dma_start3A_222 = tpu.memref_squeeze %dma_start3A_221 : memref<1x512xi32, #tpu.memory_space<hbm>> -> memref<512xi32, #tpu.memory_space<hbm>>
    %dma_start3A_223 = arith.constant 12288 : i32
    %dma_start3A_224 = tpu.memref_slice %arg5[%dma_start3A_223] : memref<25600xi32, #tpu.memory_space<vmem>> -> memref<512xi32, #tpu.memory_space<vmem>>
    %dma_start3A_225 = tpu.memref_slice %arg2[%dma_start3A_218, %mul3A_2] : memref<50x16384xi32, #tpu.memory_space<hbm>> -> memref<1x512xi32, #tpu.memory_space<hbm>>
    %dma_start3A_226 = tpu.memref_squeeze %dma_start3A_225 : memref<1x512xi32, #tpu.memory_space<hbm>> -> memref<512xi32, #tpu.memory_space<hbm>>
    tpu.enqueue_dma source(%dma_start3A_226 : memref<512xi32, #tpu.memory_space<hbm>>) target(%dma_start3A_224 : memref<512xi32, #tpu.memory_space<vmem>>) target_semaphore(%arg7 : memref<!tpu.dma_semaphore, #tpu.memory_space<semaphore_mem>>)
    %dma_start3A_227 = arith.constant 25 : i32
    %dma_start3A_228 = arith.constant 12800 : i32
    %dma_start3A_229 = tpu.memref_slice %arg5[%dma_start3A_228] : memref<25600xi32, #tpu.memory_space<vmem>> -> memref<512xi32, #tpu.memory_space<vmem>>
    %dma_start3A_230 = tpu.memref_slice %arg2[%dma_start3A_227, %mul3A_2] : memref<50x16384xi32, #tpu.memory_space<hbm>> -> memref<1x512xi32, #tpu.memory_space<hbm>>
    %dma_start3A_231 = tpu.memref_squeeze %dma_start3A_230 : memref<1x512xi32, #tpu.memory_space<hbm>> -> memref<512xi32, #tpu.memory_space<hbm>>
    %dma_start3A_232 = arith.constant 12800 : i32
    %dma_start3A_233 = tpu.memref_slice %arg5[%dma_start3A_232] : memref<25600xi32, #tpu.memory_space<vmem>> -> memref<512xi32, #tpu.memory_space<vmem>>
    %dma_start3A_234 = tpu.memref_slice %arg2[%dma_start3A_227, %mul3A_2] : memref<50x16384xi32, #tpu.memory_space<hbm>> -> memref<1x512xi32, #tpu.memory_space<hbm>>
    %dma_start3A_235 = tpu.memref_squeeze %dma_start3A_234 : memref<1x512xi32, #tpu.memory_space<hbm>> -> memref<512xi32, #tpu.memory_space<hbm>>
    tpu.enqueue_dma source(%dma_start3A_235 : memref<512xi32, #tpu.memory_space<hbm>>) target(%dma_start3A_233 : memref<512xi32, #tpu.memory_space<vmem>>) target_semaphore(%arg7 : memref<!tpu.dma_semaphore, #tpu.memory_space<semaphore_mem>>)
    %dma_start3A_236 = arith.constant 26 : i32
    %dma_start3A_237 = arith.constant 13312 : i32
    %dma_start3A_238 = tpu.memref_slice %arg5[%dma_start3A_237] : memref<25600xi32, #tpu.memory_space<vmem>> -> memref<512xi32, #tpu.memory_space<vmem>>
    %dma_start3A_239 = tpu.memref_slice %arg2[%dma_start3A_236, %mul3A_2] : memref<50x16384xi32, #tpu.memory_space<hbm>> -> memref<1x512xi32, #tpu.memory_space<hbm>>
    %dma_start3A_240 = tpu.memref_squeeze %dma_start3A_239 : memref<1x512xi32, #tpu.memory_space<hbm>> -> memref<512xi32, #tpu.memory_space<hbm>>
    %dma_start3A_241 = arith.constant 13312 : i32
    %dma_start3A_242 = tpu.memref_slice %arg5[%dma_start3A_241] : memref<25600xi32, #tpu.memory_space<vmem>> -> memref<512xi32, #tpu.memory_space<vmem>>
    %dma_start3A_243 = tpu.memref_slice %arg2[%dma_start3A_236, %mul3A_2] : memref<50x16384xi32, #tpu.memory_space<hbm>> -> memref<1x512xi32, #tpu.memory_space<hbm>>
    %dma_start3A_244 = tpu.memref_squeeze %dma_start3A_243 : memref<1x512xi32, #tpu.memory_space<hbm>> -> memref<512xi32, #tpu.memory_space<hbm>>
    tpu.enqueue_dma source(%dma_start3A_244 : memref<512xi32, #tpu.memory_space<hbm>>) target(%dma_start3A_242 : memref<512xi32, #tpu.memory_space<vmem>>) target_semaphore(%arg7 : memref<!tpu.dma_semaphore, #tpu.memory_space<semaphore_mem>>)
    %dma_start3A_245 = arith.constant 27 : i32
    %dma_start3A_246 = arith.constant 13824 : i32
    %dma_start3A_247 = tpu.memref_slice %arg5[%dma_start3A_246] : memref<25600xi32, #tpu.memory_space<vmem>> -> memref<512xi32, #tpu.memory_space<vmem>>
    %dma_start3A_248 = tpu.memref_slice %arg2[%dma_start3A_245, %mul3A_2] : memref<50x16384xi32, #tpu.memory_space<hbm>> -> memref<1x512xi32, #tpu.memory_space<hbm>>
    %dma_start3A_249 = tpu.memref_squeeze %dma_start3A_248 : memref<1x512xi32, #tpu.memory_space<hbm>> -> memref<512xi32, #tpu.memory_space<hbm>>
    %dma_start3A_250 = arith.constant 13824 : i32
    %dma_start3A_251 = tpu.memref_slice %arg5[%dma_start3A_250] : memref<25600xi32, #tpu.memory_space<vmem>> -> memref<512xi32, #tpu.memory_space<vmem>>
    %dma_start3A_252 = tpu.memref_slice %arg2[%dma_start3A_245, %mul3A_2] : memref<50x16384xi32, #tpu.memory_space<hbm>> -> memref<1x512xi32, #tpu.memory_space<hbm>>
    %dma_start3A_253 = tpu.memref_squeeze %dma_start3A_252 : memref<1x512xi32, #tpu.memory_space<hbm>> -> memref<512xi32, #tpu.memory_space<hbm>>
    tpu.enqueue_dma source(%dma_start3A_253 : memref<512xi32, #tpu.memory_space<hbm>>) target(%dma_start3A_251 : memref<512xi32, #tpu.memory_space<vmem>>) target_semaphore(%arg7 : memref<!tpu.dma_semaphore, #tpu.memory_space<semaphore_mem>>)
    %dma_start3A_254 = arith.constant 28 : i32
    %dma_start3A_255 = arith.constant 14336 : i32
    %dma_start3A_256 = tpu.memref_slice %arg5[%dma_start3A_255] : memref<25600xi32, #tpu.memory_space<vmem>> -> memref<512xi32, #tpu.memory_space<vmem>>
    %dma_start3A_257 = tpu.memref_slice %arg2[%dma_start3A_254, %mul3A_2] : memref<50x16384xi32, #tpu.memory_space<hbm>> -> memref<1x512xi32, #tpu.memory_space<hbm>>
    %dma_start3A_258 = tpu.memref_squeeze %dma_start3A_257 : memref<1x512xi32, #tpu.memory_space<hbm>> -> memref<512xi32, #tpu.memory_space<hbm>>
    %dma_start3A_259 = arith.constant 14336 : i32
    %dma_start3A_260 = tpu.memref_slice %arg5[%dma_start3A_259] : memref<25600xi32, #tpu.memory_space<vmem>> -> memref<512xi32, #tpu.memory_space<vmem>>
    %dma_start3A_261 = tpu.memref_slice %arg2[%dma_start3A_254, %mul3A_2] : memref<50x16384xi32, #tpu.memory_space<hbm>> -> memref<1x512xi32, #tpu.memory_space<hbm>>
    %dma_start3A_262 = tpu.memref_squeeze %dma_start3A_261 : memref<1x512xi32, #tpu.memory_space<hbm>> -> memref<512xi32, #tpu.memory_space<hbm>>
    tpu.enqueue_dma source(%dma_start3A_262 : memref<512xi32, #tpu.memory_space<hbm>>) target(%dma_start3A_260 : memref<512xi32, #tpu.memory_space<vmem>>) target_semaphore(%arg7 : memref<!tpu.dma_semaphore, #tpu.memory_space<semaphore_mem>>)
    %dma_start3A_263 = arith.constant 29 : i32
    %dma_start3A_264 = arith.constant 14848 : i32
    %dma_start3A_265 = tpu.memref_slice %arg5[%dma_start3A_264] : memref<25600xi32, #tpu.memory_space<vmem>> -> memref<512xi32, #tpu.memory_space<vmem>>
    %dma_start3A_266 = tpu.memref_slice %arg2[%dma_start3A_263, %mul3A_2] : memref<50x16384xi32, #tpu.memory_space<hbm>> -> memref<1x512xi32, #tpu.memory_space<hbm>>
    %dma_start3A_267 = tpu.memref_squeeze %dma_start3A_266 : memref<1x512xi32, #tpu.memory_space<hbm>> -> memref<512xi32, #tpu.memory_space<hbm>>
    %dma_start3A_268 = arith.constant 14848 : i32
    %dma_start3A_269 = tpu.memref_slice %arg5[%dma_start3A_268] : memref<25600xi32, #tpu.memory_space<vmem>> -> memref<512xi32, #tpu.memory_space<vmem>>
    %dma_start3A_270 = tpu.memref_slice %arg2[%dma_start3A_263, %mul3A_2] : memref<50x16384xi32, #tpu.memory_space<hbm>> -> memref<1x512xi32, #tpu.memory_space<hbm>>
    %dma_start3A_271 = tpu.memref_squeeze %dma_start3A_270 : memref<1x512xi32, #tpu.memory_space<hbm>> -> memref<512xi32, #tpu.memory_space<hbm>>
    tpu.enqueue_dma source(%dma_start3A_271 : memref<512xi32, #tpu.memory_space<hbm>>) target(%dma_start3A_269 : memref<512xi32, #tpu.memory_space<vmem>>) target_semaphore(%arg7 : memref<!tpu.dma_semaphore, #tpu.memory_space<semaphore_mem>>)
    %dma_start3A_272 = arith.constant 30 : i32
    %dma_start3A_273 = arith.constant 15360 : i32
    %dma_start3A_274 = tpu.memref_slice %arg5[%dma_start3A_273] : memref<25600xi32, #tpu.memory_space<vmem>> -> memref<512xi32, #tpu.memory_space<vmem>>
    %dma_start3A_275 = tpu.memref_slice %arg2[%dma_start3A_272, %mul3A_2] : memref<50x16384xi32, #tpu.memory_space<hbm>> -> memref<1x512xi32, #tpu.memory_space<hbm>>
    %dma_start3A_276 = tpu.memref_squeeze %dma_start3A_275 : memref<1x512xi32, #tpu.memory_space<hbm>> -> memref<512xi32, #tpu.memory_space<hbm>>
    %dma_start3A_277 = arith.constant 15360 : i32
    %dma_start3A_278 = tpu.memref_slice %arg5[%dma_start3A_277] : memref<25600xi32, #tpu.memory_space<vmem>> -> memref<512xi32, #tpu.memory_space<vmem>>
    %dma_start3A_279 = tpu.memref_slice %arg2[%dma_start3A_272, %mul3A_2] : memref<50x16384xi32, #tpu.memory_space<hbm>> -> memref<1x512xi32, #tpu.memory_space<hbm>>
    %dma_start3A_280 = tpu.memref_squeeze %dma_start3A_279 : memref<1x512xi32, #tpu.memory_space<hbm>> -> memref<512xi32, #tpu.memory_space<hbm>>
    tpu.enqueue_dma source(%dma_start3A_280 : memref<512xi32, #tpu.memory_space<hbm>>) target(%dma_start3A_278 : memref<512xi32, #tpu.memory_space<vmem>>) target_semaphore(%arg7 : memref<!tpu.dma_semaphore, #tpu.memory_space<semaphore_mem>>)
    %dma_start3A_281 = arith.constant 31 : i32
    %dma_start3A_282 = arith.constant 15872 : i32
    %dma_start3A_283 = tpu.memref_slice %arg5[%dma_start3A_282] : memref<25600xi32, #tpu.memory_space<vmem>> -> memref<512xi32, #tpu.memory_space<vmem>>
    %dma_start3A_284 = tpu.memref_slice %arg2[%dma_start3A_281, %mul3A_2] : memref<50x16384xi32, #tpu.memory_space<hbm>> -> memref<1x512xi32, #tpu.memory_space<hbm>>
    %dma_start3A_285 = tpu.memref_squeeze %dma_start3A_284 : memref<1x512xi32, #tpu.memory_space<hbm>> -> memref<512xi32, #tpu.memory_space<hbm>>
    %dma_start3A_286 = arith.constant 15872 : i32
    %dma_start3A_287 = tpu.memref_slice %arg5[%dma_start3A_286] : memref<25600xi32, #tpu.memory_space<vmem>> -> memref<512xi32, #tpu.memory_space<vmem>>
    %dma_start3A_288 = tpu.memref_slice %arg2[%dma_start3A_281, %mul3A_2] : memref<50x16384xi32, #tpu.memory_space<hbm>> -> memref<1x512xi32, #tpu.memory_space<hbm>>
    %dma_start3A_289 = tpu.memref_squeeze %dma_start3A_288 : memref<1x512xi32, #tpu.memory_space<hbm>> -> memref<512xi32, #tpu.memory_space<hbm>>
    tpu.enqueue_dma source(%dma_start3A_289 : memref<512xi32, #tpu.memory_space<hbm>>) target(%dma_start3A_287 : memref<512xi32, #tpu.memory_space<vmem>>) target_semaphore(%arg7 : memref<!tpu.dma_semaphore, #tpu.memory_space<semaphore_mem>>)
    %dma_start3A_290 = arith.constant 32 : i32
    %dma_start3A_291 = arith.constant 16384 : i32
    %dma_start3A_292 = tpu.memref_slice %arg5[%dma_start3A_291] : memref<25600xi32, #tpu.memory_space<vmem>> -> memref<512xi32, #tpu.memory_space<vmem>>
    %dma_start3A_293 = tpu.memref_slice %arg2[%dma_start3A_290, %mul3A_2] : memref<50x16384xi32, #tpu.memory_space<hbm>> -> memref<1x512xi32, #tpu.memory_space<hbm>>
    %dma_start3A_294 = tpu.memref_squeeze %dma_start3A_293 : memref<1x512xi32, #tpu.memory_space<hbm>> -> memref<512xi32, #tpu.memory_space<hbm>>
    %dma_start3A_295 = arith.constant 16384 : i32
    %dma_start3A_296 = tpu.memref_slice %arg5[%dma_start3A_295] : memref<25600xi32, #tpu.memory_space<vmem>> -> memref<512xi32, #tpu.memory_space<vmem>>
    %dma_start3A_297 = tpu.memref_slice %arg2[%dma_start3A_290, %mul3A_2] : memref<50x16384xi32, #tpu.memory_space<hbm>> -> memref<1x512xi32, #tpu.memory_space<hbm>>
    %dma_start3A_298 = tpu.memref_squeeze %dma_start3A_297 : memref<1x512xi32, #tpu.memory_space<hbm>> -> memref<512xi32, #tpu.memory_space<hbm>>
    tpu.enqueue_dma source(%dma_start3A_298 : memref<512xi32, #tpu.memory_space<hbm>>) target(%dma_start3A_296 : memref<512xi32, #tpu.memory_space<vmem>>) target_semaphore(%arg7 : memref<!tpu.dma_semaphore, #tpu.memory_space<semaphore_mem>>)
    %dma_start3A_299 = arith.constant 33 : i32
    %dma_start3A_300 = arith.constant 16896 : i32
    %dma_start3A_301 = tpu.memref_slice %arg5[%dma_start3A_300] : memref<25600xi32, #tpu.memory_space<vmem>> -> memref<512xi32, #tpu.memory_space<vmem>>
    %dma_start3A_302 = tpu.memref_slice %arg2[%dma_start3A_299, %mul3A_2] : memref<50x16384xi32, #tpu.memory_space<hbm>> -> memref<1x512xi32, #tpu.memory_space<hbm>>
    %dma_start3A_303 = tpu.memref_squeeze %dma_start3A_302 : memref<1x512xi32, #tpu.memory_space<hbm>> -> memref<512xi32, #tpu.memory_space<hbm>>
    %dma_start3A_304 = arith.constant 16896 : i32
    %dma_start3A_305 = tpu.memref_slice %arg5[%dma_start3A_304] : memref<25600xi32, #tpu.memory_space<vmem>> -> memref<512xi32, #tpu.memory_space<vmem>>
    %dma_start3A_306 = tpu.memref_slice %arg2[%dma_start3A_299, %mul3A_2] : memref<50x16384xi32, #tpu.memory_space<hbm>> -> memref<1x512xi32, #tpu.memory_space<hbm>>
    %dma_start3A_307 = tpu.memref_squeeze %dma_start3A_306 : memref<1x512xi32, #tpu.memory_space<hbm>> -> memref<512xi32, #tpu.memory_space<hbm>>
    tpu.enqueue_dma source(%dma_start3A_307 : memref<512xi32, #tpu.memory_space<hbm>>) target(%dma_start3A_305 : memref<512xi32, #tpu.memory_space<vmem>>) target_semaphore(%arg7 : memref<!tpu.dma_semaphore, #tpu.memory_space<semaphore_mem>>)
    %dma_start3A_308 = arith.constant 34 : i32
    %dma_start3A_309 = arith.constant 17408 : i32
    %dma_start3A_310 = tpu.memref_slice %arg5[%dma_start3A_309] : memref<25600xi32, #tpu.memory_space<vmem>> -> memref<512xi32, #tpu.memory_space<vmem>>
    %dma_start3A_311 = tpu.memref_slice %arg2[%dma_start3A_308, %mul3A_2] : memref<50x16384xi32, #tpu.memory_space<hbm>> -> memref<1x512xi32, #tpu.memory_space<hbm>>
    %dma_start3A_312 = tpu.memref_squeeze %dma_start3A_311 : memref<1x512xi32, #tpu.memory_space<hbm>> -> memref<512xi32, #tpu.memory_space<hbm>>
    %dma_start3A_313 = arith.constant 17408 : i32
    %dma_start3A_314 = tpu.memref_slice %arg5[%dma_start3A_313] : memref<25600xi32, #tpu.memory_space<vmem>> -> memref<512xi32, #tpu.memory_space<vmem>>
    %dma_start3A_315 = tpu.memref_slice %arg2[%dma_start3A_308, %mul3A_2] : memref<50x16384xi32, #tpu.memory_space<hbm>> -> memref<1x512xi32, #tpu.memory_space<hbm>>
    %dma_start3A_316 = tpu.memref_squeeze %dma_start3A_315 : memref<1x512xi32, #tpu.memory_space<hbm>> -> memref<512xi32, #tpu.memory_space<hbm>>
    tpu.enqueue_dma source(%dma_start3A_316 : memref<512xi32, #tpu.memory_space<hbm>>) target(%dma_start3A_314 : memref<512xi32, #tpu.memory_space<vmem>>) target_semaphore(%arg7 : memref<!tpu.dma_semaphore, #tpu.memory_space<semaphore_mem>>)
    %dma_start3A_317 = arith.constant 35 : i32
    %dma_start3A_318 = arith.constant 17920 : i32
    %dma_start3A_319 = tpu.memref_slice %arg5[%dma_start3A_318] : memref<25600xi32, #tpu.memory_space<vmem>> -> memref<512xi32, #tpu.memory_space<vmem>>
    %dma_start3A_320 = tpu.memref_slice %arg2[%dma_start3A_317, %mul3A_2] : memref<50x16384xi32, #tpu.memory_space<hbm>> -> memref<1x512xi32, #tpu.memory_space<hbm>>
    %dma_start3A_321 = tpu.memref_squeeze %dma_start3A_320 : memref<1x512xi32, #tpu.memory_space<hbm>> -> memref<512xi32, #tpu.memory_space<hbm>>
    %dma_start3A_322 = arith.constant 17920 : i32
    %dma_start3A_323 = tpu.memref_slice %arg5[%dma_start3A_322] : memref<25600xi32, #tpu.memory_space<vmem>> -> memref<512xi32, #tpu.memory_space<vmem>>
    %dma_start3A_324 = tpu.memref_slice %arg2[%dma_start3A_317, %mul3A_2] : memref<50x16384xi32, #tpu.memory_space<hbm>> -> memref<1x512xi32, #tpu.memory_space<hbm>>
    %dma_start3A_325 = tpu.memref_squeeze %dma_start3A_324 : memref<1x512xi32, #tpu.memory_space<hbm>> -> memref<512xi32, #tpu.memory_space<hbm>>
    tpu.enqueue_dma source(%dma_start3A_325 : memref<512xi32, #tpu.memory_space<hbm>>) target(%dma_start3A_323 : memref<512xi32, #tpu.memory_space<vmem>>) target_semaphore(%arg7 : memref<!tpu.dma_semaphore, #tpu.memory_space<semaphore_mem>>)
    %dma_start3A_326 = arith.constant 36 : i32
    %dma_start3A_327 = arith.constant 18432 : i32
    %dma_start3A_328 = tpu.memref_slice %arg5[%dma_start3A_327] : memref<25600xi32, #tpu.memory_space<vmem>> -> memref<512xi32, #tpu.memory_space<vmem>>
    %dma_start3A_329 = tpu.memref_slice %arg2[%dma_start3A_326, %mul3A_2] : memref<50x16384xi32, #tpu.memory_space<hbm>> -> memref<1x512xi32, #tpu.memory_space<hbm>>
    %dma_start3A_330 = tpu.memref_squeeze %dma_start3A_329 : memref<1x512xi32, #tpu.memory_space<hbm>> -> memref<512xi32, #tpu.memory_space<hbm>>
    %dma_start3A_331 = arith.constant 18432 : i32
    %dma_start3A_332 = tpu.memref_slice %arg5[%dma_start3A_331] : memref<25600xi32, #tpu.memory_space<vmem>> -> memref<512xi32, #tpu.memory_space<vmem>>
    %dma_start3A_333 = tpu.memref_slice %arg2[%dma_start3A_326, %mul3A_2] : memref<50x16384xi32, #tpu.memory_space<hbm>> -> memref<1x512xi32, #tpu.memory_space<hbm>>
    %dma_start3A_334 = tpu.memref_squeeze %dma_start3A_333 : memref<1x512xi32, #tpu.memory_space<hbm>> -> memref<512xi32, #tpu.memory_space<hbm>>
    tpu.enqueue_dma source(%dma_start3A_334 : memref<512xi32, #tpu.memory_space<hbm>>) target(%dma_start3A_332 : memref<512xi32, #tpu.memory_space<vmem>>) target_semaphore(%arg7 : memref<!tpu.dma_semaphore, #tpu.memory_space<semaphore_mem>>)
    %dma_start3A_335 = arith.constant 37 : i32
    %dma_start3A_336 = arith.constant 18944 : i32
    %dma_start3A_337 = tpu.memref_slice %arg5[%dma_start3A_336] : memref<25600xi32, #tpu.memory_space<vmem>> -> memref<512xi32, #tpu.memory_space<vmem>>
    %dma_start3A_338 = tpu.memref_slice %arg2[%dma_start3A_335, %mul3A_2] : memref<50x16384xi32, #tpu.memory_space<hbm>> -> memref<1x512xi32, #tpu.memory_space<hbm>>
    %dma_start3A_339 = tpu.memref_squeeze %dma_start3A_338 : memref<1x512xi32, #tpu.memory_space<hbm>> -> memref<512xi32, #tpu.memory_space<hbm>>
    %dma_start3A_340 = arith.constant 18944 : i32
    %dma_start3A_341 = tpu.memref_slice %arg5[%dma_start3A_340] : memref<25600xi32, #tpu.memory_space<vmem>> -> memref<512xi32, #tpu.memory_space<vmem>>
    %dma_start3A_342 = tpu.memref_slice %arg2[%dma_start3A_335, %mul3A_2] : memref<50x16384xi32, #tpu.memory_space<hbm>> -> memref<1x512xi32, #tpu.memory_space<hbm>>
    %dma_start3A_343 = tpu.memref_squeeze %dma_start3A_342 : memref<1x512xi32, #tpu.memory_space<hbm>> -> memref<512xi32, #tpu.memory_space<hbm>>
    tpu.enqueue_dma source(%dma_start3A_343 : memref<512xi32, #tpu.memory_space<hbm>>) target(%dma_start3A_341 : memref<512xi32, #tpu.memory_space<vmem>>) target_semaphore(%arg7 : memref<!tpu.dma_semaphore, #tpu.memory_space<semaphore_mem>>)
    %dma_start3A_344 = arith.constant 38 : i32
    %dma_start3A_345 = arith.constant 19456 : i32
    %dma_start3A_346 = tpu.memref_slice %arg5[%dma_start3A_345] : memref<25600xi32, #tpu.memory_space<vmem>> -> memref<512xi32, #tpu.memory_space<vmem>>
    %dma_start3A_347 = tpu.memref_slice %arg2[%dma_start3A_344, %mul3A_2] : memref<50x16384xi32, #tpu.memory_space<hbm>> -> memref<1x512xi32, #tpu.memory_space<hbm>>
    %dma_start3A_348 = tpu.memref_squeeze %dma_start3A_347 : memref<1x512xi32, #tpu.memory_space<hbm>> -> memref<512xi32, #tpu.memory_space<hbm>>
    %dma_start3A_349 = arith.constant 19456 : i32
    %dma_start3A_350 = tpu.memref_slice %arg5[%dma_start3A_349] : memref<25600xi32, #tpu.memory_space<vmem>> -> memref<512xi32, #tpu.memory_space<vmem>>
    %dma_start3A_351 = tpu.memref_slice %arg2[%dma_start3A_344, %mul3A_2] : memref<50x16384xi32, #tpu.memory_space<hbm>> -> memref<1x512xi32, #tpu.memory_space<hbm>>
    %dma_start3A_352 = tpu.memref_squeeze %dma_start3A_351 : memref<1x512xi32, #tpu.memory_space<hbm>> -> memref<512xi32, #tpu.memory_space<hbm>>
    tpu.enqueue_dma source(%dma_start3A_352 : memref<512xi32, #tpu.memory_space<hbm>>) target(%dma_start3A_350 : memref<512xi32, #tpu.memory_space<vmem>>) target_semaphore(%arg7 : memref<!tpu.dma_semaphore, #tpu.memory_space<semaphore_mem>>)
    %dma_start3A_353 = arith.constant 39 : i32
    %dma_start3A_354 = arith.constant 19968 : i32
    %dma_start3A_355 = tpu.memref_slice %arg5[%dma_start3A_354] : memref<25600xi32, #tpu.memory_space<vmem>> -> memref<512xi32, #tpu.memory_space<vmem>>
    %dma_start3A_356 = tpu.memref_slice %arg2[%dma_start3A_353, %mul3A_2] : memref<50x16384xi32, #tpu.memory_space<hbm>> -> memref<1x512xi32, #tpu.memory_space<hbm>>
    %dma_start3A_357 = tpu.memref_squeeze %dma_start3A_356 : memref<1x512xi32, #tpu.memory_space<hbm>> -> memref<512xi32, #tpu.memory_space<hbm>>
    %dma_start3A_358 = arith.constant 19968 : i32
    %dma_start3A_359 = tpu.memref_slice %arg5[%dma_start3A_358] : memref<25600xi32, #tpu.memory_space<vmem>> -> memref<512xi32, #tpu.memory_space<vmem>>
    %dma_start3A_360 = tpu.memref_slice %arg2[%dma_start3A_353, %mul3A_2] : memref<50x16384xi32, #tpu.memory_space<hbm>> -> memref<1x512xi32, #tpu.memory_space<hbm>>
    %dma_start3A_361 = tpu.memref_squeeze %dma_start3A_360 : memref<1x512xi32, #tpu.memory_space<hbm>> -> memref<512xi32, #tpu.memory_space<hbm>>
    tpu.enqueue_dma source(%dma_start3A_361 : memref<512xi32, #tpu.memory_space<hbm>>) target(%dma_start3A_359 : memref<512xi32, #tpu.memory_space<vmem>>) target_semaphore(%arg7 : memref<!tpu.dma_semaphore, #tpu.memory_space<semaphore_mem>>)
    %dma_start3A_362 = arith.constant 40 : i32
    %dma_start3A_363 = arith.constant 20480 : i32
    %dma_start3A_364 = tpu.memref_slice %arg5[%dma_start3A_363] : memref<25600xi32, #tpu.memory_space<vmem>> -> memref<512xi32, #tpu.memory_space<vmem>>
    %dma_start3A_365 = tpu.memref_slice %arg2[%dma_start3A_362, %mul3A_2] : memref<50x16384xi32, #tpu.memory_space<hbm>> -> memref<1x512xi32, #tpu.memory_space<hbm>>
    %dma_start3A_366 = tpu.memref_squeeze %dma_start3A_365 : memref<1x512xi32, #tpu.memory_space<hbm>> -> memref<512xi32, #tpu.memory_space<hbm>>
    %dma_start3A_367 = arith.constant 20480 : i32
    %dma_start3A_368 = tpu.memref_slice %arg5[%dma_start3A_367] : memref<25600xi32, #tpu.memory_space<vmem>> -> memref<512xi32, #tpu.memory_space<vmem>>
    %dma_start3A_369 = tpu.memref_slice %arg2[%dma_start3A_362, %mul3A_2] : memref<50x16384xi32, #tpu.memory_space<hbm>> -> memref<1x512xi32, #tpu.memory_space<hbm>>
    %dma_start3A_370 = tpu.memref_squeeze %dma_start3A_369 : memref<1x512xi32, #tpu.memory_space<hbm>> -> memref<512xi32, #tpu.memory_space<hbm>>
    tpu.enqueue_dma source(%dma_start3A_370 : memref<512xi32, #tpu.memory_space<hbm>>) target(%dma_start3A_368 : memref<512xi32, #tpu.memory_space<vmem>>) target_semaphore(%arg7 : memref<!tpu.dma_semaphore, #tpu.memory_space<semaphore_mem>>)
    %dma_start3A_371 = arith.constant 41 : i32
    %dma_start3A_372 = arith.constant 20992 : i32
    %dma_start3A_373 = tpu.memref_slice %arg5[%dma_start3A_372] : memref<25600xi32, #tpu.memory_space<vmem>> -> memref<512xi32, #tpu.memory_space<vmem>>
    %dma_start3A_374 = tpu.memref_slice %arg2[%dma_start3A_371, %mul3A_2] : memref<50x16384xi32, #tpu.memory_space<hbm>> -> memref<1x512xi32, #tpu.memory_space<hbm>>
    %dma_start3A_375 = tpu.memref_squeeze %dma_start3A_374 : memref<1x512xi32, #tpu.memory_space<hbm>> -> memref<512xi32, #tpu.memory_space<hbm>>
    %dma_start3A_376 = arith.constant 20992 : i32
    %dma_start3A_377 = tpu.memref_slice %arg5[%dma_start3A_376] : memref<25600xi32, #tpu.memory_space<vmem>> -> memref<512xi32, #tpu.memory_space<vmem>>
    %dma_start3A_378 = tpu.memref_slice %arg2[%dma_start3A_371, %mul3A_2] : memref<50x16384xi32, #tpu.memory_space<hbm>> -> memref<1x512xi32, #tpu.memory_space<hbm>>
    %dma_start3A_379 = tpu.memref_squeeze %dma_start3A_378 : memref<1x512xi32, #tpu.memory_space<hbm>> -> memref<512xi32, #tpu.memory_space<hbm>>
    tpu.enqueue_dma source(%dma_start3A_379 : memref<512xi32, #tpu.memory_space<hbm>>) target(%dma_start3A_377 : memref<512xi32, #tpu.memory_space<vmem>>) target_semaphore(%arg7 : memref<!tpu.dma_semaphore, #tpu.memory_space<semaphore_mem>>)
    %dma_start3A_380 = arith.constant 42 : i32
    %dma_start3A_381 = arith.constant 21504 : i32
    %dma_start3A_382 = tpu.memref_slice %arg5[%dma_start3A_381] : memref<25600xi32, #tpu.memory_space<vmem>> -> memref<512xi32, #tpu.memory_space<vmem>>
    %dma_start3A_383 = tpu.memref_slice %arg2[%dma_start3A_380, %mul3A_2] : memref<50x16384xi32, #tpu.memory_space<hbm>> -> memref<1x512xi32, #tpu.memory_space<hbm>>
    %dma_start3A_384 = tpu.memref_squeeze %dma_start3A_383 : memref<1x512xi32, #tpu.memory_space<hbm>> -> memref<512xi32, #tpu.memory_space<hbm>>
    %dma_start3A_385 = arith.constant 21504 : i32
    %dma_start3A_386 = tpu.memref_slice %arg5[%dma_start3A_385] : memref<25600xi32, #tpu.memory_space<vmem>> -> memref<512xi32, #tpu.memory_space<vmem>>
    %dma_start3A_387 = tpu.memref_slice %arg2[%dma_start3A_380, %mul3A_2] : memref<50x16384xi32, #tpu.memory_space<hbm>> -> memref<1x512xi32, #tpu.memory_space<hbm>>
    %dma_start3A_388 = tpu.memref_squeeze %dma_start3A_387 : memref<1x512xi32, #tpu.memory_space<hbm>> -> memref<512xi32, #tpu.memory_space<hbm>>
    tpu.enqueue_dma source(%dma_start3A_388 : memref<512xi32, #tpu.memory_space<hbm>>) target(%dma_start3A_386 : memref<512xi32, #tpu.memory_space<vmem>>) target_semaphore(%arg7 : memref<!tpu.dma_semaphore, #tpu.memory_space<semaphore_mem>>)
    %dma_start3A_389 = arith.constant 43 : i32
    %dma_start3A_390 = arith.constant 22016 : i32
    %dma_start3A_391 = tpu.memref_slice %arg5[%dma_start3A_390] : memref<25600xi32, #tpu.memory_space<vmem>> -> memref<512xi32, #tpu.memory_space<vmem>>
    %dma_start3A_392 = tpu.memref_slice %arg2[%dma_start3A_389, %mul3A_2] : memref<50x16384xi32, #tpu.memory_space<hbm>> -> memref<1x512xi32, #tpu.memory_space<hbm>>
    %dma_start3A_393 = tpu.memref_squeeze %dma_start3A_392 : memref<1x512xi32, #tpu.memory_space<hbm>> -> memref<512xi32, #tpu.memory_space<hbm>>
    %dma_start3A_394 = arith.constant 22016 : i32
    %dma_start3A_395 = tpu.memref_slice %arg5[%dma_start3A_394] : memref<25600xi32, #tpu.memory_space<vmem>> -> memref<512xi32, #tpu.memory_space<vmem>>
    %dma_start3A_396 = tpu.memref_slice %arg2[%dma_start3A_389, %mul3A_2] : memref<50x16384xi32, #tpu.memory_space<hbm>> -> memref<1x512xi32, #tpu.memory_space<hbm>>
    %dma_start3A_397 = tpu.memref_squeeze %dma_start3A_396 : memref<1x512xi32, #tpu.memory_space<hbm>> -> memref<512xi32, #tpu.memory_space<hbm>>
    tpu.enqueue_dma source(%dma_start3A_397 : memref<512xi32, #tpu.memory_space<hbm>>) target(%dma_start3A_395 : memref<512xi32, #tpu.memory_space<vmem>>) target_semaphore(%arg7 : memref<!tpu.dma_semaphore, #tpu.memory_space<semaphore_mem>>)
    %dma_start3A_398 = arith.constant 44 : i32
    %dma_start3A_399 = arith.constant 22528 : i32
    %dma_start3A_400 = tpu.memref_slice %arg5[%dma_start3A_399] : memref<25600xi32, #tpu.memory_space<vmem>> -> memref<512xi32, #tpu.memory_space<vmem>>
    %dma_start3A_401 = tpu.memref_slice %arg2[%dma_start3A_398, %mul3A_2] : memref<50x16384xi32, #tpu.memory_space<hbm>> -> memref<1x512xi32, #tpu.memory_space<hbm>>
    %dma_start3A_402 = tpu.memref_squeeze %dma_start3A_401 : memref<1x512xi32, #tpu.memory_space<hbm>> -> memref<512xi32, #tpu.memory_space<hbm>>
    %dma_start3A_403 = arith.constant 22528 : i32
    %dma_start3A_404 = tpu.memref_slice %arg5[%dma_start3A_403] : memref<25600xi32, #tpu.memory_space<vmem>> -> memref<512xi32, #tpu.memory_space<vmem>>
    %dma_start3A_405 = tpu.memref_slice %arg2[%dma_start3A_398, %mul3A_2] : memref<50x16384xi32, #tpu.memory_space<hbm>> -> memref<1x512xi32, #tpu.memory_space<hbm>>
    %dma_start3A_406 = tpu.memref_squeeze %dma_start3A_405 : memref<1x512xi32, #tpu.memory_space<hbm>> -> memref<512xi32, #tpu.memory_space<hbm>>
    tpu.enqueue_dma source(%dma_start3A_406 : memref<512xi32, #tpu.memory_space<hbm>>) target(%dma_start3A_404 : memref<512xi32, #tpu.memory_space<vmem>>) target_semaphore(%arg7 : memref<!tpu.dma_semaphore, #tpu.memory_space<semaphore_mem>>)
    %dma_start3A_407 = arith.constant 45 : i32
    %dma_start3A_408 = arith.constant 23040 : i32
    %dma_start3A_409 = tpu.memref_slice %arg5[%dma_start3A_408] : memref<25600xi32, #tpu.memory_space<vmem>> -> memref<512xi32, #tpu.memory_space<vmem>>
    %dma_start3A_410 = tpu.memref_slice %arg2[%dma_start3A_407, %mul3A_2] : memref<50x16384xi32, #tpu.memory_space<hbm>> -> memref<1x512xi32, #tpu.memory_space<hbm>>
    %dma_start3A_411 = tpu.memref_squeeze %dma_start3A_410 : memref<1x512xi32, #tpu.memory_space<hbm>> -> memref<512xi32, #tpu.memory_space<hbm>>
    %dma_start3A_412 = arith.constant 23040 : i32
    %dma_start3A_413 = tpu.memref_slice %arg5[%dma_start3A_412] : memref<25600xi32, #tpu.memory_space<vmem>> -> memref<512xi32, #tpu.memory_space<vmem>>
    %dma_start3A_414 = tpu.memref_slice %arg2[%dma_start3A_407, %mul3A_2] : memref<50x16384xi32, #tpu.memory_space<hbm>> -> memref<1x512xi32, #tpu.memory_space<hbm>>
    %dma_start3A_415 = tpu.memref_squeeze %dma_start3A_414 : memref<1x512xi32, #tpu.memory_space<hbm>> -> memref<512xi32, #tpu.memory_space<hbm>>
    tpu.enqueue_dma source(%dma_start3A_415 : memref<512xi32, #tpu.memory_space<hbm>>) target(%dma_start3A_413 : memref<512xi32, #tpu.memory_space<vmem>>) target_semaphore(%arg7 : memref<!tpu.dma_semaphore, #tpu.memory_space<semaphore_mem>>)
    %dma_start3A_416 = arith.constant 46 : i32
    %dma_start3A_417 = arith.constant 23552 : i32
    %dma_start3A_418 = tpu.memref_slice %arg5[%dma_start3A_417] : memref<25600xi32, #tpu.memory_space<vmem>> -> memref<512xi32, #tpu.memory_space<vmem>>
    %dma_start3A_419 = tpu.memref_slice %arg2[%dma_start3A_416, %mul3A_2] : memref<50x16384xi32, #tpu.memory_space<hbm>> -> memref<1x512xi32, #tpu.memory_space<hbm>>
    %dma_start3A_420 = tpu.memref_squeeze %dma_start3A_419 : memref<1x512xi32, #tpu.memory_space<hbm>> -> memref<512xi32, #tpu.memory_space<hbm>>
    %dma_start3A_421 = arith.constant 23552 : i32
    %dma_start3A_422 = tpu.memref_slice %arg5[%dma_start3A_421] : memref<25600xi32, #tpu.memory_space<vmem>> -> memref<512xi32, #tpu.memory_space<vmem>>
    %dma_start3A_423 = tpu.memref_slice %arg2[%dma_start3A_416, %mul3A_2] : memref<50x16384xi32, #tpu.memory_space<hbm>> -> memref<1x512xi32, #tpu.memory_space<hbm>>
    %dma_start3A_424 = tpu.memref_squeeze %dma_start3A_423 : memref<1x512xi32, #tpu.memory_space<hbm>> -> memref<512xi32, #tpu.memory_space<hbm>>
    tpu.enqueue_dma source(%dma_start3A_424 : memref<512xi32, #tpu.memory_space<hbm>>) target(%dma_start3A_422 : memref<512xi32, #tpu.memory_space<vmem>>) target_semaphore(%arg7 : memref<!tpu.dma_semaphore, #tpu.memory_space<semaphore_mem>>)
    %dma_start3A_425 = arith.constant 47 : i32
    %dma_start3A_426 = arith.constant 24064 : i32
    %dma_start3A_427 = tpu.memref_slice %arg5[%dma_start3A_426] : memref<25600xi32, #tpu.memory_space<vmem>> -> memref<512xi32, #tpu.memory_space<vmem>>
    %dma_start3A_428 = tpu.memref_slice %arg2[%dma_start3A_425, %mul3A_2] : memref<50x16384xi32, #tpu.memory_space<hbm>> -> memref<1x512xi32, #tpu.memory_space<hbm>>
    %dma_start3A_429 = tpu.memref_squeeze %dma_start3A_428 : memref<1x512xi32, #tpu.memory_space<hbm>> -> memref<512xi32, #tpu.memory_space<hbm>>
    %dma_start3A_430 = arith.constant 24064 : i32
    %dma_start3A_431 = tpu.memref_slice %arg5[%dma_start3A_430] : memref<25600xi32, #tpu.memory_space<vmem>> -> memref<512xi32, #tpu.memory_space<vmem>>
    %dma_start3A_432 = tpu.memref_slice %arg2[%dma_start3A_425, %mul3A_2] : memref<50x16384xi32, #tpu.memory_space<hbm>> -> memref<1x512xi32, #tpu.memory_space<hbm>>
    %dma_start3A_433 = tpu.memref_squeeze %dma_start3A_432 : memref<1x512xi32, #tpu.memory_space<hbm>> -> memref<512xi32, #tpu.memory_space<hbm>>
    tpu.enqueue_dma source(%dma_start3A_433 : memref<512xi32, #tpu.memory_space<hbm>>) target(%dma_start3A_431 : memref<512xi32, #tpu.memory_space<vmem>>) target_semaphore(%arg7 : memref<!tpu.dma_semaphore, #tpu.memory_space<semaphore_mem>>)
    %dma_start3A_434 = arith.constant 48 : i32
    %dma_start3A_435 = arith.constant 24576 : i32
    %dma_start3A_436 = tpu.memref_slice %arg5[%dma_start3A_435] : memref<25600xi32, #tpu.memory_space<vmem>> -> memref<512xi32, #tpu.memory_space<vmem>>
    %dma_start3A_437 = tpu.memref_slice %arg2[%dma_start3A_434, %mul3A_2] : memref<50x16384xi32, #tpu.memory_space<hbm>> -> memref<1x512xi32, #tpu.memory_space<hbm>>
    %dma_start3A_438 = tpu.memref_squeeze %dma_start3A_437 : memref<1x512xi32, #tpu.memory_space<hbm>> -> memref<512xi32, #tpu.memory_space<hbm>>
    %dma_start3A_439 = arith.constant 24576 : i32
    %dma_start3A_440 = tpu.memref_slice %arg5[%dma_start3A_439] : memref<25600xi32, #tpu.memory_space<vmem>> -> memref<512xi32, #tpu.memory_space<vmem>>
    %dma_start3A_441 = tpu.memref_slice %arg2[%dma_start3A_434, %mul3A_2] : memref<50x16384xi32, #tpu.memory_space<hbm>> -> memref<1x512xi32, #tpu.memory_space<hbm>>
    %dma_start3A_442 = tpu.memref_squeeze %dma_start3A_441 : memref<1x512xi32, #tpu.memory_space<hbm>> -> memref<512xi32, #tpu.memory_space<hbm>>
    tpu.enqueue_dma source(%dma_start3A_442 : memref<512xi32, #tpu.memory_space<hbm>>) target(%dma_start3A_440 : memref<512xi32, #tpu.memory_space<vmem>>) target_semaphore(%arg7 : memref<!tpu.dma_semaphore, #tpu.memory_space<semaphore_mem>>)
    %dma_start3A_443 = arith.constant 49 : i32
    %dma_start3A_444 = arith.constant 25088 : i32
    %dma_start3A_445 = tpu.memref_slice %arg5[%dma_start3A_444] : memref<25600xi32, #tpu.memory_space<vmem>> -> memref<512xi32, #tpu.memory_space<vmem>>
    %dma_start3A_446 = tpu.memref_slice %arg2[%dma_start3A_443, %mul3A_2] : memref<50x16384xi32, #tpu.memory_space<hbm>> -> memref<1x512xi32, #tpu.memory_space<hbm>>
    %dma_start3A_447 = tpu.memref_squeeze %dma_start3A_446 : memref<1x512xi32, #tpu.memory_space<hbm>> -> memref<512xi32, #tpu.memory_space<hbm>>
    %dma_start3A_448 = arith.constant 25088 : i32
    %dma_start3A_449 = tpu.memref_slice %arg5[%dma_start3A_448] : memref<25600xi32, #tpu.memory_space<vmem>> -> memref<512xi32, #tpu.memory_space<vmem>>
    %dma_start3A_450 = tpu.memref_slice %arg2[%dma_start3A_443, %mul3A_2] : memref<50x16384xi32, #tpu.memory_space<hbm>> -> memref<1x512xi32, #tpu.memory_space<hbm>>
    %dma_start3A_451 = tpu.memref_squeeze %dma_start3A_450 : memref<1x512xi32, #tpu.memory_space<hbm>> -> memref<512xi32, #tpu.memory_space<hbm>>
    tpu.enqueue_dma source(%dma_start3A_451 : memref<512xi32, #tpu.memory_space<hbm>>) target(%dma_start3A_449 : memref<512xi32, #tpu.memory_space<vmem>>) target_semaphore(%arg7 : memref<!tpu.dma_semaphore, #tpu.memory_space<semaphore_mem>>)
    %dma_wait3A = arith.constant 0 : i32
    %dma_wait3A_452 = arith.constant 0 : i32
    %dma_wait3A_453 = tpu.memref_slice %arg5[%dma_wait3A_452] : memref<25600xi32, #tpu.memory_space<vmem>> -> memref<512xi32, #tpu.memory_space<vmem>>
    %dma_wait3A_454 = tpu.memref_slice %arg2[%dma_wait3A, %mul3A_2] : memref<50x16384xi32, #tpu.memory_space<hbm>> -> memref<1x512xi32, #tpu.memory_space<hbm>>
    %dma_wait3A_455 = tpu.memref_squeeze %dma_wait3A_454 : memref<1x512xi32, #tpu.memory_space<hbm>> -> memref<512xi32, #tpu.memory_space<hbm>>
    %dma_wait3A_456 = arith.constant 0 : i32
    %dma_wait3A_457 = tpu.memref_slice %arg5[%dma_wait3A_456] : memref<25600xi32, #tpu.memory_space<vmem>> -> memref<512xi32, #tpu.memory_space<vmem>>
    %dma_wait3A_458 = tpu.memref_slice %arg2[%dma_wait3A, %mul3A_2] : memref<50x16384xi32, #tpu.memory_space<hbm>> -> memref<1x512xi32, #tpu.memory_space<hbm>>
    %dma_wait3A_459 = tpu.memref_squeeze %dma_wait3A_458 : memref<1x512xi32, #tpu.memory_space<hbm>> -> memref<512xi32, #tpu.memory_space<hbm>>
    tpu.wait_dma2 semaphore(%arg7 : memref<!tpu.dma_semaphore, #tpu.memory_space<semaphore_mem>>) src(%dma_wait3A_459 : memref<512xi32, #tpu.memory_space<hbm>>) dst(%dma_wait3A_457 : memref<512xi32, #tpu.memory_space<vmem>>)
    %dma_wait3A_460 = arith.constant 1 : i32
    %dma_wait3A_461 = arith.constant 512 : i32
    %dma_wait3A_462 = tpu.memref_slice %arg5[%dma_wait3A_461] : memref<25600xi32, #tpu.memory_space<vmem>> -> memref<512xi32, #tpu.memory_space<vmem>>
    %dma_wait3A_463 = tpu.memref_slice %arg2[%dma_wait3A_460, %mul3A_2] : memref<50x16384xi32, #tpu.memory_space<hbm>> -> memref<1x512xi32, #tpu.memory_space<hbm>>
    %dma_wait3A_464 = tpu.memref_squeeze %dma_wait3A_463 : memref<1x512xi32, #tpu.memory_space<hbm>> -> memref<512xi32, #tpu.memory_space<hbm>>
    %dma_wait3A_465 = arith.constant 512 : i32
    %dma_wait3A_466 = tpu.memref_slice %arg5[%dma_wait3A_465] : memref<25600xi32, #tpu.memory_space<vmem>> -> memref<512xi32, #tpu.memory_space<vmem>>
    %dma_wait3A_467 = tpu.memref_slice %arg2[%dma_wait3A_460, %mul3A_2] : memref<50x16384xi32, #tpu.memory_space<hbm>> -> memref<1x512xi32, #tpu.memory_space<hbm>>
    %dma_wait3A_468 = tpu.memref_squeeze %dma_wait3A_467 : memref<1x512xi32, #tpu.memory_space<hbm>> -> memref<512xi32, #tpu.memory_space<hbm>>
    tpu.wait_dma2 semaphore(%arg7 : memref<!tpu.dma_semaphore, #tpu.memory_space<semaphore_mem>>) src(%dma_wait3A_468 : memref<512xi32, #tpu.memory_space<hbm>>) dst(%dma_wait3A_466 : memref<512xi32, #tpu.memory_space<vmem>>)
    %dma_wait3A_469 = arith.constant 2 : i32
    %dma_wait3A_470 = arith.constant 1024 : i32
    %dma_wait3A_471 = tpu.memref_slice %arg5[%dma_wait3A_470] : memref<25600xi32, #tpu.memory_space<vmem>> -> memref<512xi32, #tpu.memory_space<vmem>>
    %dma_wait3A_472 = tpu.memref_slice %arg2[%dma_wait3A_469, %mul3A_2] : memref<50x16384xi32, #tpu.memory_space<hbm>> -> memref<1x512xi32, #tpu.memory_space<hbm>>
    %dma_wait3A_473 = tpu.memref_squeeze %dma_wait3A_472 : memref<1x512xi32, #tpu.memory_space<hbm>> -> memref<512xi32, #tpu.memory_space<hbm>>
    %dma_wait3A_474 = arith.constant 1024 : i32
    %dma_wait3A_475 = tpu.memref_slice %arg5[%dma_wait3A_474] : memref<25600xi32, #tpu.memory_space<vmem>> -> memref<512xi32, #tpu.memory_space<vmem>>
    %dma_wait3A_476 = tpu.memref_slice %arg2[%dma_wait3A_469, %mul3A_2] : memref<50x16384xi32, #tpu.memory_space<hbm>> -> memref<1x512xi32, #tpu.memory_space<hbm>>
    %dma_wait3A_477 = tpu.memref_squeeze %dma_wait3A_476 : memref<1x512xi32, #tpu.memory_space<hbm>> -> memref<512xi32, #tpu.memory_space<hbm>>
    tpu.wait_dma2 semaphore(%arg7 : memref<!tpu.dma_semaphore, #tpu.memory_space<semaphore_mem>>) src(%dma_wait3A_477 : memref<512xi32, #tpu.memory_space<hbm>>) dst(%dma_wait3A_475 : memref<512xi32, #tpu.memory_space<vmem>>)
    %dma_wait3A_478 = arith.constant 3 : i32
    %dma_wait3A_479 = arith.constant 1536 : i32
    %dma_wait3A_480 = tpu.memref_slice %arg5[%dma_wait3A_479] : memref<25600xi32, #tpu.memory_space<vmem>> -> memref<512xi32, #tpu.memory_space<vmem>>
    %dma_wait3A_481 = tpu.memref_slice %arg2[%dma_wait3A_478, %mul3A_2] : memref<50x16384xi32, #tpu.memory_space<hbm>> -> memref<1x512xi32, #tpu.memory_space<hbm>>
    %dma_wait3A_482 = tpu.memref_squeeze %dma_wait3A_481 : memref<1x512xi32, #tpu.memory_space<hbm>> -> memref<512xi32, #tpu.memory_space<hbm>>
    %dma_wait3A_483 = arith.constant 1536 : i32
    %dma_wait3A_484 = tpu.memref_slice %arg5[%dma_wait3A_483] : memref<25600xi32, #tpu.memory_space<vmem>> -> memref<512xi32, #tpu.memory_space<vmem>>
    %dma_wait3A_485 = tpu.memref_slice %arg2[%dma_wait3A_478, %mul3A_2] : memref<50x16384xi32, #tpu.memory_space<hbm>> -> memref<1x512xi32, #tpu.memory_space<hbm>>
    %dma_wait3A_486 = tpu.memref_squeeze %dma_wait3A_485 : memref<1x512xi32, #tpu.memory_space<hbm>> -> memref<512xi32, #tpu.memory_space<hbm>>
    tpu.wait_dma2 semaphore(%arg7 : memref<!tpu.dma_semaphore, #tpu.memory_space<semaphore_mem>>) src(%dma_wait3A_486 : memref<512xi32, #tpu.memory_space<hbm>>) dst(%dma_wait3A_484 : memref<512xi32, #tpu.memory_space<vmem>>)
    %dma_wait3A_487 = arith.constant 4 : i32
    %dma_wait3A_488 = arith.constant 2048 : i32
    %dma_wait3A_489 = tpu.memref_slice %arg5[%dma_wait3A_488] : memref<25600xi32, #tpu.memory_space<vmem>> -> memref<512xi32, #tpu.memory_space<vmem>>
    %dma_wait3A_490 = tpu.memref_slice %arg2[%dma_wait3A_487, %mul3A_2] : memref<50x16384xi32, #tpu.memory_space<hbm>> -> memref<1x512xi32, #tpu.memory_space<hbm>>
    %dma_wait3A_491 = tpu.memref_squeeze %dma_wait3A_490 : memref<1x512xi32, #tpu.memory_space<hbm>> -> memref<512xi32, #tpu.memory_space<hbm>>
    %dma_wait3A_492 = arith.constant 2048 : i32
    %dma_wait3A_493 = tpu.memref_slice %arg5[%dma_wait3A_492] : memref<25600xi32, #tpu.memory_space<vmem>> -> memref<512xi32, #tpu.memory_space<vmem>>
    %dma_wait3A_494 = tpu.memref_slice %arg2[%dma_wait3A_487, %mul3A_2] : memref<50x16384xi32, #tpu.memory_space<hbm>> -> memref<1x512xi32, #tpu.memory_space<hbm>>
    %dma_wait3A_495 = tpu.memref_squeeze %dma_wait3A_494 : memref<1x512xi32, #tpu.memory_space<hbm>> -> memref<512xi32, #tpu.memory_space<hbm>>
    tpu.wait_dma2 semaphore(%arg7 : memref<!tpu.dma_semaphore, #tpu.memory_space<semaphore_mem>>) src(%dma_wait3A_495 : memref<512xi32, #tpu.memory_space<hbm>>) dst(%dma_wait3A_493 : memref<512xi32, #tpu.memory_space<vmem>>)
    %dma_wait3A_496 = arith.constant 5 : i32
    %dma_wait3A_497 = arith.constant 2560 : i32
    %dma_wait3A_498 = tpu.memref_slice %arg5[%dma_wait3A_497] : memref<25600xi32, #tpu.memory_space<vmem>> -> memref<512xi32, #tpu.memory_space<vmem>>
    %dma_wait3A_499 = tpu.memref_slice %arg2[%dma_wait3A_496, %mul3A_2] : memref<50x16384xi32, #tpu.memory_space<hbm>> -> memref<1x512xi32, #tpu.memory_space<hbm>>
    %dma_wait3A_500 = tpu.memref_squeeze %dma_wait3A_499 : memref<1x512xi32, #tpu.memory_space<hbm>> -> memref<512xi32, #tpu.memory_space<hbm>>
    %dma_wait3A_501 = arith.constant 2560 : i32
    %dma_wait3A_502 = tpu.memref_slice %arg5[%dma_wait3A_501] : memref<25600xi32, #tpu.memory_space<vmem>> -> memref<512xi32, #tpu.memory_space<vmem>>
    %dma_wait3A_503 = tpu.memref_slice %arg2[%dma_wait3A_496, %mul3A_2] : memref<50x16384xi32, #tpu.memory_space<hbm>> -> memref<1x512xi32, #tpu.memory_space<hbm>>
    %dma_wait3A_504 = tpu.memref_squeeze %dma_wait3A_503 : memref<1x512xi32, #tpu.memory_space<hbm>> -> memref<512xi32, #tpu.memory_space<hbm>>
    tpu.wait_dma2 semaphore(%arg7 : memref<!tpu.dma_semaphore, #tpu.memory_space<semaphore_mem>>) src(%dma_wait3A_504 : memref<512xi32, #tpu.memory_space<hbm>>) dst(%dma_wait3A_502 : memref<512xi32, #tpu.memory_space<vmem>>)
    %dma_wait3A_505 = arith.constant 6 : i32
    %dma_wait3A_506 = arith.constant 3072 : i32
    %dma_wait3A_507 = tpu.memref_slice %arg5[%dma_wait3A_506] : memref<25600xi32, #tpu.memory_space<vmem>> -> memref<512xi32, #tpu.memory_space<vmem>>
    %dma_wait3A_508 = tpu.memref_slice %arg2[%dma_wait3A_505, %mul3A_2] : memref<50x16384xi32, #tpu.memory_space<hbm>> -> memref<1x512xi32, #tpu.memory_space<hbm>>
    %dma_wait3A_509 = tpu.memref_squeeze %dma_wait3A_508 : memref<1x512xi32, #tpu.memory_space<hbm>> -> memref<512xi32, #tpu.memory_space<hbm>>
    %dma_wait3A_510 = arith.constant 3072 : i32
    %dma_wait3A_511 = tpu.memref_slice %arg5[%dma_wait3A_510] : memref<25600xi32, #tpu.memory_space<vmem>> -> memref<512xi32, #tpu.memory_space<vmem>>
    %dma_wait3A_512 = tpu.memref_slice %arg2[%dma_wait3A_505, %mul3A_2] : memref<50x16384xi32, #tpu.memory_space<hbm>> -> memref<1x512xi32, #tpu.memory_space<hbm>>
    %dma_wait3A_513 = tpu.memref_squeeze %dma_wait3A_512 : memref<1x512xi32, #tpu.memory_space<hbm>> -> memref<512xi32, #tpu.memory_space<hbm>>
    tpu.wait_dma2 semaphore(%arg7 : memref<!tpu.dma_semaphore, #tpu.memory_space<semaphore_mem>>) src(%dma_wait3A_513 : memref<512xi32, #tpu.memory_space<hbm>>) dst(%dma_wait3A_511 : memref<512xi32, #tpu.memory_space<vmem>>)
    %dma_wait3A_514 = arith.constant 7 : i32
    %dma_wait3A_515 = arith.constant 3584 : i32
    %dma_wait3A_516 = tpu.memref_slice %arg5[%dma_wait3A_515] : memref<25600xi32, #tpu.memory_space<vmem>> -> memref<512xi32, #tpu.memory_space<vmem>>
    %dma_wait3A_517 = tpu.memref_slice %arg2[%dma_wait3A_514, %mul3A_2] : memref<50x16384xi32, #tpu.memory_space<hbm>> -> memref<1x512xi32, #tpu.memory_space<hbm>>
    %dma_wait3A_518 = tpu.memref_squeeze %dma_wait3A_517 : memref<1x512xi32, #tpu.memory_space<hbm>> -> memref<512xi32, #tpu.memory_space<hbm>>
    %dma_wait3A_519 = arith.constant 3584 : i32
    %dma_wait3A_520 = tpu.memref_slice %arg5[%dma_wait3A_519] : memref<25600xi32, #tpu.memory_space<vmem>> -> memref<512xi32, #tpu.memory_space<vmem>>
    %dma_wait3A_521 = tpu.memref_slice %arg2[%dma_wait3A_514, %mul3A_2] : memref<50x16384xi32, #tpu.memory_space<hbm>> -> memref<1x512xi32, #tpu.memory_space<hbm>>
    %dma_wait3A_522 = tpu.memref_squeeze %dma_wait3A_521 : memref<1x512xi32, #tpu.memory_space<hbm>> -> memref<512xi32, #tpu.memory_space<hbm>>
    tpu.wait_dma2 semaphore(%arg7 : memref<!tpu.dma_semaphore, #tpu.memory_space<semaphore_mem>>) src(%dma_wait3A_522 : memref<512xi32, #tpu.memory_space<hbm>>) dst(%dma_wait3A_520 : memref<512xi32, #tpu.memory_space<vmem>>)
    %dma_wait3A_523 = arith.constant 8 : i32
    %dma_wait3A_524 = arith.constant 4096 : i32
    %dma_wait3A_525 = tpu.memref_slice %arg5[%dma_wait3A_524] : memref<25600xi32, #tpu.memory_space<vmem>> -> memref<512xi32, #tpu.memory_space<vmem>>
    %dma_wait3A_526 = tpu.memref_slice %arg2[%dma_wait3A_523, %mul3A_2] : memref<50x16384xi32, #tpu.memory_space<hbm>> -> memref<1x512xi32, #tpu.memory_space<hbm>>
    %dma_wait3A_527 = tpu.memref_squeeze %dma_wait3A_526 : memref<1x512xi32, #tpu.memory_space<hbm>> -> memref<512xi32, #tpu.memory_space<hbm>>
    %dma_wait3A_528 = arith.constant 4096 : i32
    %dma_wait3A_529 = tpu.memref_slice %arg5[%dma_wait3A_528] : memref<25600xi32, #tpu.memory_space<vmem>> -> memref<512xi32, #tpu.memory_space<vmem>>
    %dma_wait3A_530 = tpu.memref_slice %arg2[%dma_wait3A_523, %mul3A_2] : memref<50x16384xi32, #tpu.memory_space<hbm>> -> memref<1x512xi32, #tpu.memory_space<hbm>>
    %dma_wait3A_531 = tpu.memref_squeeze %dma_wait3A_530 : memref<1x512xi32, #tpu.memory_space<hbm>> -> memref<512xi32, #tpu.memory_space<hbm>>
    tpu.wait_dma2 semaphore(%arg7 : memref<!tpu.dma_semaphore, #tpu.memory_space<semaphore_mem>>) src(%dma_wait3A_531 : memref<512xi32, #tpu.memory_space<hbm>>) dst(%dma_wait3A_529 : memref<512xi32, #tpu.memory_space<vmem>>)
    %dma_wait3A_532 = arith.constant 9 : i32
    %dma_wait3A_533 = arith.constant 4608 : i32
    %dma_wait3A_534 = tpu.memref_slice %arg5[%dma_wait3A_533] : memref<25600xi32, #tpu.memory_space<vmem>> -> memref<512xi32, #tpu.memory_space<vmem>>
    %dma_wait3A_535 = tpu.memref_slice %arg2[%dma_wait3A_532, %mul3A_2] : memref<50x16384xi32, #tpu.memory_space<hbm>> -> memref<1x512xi32, #tpu.memory_space<hbm>>
    %dma_wait3A_536 = tpu.memref_squeeze %dma_wait3A_535 : memref<1x512xi32, #tpu.memory_space<hbm>> -> memref<512xi32, #tpu.memory_space<hbm>>
    %dma_wait3A_537 = arith.constant 4608 : i32
    %dma_wait3A_538 = tpu.memref_slice %arg5[%dma_wait3A_537] : memref<25600xi32, #tpu.memory_space<vmem>> -> memref<512xi32, #tpu.memory_space<vmem>>
    %dma_wait3A_539 = tpu.memref_slice %arg2[%dma_wait3A_532, %mul3A_2] : memref<50x16384xi32, #tpu.memory_space<hbm>> -> memref<1x512xi32, #tpu.memory_space<hbm>>
    %dma_wait3A_540 = tpu.memref_squeeze %dma_wait3A_539 : memref<1x512xi32, #tpu.memory_space<hbm>> -> memref<512xi32, #tpu.memory_space<hbm>>
    tpu.wait_dma2 semaphore(%arg7 : memref<!tpu.dma_semaphore, #tpu.memory_space<semaphore_mem>>) src(%dma_wait3A_540 : memref<512xi32, #tpu.memory_space<hbm>>) dst(%dma_wait3A_538 : memref<512xi32, #tpu.memory_space<vmem>>)
    %dma_wait3A_541 = arith.constant 10 : i32
    %dma_wait3A_542 = arith.constant 5120 : i32
    %dma_wait3A_543 = tpu.memref_slice %arg5[%dma_wait3A_542] : memref<25600xi32, #tpu.memory_space<vmem>> -> memref<512xi32, #tpu.memory_space<vmem>>
    %dma_wait3A_544 = tpu.memref_slice %arg2[%dma_wait3A_541, %mul3A_2] : memref<50x16384xi32, #tpu.memory_space<hbm>> -> memref<1x512xi32, #tpu.memory_space<hbm>>
    %dma_wait3A_545 = tpu.memref_squeeze %dma_wait3A_544 : memref<1x512xi32, #tpu.memory_space<hbm>> -> memref<512xi32, #tpu.memory_space<hbm>>
    %dma_wait3A_546 = arith.constant 5120 : i32
    %dma_wait3A_547 = tpu.memref_slice %arg5[%dma_wait3A_546] : memref<25600xi32, #tpu.memory_space<vmem>> -> memref<512xi32, #tpu.memory_space<vmem>>
    %dma_wait3A_548 = tpu.memref_slice %arg2[%dma_wait3A_541, %mul3A_2] : memref<50x16384xi32, #tpu.memory_space<hbm>> -> memref<1x512xi32, #tpu.memory_space<hbm>>
    %dma_wait3A_549 = tpu.memref_squeeze %dma_wait3A_548 : memref<1x512xi32, #tpu.memory_space<hbm>> -> memref<512xi32, #tpu.memory_space<hbm>>
    tpu.wait_dma2 semaphore(%arg7 : memref<!tpu.dma_semaphore, #tpu.memory_space<semaphore_mem>>) src(%dma_wait3A_549 : memref<512xi32, #tpu.memory_space<hbm>>) dst(%dma_wait3A_547 : memref<512xi32, #tpu.memory_space<vmem>>)
    %dma_wait3A_550 = arith.constant 11 : i32
    %dma_wait3A_551 = arith.constant 5632 : i32
    %dma_wait3A_552 = tpu.memref_slice %arg5[%dma_wait3A_551] : memref<25600xi32, #tpu.memory_space<vmem>> -> memref<512xi32, #tpu.memory_space<vmem>>
    %dma_wait3A_553 = tpu.memref_slice %arg2[%dma_wait3A_550, %mul3A_2] : memref<50x16384xi32, #tpu.memory_space<hbm>> -> memref<1x512xi32, #tpu.memory_space<hbm>>
    %dma_wait3A_554 = tpu.memref_squeeze %dma_wait3A_553 : memref<1x512xi32, #tpu.memory_space<hbm>> -> memref<512xi32, #tpu.memory_space<hbm>>
    %dma_wait3A_555 = arith.constant 5632 : i32
    %dma_wait3A_556 = tpu.memref_slice %arg5[%dma_wait3A_555] : memref<25600xi32, #tpu.memory_space<vmem>> -> memref<512xi32, #tpu.memory_space<vmem>>
    %dma_wait3A_557 = tpu.memref_slice %arg2[%dma_wait3A_550, %mul3A_2] : memref<50x16384xi32, #tpu.memory_space<hbm>> -> memref<1x512xi32, #tpu.memory_space<hbm>>
    %dma_wait3A_558 = tpu.memref_squeeze %dma_wait3A_557 : memref<1x512xi32, #tpu.memory_space<hbm>> -> memref<512xi32, #tpu.memory_space<hbm>>
    tpu.wait_dma2 semaphore(%arg7 : memref<!tpu.dma_semaphore, #tpu.memory_space<semaphore_mem>>) src(%dma_wait3A_558 : memref<512xi32, #tpu.memory_space<hbm>>) dst(%dma_wait3A_556 : memref<512xi32, #tpu.memory_space<vmem>>)
    %dma_wait3A_559 = arith.constant 12 : i32
    %dma_wait3A_560 = arith.constant 6144 : i32
    %dma_wait3A_561 = tpu.memref_slice %arg5[%dma_wait3A_560] : memref<25600xi32, #tpu.memory_space<vmem>> -> memref<512xi32, #tpu.memory_space<vmem>>
    %dma_wait3A_562 = tpu.memref_slice %arg2[%dma_wait3A_559, %mul3A_2] : memref<50x16384xi32, #tpu.memory_space<hbm>> -> memref<1x512xi32, #tpu.memory_space<hbm>>
    %dma_wait3A_563 = tpu.memref_squeeze %dma_wait3A_562 : memref<1x512xi32, #tpu.memory_space<hbm>> -> memref<512xi32, #tpu.memory_space<hbm>>
    %dma_wait3A_564 = arith.constant 6144 : i32
    %dma_wait3A_565 = tpu.memref_slice %arg5[%dma_wait3A_564] : memref<25600xi32, #tpu.memory_space<vmem>> -> memref<512xi32, #tpu.memory_space<vmem>>
    %dma_wait3A_566 = tpu.memref_slice %arg2[%dma_wait3A_559, %mul3A_2] : memref<50x16384xi32, #tpu.memory_space<hbm>> -> memref<1x512xi32, #tpu.memory_space<hbm>>
    %dma_wait3A_567 = tpu.memref_squeeze %dma_wait3A_566 : memref<1x512xi32, #tpu.memory_space<hbm>> -> memref<512xi32, #tpu.memory_space<hbm>>
    tpu.wait_dma2 semaphore(%arg7 : memref<!tpu.dma_semaphore, #tpu.memory_space<semaphore_mem>>) src(%dma_wait3A_567 : memref<512xi32, #tpu.memory_space<hbm>>) dst(%dma_wait3A_565 : memref<512xi32, #tpu.memory_space<vmem>>)
    %dma_wait3A_568 = arith.constant 13 : i32
    %dma_wait3A_569 = arith.constant 6656 : i32
    %dma_wait3A_570 = tpu.memref_slice %arg5[%dma_wait3A_569] : memref<25600xi32, #tpu.memory_space<vmem>> -> memref<512xi32, #tpu.memory_space<vmem>>
    %dma_wait3A_571 = tpu.memref_slice %arg2[%dma_wait3A_568, %mul3A_2] : memref<50x16384xi32, #tpu.memory_space<hbm>> -> memref<1x512xi32, #tpu.memory_space<hbm>>
    %dma_wait3A_572 = tpu.memref_squeeze %dma_wait3A_571 : memref<1x512xi32, #tpu.memory_space<hbm>> -> memref<512xi32, #tpu.memory_space<hbm>>
    %dma_wait3A_573 = arith.constant 6656 : i32
    %dma_wait3A_574 = tpu.memref_slice %arg5[%dma_wait3A_573] : memref<25600xi32, #tpu.memory_space<vmem>> -> memref<512xi32, #tpu.memory_space<vmem>>
    %dma_wait3A_575 = tpu.memref_slice %arg2[%dma_wait3A_568, %mul3A_2] : memref<50x16384xi32, #tpu.memory_space<hbm>> -> memref<1x512xi32, #tpu.memory_space<hbm>>
    %dma_wait3A_576 = tpu.memref_squeeze %dma_wait3A_575 : memref<1x512xi32, #tpu.memory_space<hbm>> -> memref<512xi32, #tpu.memory_space<hbm>>
    tpu.wait_dma2 semaphore(%arg7 : memref<!tpu.dma_semaphore, #tpu.memory_space<semaphore_mem>>) src(%dma_wait3A_576 : memref<512xi32, #tpu.memory_space<hbm>>) dst(%dma_wait3A_574 : memref<512xi32, #tpu.memory_space<vmem>>)
    %dma_wait3A_577 = arith.constant 14 : i32
    %dma_wait3A_578 = arith.constant 7168 : i32
    %dma_wait3A_579 = tpu.memref_slice %arg5[%dma_wait3A_578] : memref<25600xi32, #tpu.memory_space<vmem>> -> memref<512xi32, #tpu.memory_space<vmem>>
    %dma_wait3A_580 = tpu.memref_slice %arg2[%dma_wait3A_577, %mul3A_2] : memref<50x16384xi32, #tpu.memory_space<hbm>> -> memref<1x512xi32, #tpu.memory_space<hbm>>
    %dma_wait3A_581 = tpu.memref_squeeze %dma_wait3A_580 : memref<1x512xi32, #tpu.memory_space<hbm>> -> memref<512xi32, #tpu.memory_space<hbm>>
    %dma_wait3A_582 = arith.constant 7168 : i32
    %dma_wait3A_583 = tpu.memref_slice %arg5[%dma_wait3A_582] : memref<25600xi32, #tpu.memory_space<vmem>> -> memref<512xi32, #tpu.memory_space<vmem>>
    %dma_wait3A_584 = tpu.memref_slice %arg2[%dma_wait3A_577, %mul3A_2] : memref<50x16384xi32, #tpu.memory_space<hbm>> -> memref<1x512xi32, #tpu.memory_space<hbm>>
    %dma_wait3A_585 = tpu.memref_squeeze %dma_wait3A_584 : memref<1x512xi32, #tpu.memory_space<hbm>> -> memref<512xi32, #tpu.memory_space<hbm>>
    tpu.wait_dma2 semaphore(%arg7 : memref<!tpu.dma_semaphore, #tpu.memory_space<semaphore_mem>>) src(%dma_wait3A_585 : memref<512xi32, #tpu.memory_space<hbm>>) dst(%dma_wait3A_583 : memref<512xi32, #tpu.memory_space<vmem>>)
    %dma_wait3A_586 = arith.constant 15 : i32
    %dma_wait3A_587 = arith.constant 7680 : i32
    %dma_wait3A_588 = tpu.memref_slice %arg5[%dma_wait3A_587] : memref<25600xi32, #tpu.memory_space<vmem>> -> memref<512xi32, #tpu.memory_space<vmem>>
    %dma_wait3A_589 = tpu.memref_slice %arg2[%dma_wait3A_586, %mul3A_2] : memref<50x16384xi32, #tpu.memory_space<hbm>> -> memref<1x512xi32, #tpu.memory_space<hbm>>
    %dma_wait3A_590 = tpu.memref_squeeze %dma_wait3A_589 : memref<1x512xi32, #tpu.memory_space<hbm>> -> memref<512xi32, #tpu.memory_space<hbm>>
    %dma_wait3A_591 = arith.constant 7680 : i32
    %dma_wait3A_592 = tpu.memref_slice %arg5[%dma_wait3A_591] : memref<25600xi32, #tpu.memory_space<vmem>> -> memref<512xi32, #tpu.memory_space<vmem>>
    %dma_wait3A_593 = tpu.memref_slice %arg2[%dma_wait3A_586, %mul3A_2] : memref<50x16384xi32, #tpu.memory_space<hbm>> -> memref<1x512xi32, #tpu.memory_space<hbm>>
    %dma_wait3A_594 = tpu.memref_squeeze %dma_wait3A_593 : memref<1x512xi32, #tpu.memory_space<hbm>> -> memref<512xi32, #tpu.memory_space<hbm>>
    tpu.wait_dma2 semaphore(%arg7 : memref<!tpu.dma_semaphore, #tpu.memory_space<semaphore_mem>>) src(%dma_wait3A_594 : memref<512xi32, #tpu.memory_space<hbm>>) dst(%dma_wait3A_592 : memref<512xi32, #tpu.memory_space<vmem>>)
    %dma_wait3A_595 = arith.constant 16 : i32
    %dma_wait3A_596 = arith.constant 8192 : i32
    %dma_wait3A_597 = tpu.memref_slice %arg5[%dma_wait3A_596] : memref<25600xi32, #tpu.memory_space<vmem>> -> memref<512xi32, #tpu.memory_space<vmem>>
    %dma_wait3A_598 = tpu.memref_slice %arg2[%dma_wait3A_595, %mul3A_2] : memref<50x16384xi32, #tpu.memory_space<hbm>> -> memref<1x512xi32, #tpu.memory_space<hbm>>
    %dma_wait3A_599 = tpu.memref_squeeze %dma_wait3A_598 : memref<1x512xi32, #tpu.memory_space<hbm>> -> memref<512xi32, #tpu.memory_space<hbm>>
    %dma_wait3A_600 = arith.constant 8192 : i32
    %dma_wait3A_601 = tpu.memref_slice %arg5[%dma_wait3A_600] : memref<25600xi32, #tpu.memory_space<vmem>> -> memref<512xi32, #tpu.memory_space<vmem>>
    %dma_wait3A_602 = tpu.memref_slice %arg2[%dma_wait3A_595, %mul3A_2] : memref<50x16384xi32, #tpu.memory_space<hbm>> -> memref<1x512xi32, #tpu.memory_space<hbm>>
    %dma_wait3A_603 = tpu.memref_squeeze %dma_wait3A_602 : memref<1x512xi32, #tpu.memory_space<hbm>> -> memref<512xi32, #tpu.memory_space<hbm>>
    tpu.wait_dma2 semaphore(%arg7 : memref<!tpu.dma_semaphore, #tpu.memory_space<semaphore_mem>>) src(%dma_wait3A_603 : memref<512xi32, #tpu.memory_space<hbm>>) dst(%dma_wait3A_601 : memref<512xi32, #tpu.memory_space<vmem>>)
    %dma_wait3A_604 = arith.constant 17 : i32
    %dma_wait3A_605 = arith.constant 8704 : i32
    %dma_wait3A_606 = tpu.memref_slice %arg5[%dma_wait3A_605] : memref<25600xi32, #tpu.memory_space<vmem>> -> memref<512xi32, #tpu.memory_space<vmem>>
    %dma_wait3A_607 = tpu.memref_slice %arg2[%dma_wait3A_604, %mul3A_2] : memref<50x16384xi32, #tpu.memory_space<hbm>> -> memref<1x512xi32, #tpu.memory_space<hbm>>
    %dma_wait3A_608 = tpu.memref_squeeze %dma_wait3A_607 : memref<1x512xi32, #tpu.memory_space<hbm>> -> memref<512xi32, #tpu.memory_space<hbm>>
    %dma_wait3A_609 = arith.constant 8704 : i32
    %dma_wait3A_610 = tpu.memref_slice %arg5[%dma_wait3A_609] : memref<25600xi32, #tpu.memory_space<vmem>> -> memref<512xi32, #tpu.memory_space<vmem>>
    %dma_wait3A_611 = tpu.memref_slice %arg2[%dma_wait3A_604, %mul3A_2] : memref<50x16384xi32, #tpu.memory_space<hbm>> -> memref<1x512xi32, #tpu.memory_space<hbm>>
    %dma_wait3A_612 = tpu.memref_squeeze %dma_wait3A_611 : memref<1x512xi32, #tpu.memory_space<hbm>> -> memref<512xi32, #tpu.memory_space<hbm>>
    tpu.wait_dma2 semaphore(%arg7 : memref<!tpu.dma_semaphore, #tpu.memory_space<semaphore_mem>>) src(%dma_wait3A_612 : memref<512xi32, #tpu.memory_space<hbm>>) dst(%dma_wait3A_610 : memref<512xi32, #tpu.memory_space<vmem>>)
    %dma_wait3A_613 = arith.constant 18 : i32
    %dma_wait3A_614 = arith.constant 9216 : i32
    %dma_wait3A_615 = tpu.memref_slice %arg5[%dma_wait3A_614] : memref<25600xi32, #tpu.memory_space<vmem>> -> memref<512xi32, #tpu.memory_space<vmem>>
    %dma_wait3A_616 = tpu.memref_slice %arg2[%dma_wait3A_613, %mul3A_2] : memref<50x16384xi32, #tpu.memory_space<hbm>> -> memref<1x512xi32, #tpu.memory_space<hbm>>
    %dma_wait3A_617 = tpu.memref_squeeze %dma_wait3A_616 : memref<1x512xi32, #tpu.memory_space<hbm>> -> memref<512xi32, #tpu.memory_space<hbm>>
    %dma_wait3A_618 = arith.constant 9216 : i32
    %dma_wait3A_619 = tpu.memref_slice %arg5[%dma_wait3A_618] : memref<25600xi32, #tpu.memory_space<vmem>> -> memref<512xi32, #tpu.memory_space<vmem>>
    %dma_wait3A_620 = tpu.memref_slice %arg2[%dma_wait3A_613, %mul3A_2] : memref<50x16384xi32, #tpu.memory_space<hbm>> -> memref<1x512xi32, #tpu.memory_space<hbm>>
    %dma_wait3A_621 = tpu.memref_squeeze %dma_wait3A_620 : memref<1x512xi32, #tpu.memory_space<hbm>> -> memref<512xi32, #tpu.memory_space<hbm>>
    tpu.wait_dma2 semaphore(%arg7 : memref<!tpu.dma_semaphore, #tpu.memory_space<semaphore_mem>>) src(%dma_wait3A_621 : memref<512xi32, #tpu.memory_space<hbm>>) dst(%dma_wait3A_619 : memref<512xi32, #tpu.memory_space<vmem>>)
    %dma_wait3A_622 = arith.constant 19 : i32
    %dma_wait3A_623 = arith.constant 9728 : i32
    %dma_wait3A_624 = tpu.memref_slice %arg5[%dma_wait3A_623] : memref<25600xi32, #tpu.memory_space<vmem>> -> memref<512xi32, #tpu.memory_space<vmem>>
    %dma_wait3A_625 = tpu.memref_slice %arg2[%dma_wait3A_622, %mul3A_2] : memref<50x16384xi32, #tpu.memory_space<hbm>> -> memref<1x512xi32, #tpu.memory_space<hbm>>
    %dma_wait3A_626 = tpu.memref_squeeze %dma_wait3A_625 : memref<1x512xi32, #tpu.memory_space<hbm>> -> memref<512xi32, #tpu.memory_space<hbm>>
    %dma_wait3A_627 = arith.constant 9728 : i32
    %dma_wait3A_628 = tpu.memref_slice %arg5[%dma_wait3A_627] : memref<25600xi32, #tpu.memory_space<vmem>> -> memref<512xi32, #tpu.memory_space<vmem>>
    %dma_wait3A_629 = tpu.memref_slice %arg2[%dma_wait3A_622, %mul3A_2] : memref<50x16384xi32, #tpu.memory_space<hbm>> -> memref<1x512xi32, #tpu.memory_space<hbm>>
    %dma_wait3A_630 = tpu.memref_squeeze %dma_wait3A_629 : memref<1x512xi32, #tpu.memory_space<hbm>> -> memref<512xi32, #tpu.memory_space<hbm>>
    tpu.wait_dma2 semaphore(%arg7 : memref<!tpu.dma_semaphore, #tpu.memory_space<semaphore_mem>>) src(%dma_wait3A_630 : memref<512xi32, #tpu.memory_space<hbm>>) dst(%dma_wait3A_628 : memref<512xi32, #tpu.memory_space<vmem>>)
    %dma_wait3A_631 = arith.constant 20 : i32
    %dma_wait3A_632 = arith.constant 10240 : i32
    %dma_wait3A_633 = tpu.memref_slice %arg5[%dma_wait3A_632] : memref<25600xi32, #tpu.memory_space<vmem>> -> memref<512xi32, #tpu.memory_space<vmem>>
    %dma_wait3A_634 = tpu.memref_slice %arg2[%dma_wait3A_631, %mul3A_2] : memref<50x16384xi32, #tpu.memory_space<hbm>> -> memref<1x512xi32, #tpu.memory_space<hbm>>
    %dma_wait3A_635 = tpu.memref_squeeze %dma_wait3A_634 : memref<1x512xi32, #tpu.memory_space<hbm>> -> memref<512xi32, #tpu.memory_space<hbm>>
    %dma_wait3A_636 = arith.constant 10240 : i32
    %dma_wait3A_637 = tpu.memref_slice %arg5[%dma_wait3A_636] : memref<25600xi32, #tpu.memory_space<vmem>> -> memref<512xi32, #tpu.memory_space<vmem>>
    %dma_wait3A_638 = tpu.memref_slice %arg2[%dma_wait3A_631, %mul3A_2] : memref<50x16384xi32, #tpu.memory_space<hbm>> -> memref<1x512xi32, #tpu.memory_space<hbm>>
    %dma_wait3A_639 = tpu.memref_squeeze %dma_wait3A_638 : memref<1x512xi32, #tpu.memory_space<hbm>> -> memref<512xi32, #tpu.memory_space<hbm>>
    tpu.wait_dma2 semaphore(%arg7 : memref<!tpu.dma_semaphore, #tpu.memory_space<semaphore_mem>>) src(%dma_wait3A_639 : memref<512xi32, #tpu.memory_space<hbm>>) dst(%dma_wait3A_637 : memref<512xi32, #tpu.memory_space<vmem>>)
    %dma_wait3A_640 = arith.constant 21 : i32
    %dma_wait3A_641 = arith.constant 10752 : i32
    %dma_wait3A_642 = tpu.memref_slice %arg5[%dma_wait3A_641] : memref<25600xi32, #tpu.memory_space<vmem>> -> memref<512xi32, #tpu.memory_space<vmem>>
    %dma_wait3A_643 = tpu.memref_slice %arg2[%dma_wait3A_640, %mul3A_2] : memref<50x16384xi32, #tpu.memory_space<hbm>> -> memref<1x512xi32, #tpu.memory_space<hbm>>
    %dma_wait3A_644 = tpu.memref_squeeze %dma_wait3A_643 : memref<1x512xi32, #tpu.memory_space<hbm>> -> memref<512xi32, #tpu.memory_space<hbm>>
    %dma_wait3A_645 = arith.constant 10752 : i32
    %dma_wait3A_646 = tpu.memref_slice %arg5[%dma_wait3A_645] : memref<25600xi32, #tpu.memory_space<vmem>> -> memref<512xi32, #tpu.memory_space<vmem>>
    %dma_wait3A_647 = tpu.memref_slice %arg2[%dma_wait3A_640, %mul3A_2] : memref<50x16384xi32, #tpu.memory_space<hbm>> -> memref<1x512xi32, #tpu.memory_space<hbm>>
    %dma_wait3A_648 = tpu.memref_squeeze %dma_wait3A_647 : memref<1x512xi32, #tpu.memory_space<hbm>> -> memref<512xi32, #tpu.memory_space<hbm>>
    tpu.wait_dma2 semaphore(%arg7 : memref<!tpu.dma_semaphore, #tpu.memory_space<semaphore_mem>>) src(%dma_wait3A_648 : memref<512xi32, #tpu.memory_space<hbm>>) dst(%dma_wait3A_646 : memref<512xi32, #tpu.memory_space<vmem>>)
    %dma_wait3A_649 = arith.constant 22 : i32
    %dma_wait3A_650 = arith.constant 11264 : i32
    %dma_wait3A_651 = tpu.memref_slice %arg5[%dma_wait3A_650] : memref<25600xi32, #tpu.memory_space<vmem>> -> memref<512xi32, #tpu.memory_space<vmem>>
    %dma_wait3A_652 = tpu.memref_slice %arg2[%dma_wait3A_649, %mul3A_2] : memref<50x16384xi32, #tpu.memory_space<hbm>> -> memref<1x512xi32, #tpu.memory_space<hbm>>
    %dma_wait3A_653 = tpu.memref_squeeze %dma_wait3A_652 : memref<1x512xi32, #tpu.memory_space<hbm>> -> memref<512xi32, #tpu.memory_space<hbm>>
    %dma_wait3A_654 = arith.constant 11264 : i32
    %dma_wait3A_655 = tpu.memref_slice %arg5[%dma_wait3A_654] : memref<25600xi32, #tpu.memory_space<vmem>> -> memref<512xi32, #tpu.memory_space<vmem>>
    %dma_wait3A_656 = tpu.memref_slice %arg2[%dma_wait3A_649, %mul3A_2] : memref<50x16384xi32, #tpu.memory_space<hbm>> -> memref<1x512xi32, #tpu.memory_space<hbm>>
    %dma_wait3A_657 = tpu.memref_squeeze %dma_wait3A_656 : memref<1x512xi32, #tpu.memory_space<hbm>> -> memref<512xi32, #tpu.memory_space<hbm>>
    tpu.wait_dma2 semaphore(%arg7 : memref<!tpu.dma_semaphore, #tpu.memory_space<semaphore_mem>>) src(%dma_wait3A_657 : memref<512xi32, #tpu.memory_space<hbm>>) dst(%dma_wait3A_655 : memref<512xi32, #tpu.memory_space<vmem>>)
    %dma_wait3A_658 = arith.constant 23 : i32
    %dma_wait3A_659 = arith.constant 11776 : i32
    %dma_wait3A_660 = tpu.memref_slice %arg5[%dma_wait3A_659] : memref<25600xi32, #tpu.memory_space<vmem>> -> memref<512xi32, #tpu.memory_space<vmem>>
    %dma_wait3A_661 = tpu.memref_slice %arg2[%dma_wait3A_658, %mul3A_2] : memref<50x16384xi32, #tpu.memory_space<hbm>> -> memref<1x512xi32, #tpu.memory_space<hbm>>
    %dma_wait3A_662 = tpu.memref_squeeze %dma_wait3A_661 : memref<1x512xi32, #tpu.memory_space<hbm>> -> memref<512xi32, #tpu.memory_space<hbm>>
    %dma_wait3A_663 = arith.constant 11776 : i32
    %dma_wait3A_664 = tpu.memref_slice %arg5[%dma_wait3A_663] : memref<25600xi32, #tpu.memory_space<vmem>> -> memref<512xi32, #tpu.memory_space<vmem>>
    %dma_wait3A_665 = tpu.memref_slice %arg2[%dma_wait3A_658, %mul3A_2] : memref<50x16384xi32, #tpu.memory_space<hbm>> -> memref<1x512xi32, #tpu.memory_space<hbm>>
    %dma_wait3A_666 = tpu.memref_squeeze %dma_wait3A_665 : memref<1x512xi32, #tpu.memory_space<hbm>> -> memref<512xi32, #tpu.memory_space<hbm>>
    tpu.wait_dma2 semaphore(%arg7 : memref<!tpu.dma_semaphore, #tpu.memory_space<semaphore_mem>>) src(%dma_wait3A_666 : memref<512xi32, #tpu.memory_space<hbm>>) dst(%dma_wait3A_664 : memref<512xi32, #tpu.memory_space<vmem>>)
    %dma_wait3A_667 = arith.constant 24 : i32
    %dma_wait3A_668 = arith.constant 12288 : i32
    %dma_wait3A_669 = tpu.memref_slice %arg5[%dma_wait3A_668] : memref<25600xi32, #tpu.memory_space<vmem>> -> memref<512xi32, #tpu.memory_space<vmem>>
    %dma_wait3A_670 = tpu.memref_slice %arg2[%dma_wait3A_667, %mul3A_2] : memref<50x16384xi32, #tpu.memory_space<hbm>> -> memref<1x512xi32, #tpu.memory_space<hbm>>
    %dma_wait3A_671 = tpu.memref_squeeze %dma_wait3A_670 : memref<1x512xi32, #tpu.memory_space<hbm>> -> memref<512xi32, #tpu.memory_space<hbm>>
    %dma_wait3A_672 = arith.constant 12288 : i32
    %dma_wait3A_673 = tpu.memref_slice %arg5[%dma_wait3A_672] : memref<25600xi32, #tpu.memory_space<vmem>> -> memref<512xi32, #tpu.memory_space<vmem>>
    %dma_wait3A_674 = tpu.memref_slice %arg2[%dma_wait3A_667, %mul3A_2] : memref<50x16384xi32, #tpu.memory_space<hbm>> -> memref<1x512xi32, #tpu.memory_space<hbm>>
    %dma_wait3A_675 = tpu.memref_squeeze %dma_wait3A_674 : memref<1x512xi32, #tpu.memory_space<hbm>> -> memref<512xi32, #tpu.memory_space<hbm>>
    tpu.wait_dma2 semaphore(%arg7 : memref<!tpu.dma_semaphore, #tpu.memory_space<semaphore_mem>>) src(%dma_wait3A_675 : memref<512xi32, #tpu.memory_space<hbm>>) dst(%dma_wait3A_673 : memref<512xi32, #tpu.memory_space<vmem>>)
    %dma_wait3A_676 = arith.constant 25 : i32
    %dma_wait3A_677 = arith.constant 12800 : i32
    %dma_wait3A_678 = tpu.memref_slice %arg5[%dma_wait3A_677] : memref<25600xi32, #tpu.memory_space<vmem>> -> memref<512xi32, #tpu.memory_space<vmem>>
    %dma_wait3A_679 = tpu.memref_slice %arg2[%dma_wait3A_676, %mul3A_2] : memref<50x16384xi32, #tpu.memory_space<hbm>> -> memref<1x512xi32, #tpu.memory_space<hbm>>
    %dma_wait3A_680 = tpu.memref_squeeze %dma_wait3A_679 : memref<1x512xi32, #tpu.memory_space<hbm>> -> memref<512xi32, #tpu.memory_space<hbm>>
    %dma_wait3A_681 = arith.constant 12800 : i32
    %dma_wait3A_682 = tpu.memref_slice %arg5[%dma_wait3A_681] : memref<25600xi32, #tpu.memory_space<vmem>> -> memref<512xi32, #tpu.memory_space<vmem>>
    %dma_wait3A_683 = tpu.memref_slice %arg2[%dma_wait3A_676, %mul3A_2] : memref<50x16384xi32, #tpu.memory_space<hbm>> -> memref<1x512xi32, #tpu.memory_space<hbm>>
    %dma_wait3A_684 = tpu.memref_squeeze %dma_wait3A_683 : memref<1x512xi32, #tpu.memory_space<hbm>> -> memref<512xi32, #tpu.memory_space<hbm>>
    tpu.wait_dma2 semaphore(%arg7 : memref<!tpu.dma_semaphore, #tpu.memory_space<semaphore_mem>>) src(%dma_wait3A_684 : memref<512xi32, #tpu.memory_space<hbm>>) dst(%dma_wait3A_682 : memref<512xi32, #tpu.memory_space<vmem>>)
    %dma_wait3A_685 = arith.constant 26 : i32
    %dma_wait3A_686 = arith.constant 13312 : i32
    %dma_wait3A_687 = tpu.memref_slice %arg5[%dma_wait3A_686] : memref<25600xi32, #tpu.memory_space<vmem>> -> memref<512xi32, #tpu.memory_space<vmem>>
    %dma_wait3A_688 = tpu.memref_slice %arg2[%dma_wait3A_685, %mul3A_2] : memref<50x16384xi32, #tpu.memory_space<hbm>> -> memref<1x512xi32, #tpu.memory_space<hbm>>
    %dma_wait3A_689 = tpu.memref_squeeze %dma_wait3A_688 : memref<1x512xi32, #tpu.memory_space<hbm>> -> memref<512xi32, #tpu.memory_space<hbm>>
    %dma_wait3A_690 = arith.constant 13312 : i32
    %dma_wait3A_691 = tpu.memref_slice %arg5[%dma_wait3A_690] : memref<25600xi32, #tpu.memory_space<vmem>> -> memref<512xi32, #tpu.memory_space<vmem>>
    %dma_wait3A_692 = tpu.memref_slice %arg2[%dma_wait3A_685, %mul3A_2] : memref<50x16384xi32, #tpu.memory_space<hbm>> -> memref<1x512xi32, #tpu.memory_space<hbm>>
    %dma_wait3A_693 = tpu.memref_squeeze %dma_wait3A_692 : memref<1x512xi32, #tpu.memory_space<hbm>> -> memref<512xi32, #tpu.memory_space<hbm>>
    tpu.wait_dma2 semaphore(%arg7 : memref<!tpu.dma_semaphore, #tpu.memory_space<semaphore_mem>>) src(%dma_wait3A_693 : memref<512xi32, #tpu.memory_space<hbm>>) dst(%dma_wait3A_691 : memref<512xi32, #tpu.memory_space<vmem>>)
    %dma_wait3A_694 = arith.constant 27 : i32
    %dma_wait3A_695 = arith.constant 13824 : i32
    %dma_wait3A_696 = tpu.memref_slice %arg5[%dma_wait3A_695] : memref<25600xi32, #tpu.memory_space<vmem>> -> memref<512xi32, #tpu.memory_space<vmem>>
    %dma_wait3A_697 = tpu.memref_slice %arg2[%dma_wait3A_694, %mul3A_2] : memref<50x16384xi32, #tpu.memory_space<hbm>> -> memref<1x512xi32, #tpu.memory_space<hbm>>
    %dma_wait3A_698 = tpu.memref_squeeze %dma_wait3A_697 : memref<1x512xi32, #tpu.memory_space<hbm>> -> memref<512xi32, #tpu.memory_space<hbm>>
    %dma_wait3A_699 = arith.constant 13824 : i32
    %dma_wait3A_700 = tpu.memref_slice %arg5[%dma_wait3A_699] : memref<25600xi32, #tpu.memory_space<vmem>> -> memref<512xi32, #tpu.memory_space<vmem>>
    %dma_wait3A_701 = tpu.memref_slice %arg2[%dma_wait3A_694, %mul3A_2] : memref<50x16384xi32, #tpu.memory_space<hbm>> -> memref<1x512xi32, #tpu.memory_space<hbm>>
    %dma_wait3A_702 = tpu.memref_squeeze %dma_wait3A_701 : memref<1x512xi32, #tpu.memory_space<hbm>> -> memref<512xi32, #tpu.memory_space<hbm>>
    tpu.wait_dma2 semaphore(%arg7 : memref<!tpu.dma_semaphore, #tpu.memory_space<semaphore_mem>>) src(%dma_wait3A_702 : memref<512xi32, #tpu.memory_space<hbm>>) dst(%dma_wait3A_700 : memref<512xi32, #tpu.memory_space<vmem>>)
    %dma_wait3A_703 = arith.constant 28 : i32
    %dma_wait3A_704 = arith.constant 14336 : i32
    %dma_wait3A_705 = tpu.memref_slice %arg5[%dma_wait3A_704] : memref<25600xi32, #tpu.memory_space<vmem>> -> memref<512xi32, #tpu.memory_space<vmem>>
    %dma_wait3A_706 = tpu.memref_slice %arg2[%dma_wait3A_703, %mul3A_2] : memref<50x16384xi32, #tpu.memory_space<hbm>> -> memref<1x512xi32, #tpu.memory_space<hbm>>
    %dma_wait3A_707 = tpu.memref_squeeze %dma_wait3A_706 : memref<1x512xi32, #tpu.memory_space<hbm>> -> memref<512xi32, #tpu.memory_space<hbm>>
    %dma_wait3A_708 = arith.constant 14336 : i32
    %dma_wait3A_709 = tpu.memref_slice %arg5[%dma_wait3A_708] : memref<25600xi32, #tpu.memory_space<vmem>> -> memref<512xi32, #tpu.memory_space<vmem>>
    %dma_wait3A_710 = tpu.memref_slice %arg2[%dma_wait3A_703, %mul3A_2] : memref<50x16384xi32, #tpu.memory_space<hbm>> -> memref<1x512xi32, #tpu.memory_space<hbm>>
    %dma_wait3A_711 = tpu.memref_squeeze %dma_wait3A_710 : memref<1x512xi32, #tpu.memory_space<hbm>> -> memref<512xi32, #tpu.memory_space<hbm>>
    tpu.wait_dma2 semaphore(%arg7 : memref<!tpu.dma_semaphore, #tpu.memory_space<semaphore_mem>>) src(%dma_wait3A_711 : memref<512xi32, #tpu.memory_space<hbm>>) dst(%dma_wait3A_709 : memref<512xi32, #tpu.memory_space<vmem>>)
    %dma_wait3A_712 = arith.constant 29 : i32
    %dma_wait3A_713 = arith.constant 14848 : i32
    %dma_wait3A_714 = tpu.memref_slice %arg5[%dma_wait3A_713] : memref<25600xi32, #tpu.memory_space<vmem>> -> memref<512xi32, #tpu.memory_space<vmem>>
    %dma_wait3A_715 = tpu.memref_slice %arg2[%dma_wait3A_712, %mul3A_2] : memref<50x16384xi32, #tpu.memory_space<hbm>> -> memref<1x512xi32, #tpu.memory_space<hbm>>
    %dma_wait3A_716 = tpu.memref_squeeze %dma_wait3A_715 : memref<1x512xi32, #tpu.memory_space<hbm>> -> memref<512xi32, #tpu.memory_space<hbm>>
    %dma_wait3A_717 = arith.constant 14848 : i32
    %dma_wait3A_718 = tpu.memref_slice %arg5[%dma_wait3A_717] : memref<25600xi32, #tpu.memory_space<vmem>> -> memref<512xi32, #tpu.memory_space<vmem>>
    %dma_wait3A_719 = tpu.memref_slice %arg2[%dma_wait3A_712, %mul3A_2] : memref<50x16384xi32, #tpu.memory_space<hbm>> -> memref<1x512xi32, #tpu.memory_space<hbm>>
    %dma_wait3A_720 = tpu.memref_squeeze %dma_wait3A_719 : memref<1x512xi32, #tpu.memory_space<hbm>> -> memref<512xi32, #tpu.memory_space<hbm>>
    tpu.wait_dma2 semaphore(%arg7 : memref<!tpu.dma_semaphore, #tpu.memory_space<semaphore_mem>>) src(%dma_wait3A_720 : memref<512xi32, #tpu.memory_space<hbm>>) dst(%dma_wait3A_718 : memref<512xi32, #tpu.memory_space<vmem>>)
    %dma_wait3A_721 = arith.constant 30 : i32
    %dma_wait3A_722 = arith.constant 15360 : i32
    %dma_wait3A_723 = tpu.memref_slice %arg5[%dma_wait3A_722] : memref<25600xi32, #tpu.memory_space<vmem>> -> memref<512xi32, #tpu.memory_space<vmem>>
    %dma_wait3A_724 = tpu.memref_slice %arg2[%dma_wait3A_721, %mul3A_2] : memref<50x16384xi32, #tpu.memory_space<hbm>> -> memref<1x512xi32, #tpu.memory_space<hbm>>
    %dma_wait3A_725 = tpu.memref_squeeze %dma_wait3A_724 : memref<1x512xi32, #tpu.memory_space<hbm>> -> memref<512xi32, #tpu.memory_space<hbm>>
    %dma_wait3A_726 = arith.constant 15360 : i32
    %dma_wait3A_727 = tpu.memref_slice %arg5[%dma_wait3A_726] : memref<25600xi32, #tpu.memory_space<vmem>> -> memref<512xi32, #tpu.memory_space<vmem>>
    %dma_wait3A_728 = tpu.memref_slice %arg2[%dma_wait3A_721, %mul3A_2] : memref<50x16384xi32, #tpu.memory_space<hbm>> -> memref<1x512xi32, #tpu.memory_space<hbm>>
    %dma_wait3A_729 = tpu.memref_squeeze %dma_wait3A_728 : memref<1x512xi32, #tpu.memory_space<hbm>> -> memref<512xi32, #tpu.memory_space<hbm>>
    tpu.wait_dma2 semaphore(%arg7 : memref<!tpu.dma_semaphore, #tpu.memory_space<semaphore_mem>>) src(%dma_wait3A_729 : memref<512xi32, #tpu.memory_space<hbm>>) dst(%dma_wait3A_727 : memref<512xi32, #tpu.memory_space<vmem>>)
    %dma_wait3A_730 = arith.constant 31 : i32
    %dma_wait3A_731 = arith.constant 15872 : i32
    %dma_wait3A_732 = tpu.memref_slice %arg5[%dma_wait3A_731] : memref<25600xi32, #tpu.memory_space<vmem>> -> memref<512xi32, #tpu.memory_space<vmem>>
    %dma_wait3A_733 = tpu.memref_slice %arg2[%dma_wait3A_730, %mul3A_2] : memref<50x16384xi32, #tpu.memory_space<hbm>> -> memref<1x512xi32, #tpu.memory_space<hbm>>
    %dma_wait3A_734 = tpu.memref_squeeze %dma_wait3A_733 : memref<1x512xi32, #tpu.memory_space<hbm>> -> memref<512xi32, #tpu.memory_space<hbm>>
    %dma_wait3A_735 = arith.constant 15872 : i32
    %dma_wait3A_736 = tpu.memref_slice %arg5[%dma_wait3A_735] : memref<25600xi32, #tpu.memory_space<vmem>> -> memref<512xi32, #tpu.memory_space<vmem>>
    %dma_wait3A_737 = tpu.memref_slice %arg2[%dma_wait3A_730, %mul3A_2] : memref<50x16384xi32, #tpu.memory_space<hbm>> -> memref<1x512xi32, #tpu.memory_space<hbm>>
    %dma_wait3A_738 = tpu.memref_squeeze %dma_wait3A_737 : memref<1x512xi32, #tpu.memory_space<hbm>> -> memref<512xi32, #tpu.memory_space<hbm>>
    tpu.wait_dma2 semaphore(%arg7 : memref<!tpu.dma_semaphore, #tpu.memory_space<semaphore_mem>>) src(%dma_wait3A_738 : memref<512xi32, #tpu.memory_space<hbm>>) dst(%dma_wait3A_736 : memref<512xi32, #tpu.memory_space<vmem>>)
    %dma_wait3A_739 = arith.constant 32 : i32
    %dma_wait3A_740 = arith.constant 16384 : i32
    %dma_wait3A_741 = tpu.memref_slice %arg5[%dma_wait3A_740] : memref<25600xi32, #tpu.memory_space<vmem>> -> memref<512xi32, #tpu.memory_space<vmem>>
    %dma_wait3A_742 = tpu.memref_slice %arg2[%dma_wait3A_739, %mul3A_2] : memref<50x16384xi32, #tpu.memory_space<hbm>> -> memref<1x512xi32, #tpu.memory_space<hbm>>
    %dma_wait3A_743 = tpu.memref_squeeze %dma_wait3A_742 : memref<1x512xi32, #tpu.memory_space<hbm>> -> memref<512xi32, #tpu.memory_space<hbm>>
    %dma_wait3A_744 = arith.constant 16384 : i32
    %dma_wait3A_745 = tpu.memref_slice %arg5[%dma_wait3A_744] : memref<25600xi32, #tpu.memory_space<vmem>> -> memref<512xi32, #tpu.memory_space<vmem>>
    %dma_wait3A_746 = tpu.memref_slice %arg2[%dma_wait3A_739, %mul3A_2] : memref<50x16384xi32, #tpu.memory_space<hbm>> -> memref<1x512xi32, #tpu.memory_space<hbm>>
    %dma_wait3A_747 = tpu.memref_squeeze %dma_wait3A_746 : memref<1x512xi32, #tpu.memory_space<hbm>> -> memref<512xi32, #tpu.memory_space<hbm>>
    tpu.wait_dma2 semaphore(%arg7 : memref<!tpu.dma_semaphore, #tpu.memory_space<semaphore_mem>>) src(%dma_wait3A_747 : memref<512xi32, #tpu.memory_space<hbm>>) dst(%dma_wait3A_745 : memref<512xi32, #tpu.memory_space<vmem>>)
    %dma_wait3A_748 = arith.constant 33 : i32
    %dma_wait3A_749 = arith.constant 16896 : i32
    %dma_wait3A_750 = tpu.memref_slice %arg5[%dma_wait3A_749] : memref<25600xi32, #tpu.memory_space<vmem>> -> memref<512xi32, #tpu.memory_space<vmem>>
    %dma_wait3A_751 = tpu.memref_slice %arg2[%dma_wait3A_748, %mul3A_2] : memref<50x16384xi32, #tpu.memory_space<hbm>> -> memref<1x512xi32, #tpu.memory_space<hbm>>
    %dma_wait3A_752 = tpu.memref_squeeze %dma_wait3A_751 : memref<1x512xi32, #tpu.memory_space<hbm>> -> memref<512xi32, #tpu.memory_space<hbm>>
    %dma_wait3A_753 = arith.constant 16896 : i32
    %dma_wait3A_754 = tpu.memref_slice %arg5[%dma_wait3A_753] : memref<25600xi32, #tpu.memory_space<vmem>> -> memref<512xi32, #tpu.memory_space<vmem>>
    %dma_wait3A_755 = tpu.memref_slice %arg2[%dma_wait3A_748, %mul3A_2] : memref<50x16384xi32, #tpu.memory_space<hbm>> -> memref<1x512xi32, #tpu.memory_space<hbm>>
    %dma_wait3A_756 = tpu.memref_squeeze %dma_wait3A_755 : memref<1x512xi32, #tpu.memory_space<hbm>> -> memref<512xi32, #tpu.memory_space<hbm>>
    tpu.wait_dma2 semaphore(%arg7 : memref<!tpu.dma_semaphore, #tpu.memory_space<semaphore_mem>>) src(%dma_wait3A_756 : memref<512xi32, #tpu.memory_space<hbm>>) dst(%dma_wait3A_754 : memref<512xi32, #tpu.memory_space<vmem>>)
    %dma_wait3A_757 = arith.constant 34 : i32
    %dma_wait3A_758 = arith.constant 17408 : i32
    %dma_wait3A_759 = tpu.memref_slice %arg5[%dma_wait3A_758] : memref<25600xi32, #tpu.memory_space<vmem>> -> memref<512xi32, #tpu.memory_space<vmem>>
    %dma_wait3A_760 = tpu.memref_slice %arg2[%dma_wait3A_757, %mul3A_2] : memref<50x16384xi32, #tpu.memory_space<hbm>> -> memref<1x512xi32, #tpu.memory_space<hbm>>
    %dma_wait3A_761 = tpu.memref_squeeze %dma_wait3A_760 : memref<1x512xi32, #tpu.memory_space<hbm>> -> memref<512xi32, #tpu.memory_space<hbm>>
    %dma_wait3A_762 = arith.constant 17408 : i32
    %dma_wait3A_763 = tpu.memref_slice %arg5[%dma_wait3A_762] : memref<25600xi32, #tpu.memory_space<vmem>> -> memref<512xi32, #tpu.memory_space<vmem>>
    %dma_wait3A_764 = tpu.memref_slice %arg2[%dma_wait3A_757, %mul3A_2] : memref<50x16384xi32, #tpu.memory_space<hbm>> -> memref<1x512xi32, #tpu.memory_space<hbm>>
    %dma_wait3A_765 = tpu.memref_squeeze %dma_wait3A_764 : memref<1x512xi32, #tpu.memory_space<hbm>> -> memref<512xi32, #tpu.memory_space<hbm>>
    tpu.wait_dma2 semaphore(%arg7 : memref<!tpu.dma_semaphore, #tpu.memory_space<semaphore_mem>>) src(%dma_wait3A_765 : memref<512xi32, #tpu.memory_space<hbm>>) dst(%dma_wait3A_763 : memref<512xi32, #tpu.memory_space<vmem>>)
    %dma_wait3A_766 = arith.constant 35 : i32
    %dma_wait3A_767 = arith.constant 17920 : i32
    %dma_wait3A_768 = tpu.memref_slice %arg5[%dma_wait3A_767] : memref<25600xi32, #tpu.memory_space<vmem>> -> memref<512xi32, #tpu.memory_space<vmem>>
    %dma_wait3A_769 = tpu.memref_slice %arg2[%dma_wait3A_766, %mul3A_2] : memref<50x16384xi32, #tpu.memory_space<hbm>> -> memref<1x512xi32, #tpu.memory_space<hbm>>
    %dma_wait3A_770 = tpu.memref_squeeze %dma_wait3A_769 : memref<1x512xi32, #tpu.memory_space<hbm>> -> memref<512xi32, #tpu.memory_space<hbm>>
    %dma_wait3A_771 = arith.constant 17920 : i32
    %dma_wait3A_772 = tpu.memref_slice %arg5[%dma_wait3A_771] : memref<25600xi32, #tpu.memory_space<vmem>> -> memref<512xi32, #tpu.memory_space<vmem>>
    %dma_wait3A_773 = tpu.memref_slice %arg2[%dma_wait3A_766, %mul3A_2] : memref<50x16384xi32, #tpu.memory_space<hbm>> -> memref<1x512xi32, #tpu.memory_space<hbm>>
    %dma_wait3A_774 = tpu.memref_squeeze %dma_wait3A_773 : memref<1x512xi32, #tpu.memory_space<hbm>> -> memref<512xi32, #tpu.memory_space<hbm>>
    tpu.wait_dma2 semaphore(%arg7 : memref<!tpu.dma_semaphore, #tpu.memory_space<semaphore_mem>>) src(%dma_wait3A_774 : memref<512xi32, #tpu.memory_space<hbm>>) dst(%dma_wait3A_772 : memref<512xi32, #tpu.memory_space<vmem>>)
    %dma_wait3A_775 = arith.constant 36 : i32
    %dma_wait3A_776 = arith.constant 18432 : i32
    %dma_wait3A_777 = tpu.memref_slice %arg5[%dma_wait3A_776] : memref<25600xi32, #tpu.memory_space<vmem>> -> memref<512xi32, #tpu.memory_space<vmem>>
    %dma_wait3A_778 = tpu.memref_slice %arg2[%dma_wait3A_775, %mul3A_2] : memref<50x16384xi32, #tpu.memory_space<hbm>> -> memref<1x512xi32, #tpu.memory_space<hbm>>
    %dma_wait3A_779 = tpu.memref_squeeze %dma_wait3A_778 : memref<1x512xi32, #tpu.memory_space<hbm>> -> memref<512xi32, #tpu.memory_space<hbm>>
    %dma_wait3A_780 = arith.constant 18432 : i32
    %dma_wait3A_781 = tpu.memref_slice %arg5[%dma_wait3A_780] : memref<25600xi32, #tpu.memory_space<vmem>> -> memref<512xi32, #tpu.memory_space<vmem>>
    %dma_wait3A_782 = tpu.memref_slice %arg2[%dma_wait3A_775, %mul3A_2] : memref<50x16384xi32, #tpu.memory_space<hbm>> -> memref<1x512xi32, #tpu.memory_space<hbm>>
    %dma_wait3A_783 = tpu.memref_squeeze %dma_wait3A_782 : memref<1x512xi32, #tpu.memory_space<hbm>> -> memref<512xi32, #tpu.memory_space<hbm>>
    tpu.wait_dma2 semaphore(%arg7 : memref<!tpu.dma_semaphore, #tpu.memory_space<semaphore_mem>>) src(%dma_wait3A_783 : memref<512xi32, #tpu.memory_space<hbm>>) dst(%dma_wait3A_781 : memref<512xi32, #tpu.memory_space<vmem>>)
    %dma_wait3A_784 = arith.constant 37 : i32
    %dma_wait3A_785 = arith.constant 18944 : i32
    %dma_wait3A_786 = tpu.memref_slice %arg5[%dma_wait3A_785] : memref<25600xi32, #tpu.memory_space<vmem>> -> memref<512xi32, #tpu.memory_space<vmem>>
    %dma_wait3A_787 = tpu.memref_slice %arg2[%dma_wait3A_784, %mul3A_2] : memref<50x16384xi32, #tpu.memory_space<hbm>> -> memref<1x512xi32, #tpu.memory_space<hbm>>
    %dma_wait3A_788 = tpu.memref_squeeze %dma_wait3A_787 : memref<1x512xi32, #tpu.memory_space<hbm>> -> memref<512xi32, #tpu.memory_space<hbm>>
    %dma_wait3A_789 = arith.constant 18944 : i32
    %dma_wait3A_790 = tpu.memref_slice %arg5[%dma_wait3A_789] : memref<25600xi32, #tpu.memory_space<vmem>> -> memref<512xi32, #tpu.memory_space<vmem>>
    %dma_wait3A_791 = tpu.memref_slice %arg2[%dma_wait3A_784, %mul3A_2] : memref<50x16384xi32, #tpu.memory_space<hbm>> -> memref<1x512xi32, #tpu.memory_space<hbm>>
    %dma_wait3A_792 = tpu.memref_squeeze %dma_wait3A_791 : memref<1x512xi32, #tpu.memory_space<hbm>> -> memref<512xi32, #tpu.memory_space<hbm>>
    tpu.wait_dma2 semaphore(%arg7 : memref<!tpu.dma_semaphore, #tpu.memory_space<semaphore_mem>>) src(%dma_wait3A_792 : memref<512xi32, #tpu.memory_space<hbm>>) dst(%dma_wait3A_790 : memref<512xi32, #tpu.memory_space<vmem>>)
    %dma_wait3A_793 = arith.constant 38 : i32
    %dma_wait3A_794 = arith.constant 19456 : i32
    %dma_wait3A_795 = tpu.memref_slice %arg5[%dma_wait3A_794] : memref<25600xi32, #tpu.memory_space<vmem>> -> memref<512xi32, #tpu.memory_space<vmem>>
    %dma_wait3A_796 = tpu.memref_slice %arg2[%dma_wait3A_793, %mul3A_2] : memref<50x16384xi32, #tpu.memory_space<hbm>> -> memref<1x512xi32, #tpu.memory_space<hbm>>
    %dma_wait3A_797 = tpu.memref_squeeze %dma_wait3A_796 : memref<1x512xi32, #tpu.memory_space<hbm>> -> memref<512xi32, #tpu.memory_space<hbm>>
    %dma_wait3A_798 = arith.constant 19456 : i32
    %dma_wait3A_799 = tpu.memref_slice %arg5[%dma_wait3A_798] : memref<25600xi32, #tpu.memory_space<vmem>> -> memref<512xi32, #tpu.memory_space<vmem>>
    %dma_wait3A_800 = tpu.memref_slice %arg2[%dma_wait3A_793, %mul3A_2] : memref<50x16384xi32, #tpu.memory_space<hbm>> -> memref<1x512xi32, #tpu.memory_space<hbm>>
    %dma_wait3A_801 = tpu.memref_squeeze %dma_wait3A_800 : memref<1x512xi32, #tpu.memory_space<hbm>> -> memref<512xi32, #tpu.memory_space<hbm>>
    tpu.wait_dma2 semaphore(%arg7 : memref<!tpu.dma_semaphore, #tpu.memory_space<semaphore_mem>>) src(%dma_wait3A_801 : memref<512xi32, #tpu.memory_space<hbm>>) dst(%dma_wait3A_799 : memref<512xi32, #tpu.memory_space<vmem>>)
    %dma_wait3A_802 = arith.constant 39 : i32
    %dma_wait3A_803 = arith.constant 19968 : i32
    %dma_wait3A_804 = tpu.memref_slice %arg5[%dma_wait3A_803] : memref<25600xi32, #tpu.memory_space<vmem>> -> memref<512xi32, #tpu.memory_space<vmem>>
    %dma_wait3A_805 = tpu.memref_slice %arg2[%dma_wait3A_802, %mul3A_2] : memref<50x16384xi32, #tpu.memory_space<hbm>> -> memref<1x512xi32, #tpu.memory_space<hbm>>
    %dma_wait3A_806 = tpu.memref_squeeze %dma_wait3A_805 : memref<1x512xi32, #tpu.memory_space<hbm>> -> memref<512xi32, #tpu.memory_space<hbm>>
    %dma_wait3A_807 = arith.constant 19968 : i32
    %dma_wait3A_808 = tpu.memref_slice %arg5[%dma_wait3A_807] : memref<25600xi32, #tpu.memory_space<vmem>> -> memref<512xi32, #tpu.memory_space<vmem>>
    %dma_wait3A_809 = tpu.memref_slice %arg2[%dma_wait3A_802, %mul3A_2] : memref<50x16384xi32, #tpu.memory_space<hbm>> -> memref<1x512xi32, #tpu.memory_space<hbm>>
    %dma_wait3A_810 = tpu.memref_squeeze %dma_wait3A_809 : memref<1x512xi32, #tpu.memory_space<hbm>> -> memref<512xi32, #tpu.memory_space<hbm>>
    tpu.wait_dma2 semaphore(%arg7 : memref<!tpu.dma_semaphore, #tpu.memory_space<semaphore_mem>>) src(%dma_wait3A_810 : memref<512xi32, #tpu.memory_space<hbm>>) dst(%dma_wait3A_808 : memref<512xi32, #tpu.memory_space<vmem>>)
    %dma_wait3A_811 = arith.constant 40 : i32
    %dma_wait3A_812 = arith.constant 20480 : i32
    %dma_wait3A_813 = tpu.memref_slice %arg5[%dma_wait3A_812] : memref<25600xi32, #tpu.memory_space<vmem>> -> memref<512xi32, #tpu.memory_space<vmem>>
    %dma_wait3A_814 = tpu.memref_slice %arg2[%dma_wait3A_811, %mul3A_2] : memref<50x16384xi32, #tpu.memory_space<hbm>> -> memref<1x512xi32, #tpu.memory_space<hbm>>
    %dma_wait3A_815 = tpu.memref_squeeze %dma_wait3A_814 : memref<1x512xi32, #tpu.memory_space<hbm>> -> memref<512xi32, #tpu.memory_space<hbm>>
    %dma_wait3A_816 = arith.constant 20480 : i32
    %dma_wait3A_817 = tpu.memref_slice %arg5[%dma_wait3A_816] : memref<25600xi32, #tpu.memory_space<vmem>> -> memref<512xi32, #tpu.memory_space<vmem>>
    %dma_wait3A_818 = tpu.memref_slice %arg2[%dma_wait3A_811, %mul3A_2] : memref<50x16384xi32, #tpu.memory_space<hbm>> -> memref<1x512xi32, #tpu.memory_space<hbm>>
    %dma_wait3A_819 = tpu.memref_squeeze %dma_wait3A_818 : memref<1x512xi32, #tpu.memory_space<hbm>> -> memref<512xi32, #tpu.memory_space<hbm>>
    tpu.wait_dma2 semaphore(%arg7 : memref<!tpu.dma_semaphore, #tpu.memory_space<semaphore_mem>>) src(%dma_wait3A_819 : memref<512xi32, #tpu.memory_space<hbm>>) dst(%dma_wait3A_817 : memref<512xi32, #tpu.memory_space<vmem>>)
    %dma_wait3A_820 = arith.constant 41 : i32
    %dma_wait3A_821 = arith.constant 20992 : i32
    %dma_wait3A_822 = tpu.memref_slice %arg5[%dma_wait3A_821] : memref<25600xi32, #tpu.memory_space<vmem>> -> memref<512xi32, #tpu.memory_space<vmem>>
    %dma_wait3A_823 = tpu.memref_slice %arg2[%dma_wait3A_820, %mul3A_2] : memref<50x16384xi32, #tpu.memory_space<hbm>> -> memref<1x512xi32, #tpu.memory_space<hbm>>
    %dma_wait3A_824 = tpu.memref_squeeze %dma_wait3A_823 : memref<1x512xi32, #tpu.memory_space<hbm>> -> memref<512xi32, #tpu.memory_space<hbm>>
    %dma_wait3A_825 = arith.constant 20992 : i32
    %dma_wait3A_826 = tpu.memref_slice %arg5[%dma_wait3A_825] : memref<25600xi32, #tpu.memory_space<vmem>> -> memref<512xi32, #tpu.memory_space<vmem>>
    %dma_wait3A_827 = tpu.memref_slice %arg2[%dma_wait3A_820, %mul3A_2] : memref<50x16384xi32, #tpu.memory_space<hbm>> -> memref<1x512xi32, #tpu.memory_space<hbm>>
    %dma_wait3A_828 = tpu.memref_squeeze %dma_wait3A_827 : memref<1x512xi32, #tpu.memory_space<hbm>> -> memref<512xi32, #tpu.memory_space<hbm>>
    tpu.wait_dma2 semaphore(%arg7 : memref<!tpu.dma_semaphore, #tpu.memory_space<semaphore_mem>>) src(%dma_wait3A_828 : memref<512xi32, #tpu.memory_space<hbm>>) dst(%dma_wait3A_826 : memref<512xi32, #tpu.memory_space<vmem>>)
    %dma_wait3A_829 = arith.constant 42 : i32
    %dma_wait3A_830 = arith.constant 21504 : i32
    %dma_wait3A_831 = tpu.memref_slice %arg5[%dma_wait3A_830] : memref<25600xi32, #tpu.memory_space<vmem>> -> memref<512xi32, #tpu.memory_space<vmem>>
    %dma_wait3A_832 = tpu.memref_slice %arg2[%dma_wait3A_829, %mul3A_2] : memref<50x16384xi32, #tpu.memory_space<hbm>> -> memref<1x512xi32, #tpu.memory_space<hbm>>
    %dma_wait3A_833 = tpu.memref_squeeze %dma_wait3A_832 : memref<1x512xi32, #tpu.memory_space<hbm>> -> memref<512xi32, #tpu.memory_space<hbm>>
    %dma_wait3A_834 = arith.constant 21504 : i32
    %dma_wait3A_835 = tpu.memref_slice %arg5[%dma_wait3A_834] : memref<25600xi32, #tpu.memory_space<vmem>> -> memref<512xi32, #tpu.memory_space<vmem>>
    %dma_wait3A_836 = tpu.memref_slice %arg2[%dma_wait3A_829, %mul3A_2] : memref<50x16384xi32, #tpu.memory_space<hbm>> -> memref<1x512xi32, #tpu.memory_space<hbm>>
    %dma_wait3A_837 = tpu.memref_squeeze %dma_wait3A_836 : memref<1x512xi32, #tpu.memory_space<hbm>> -> memref<512xi32, #tpu.memory_space<hbm>>
    tpu.wait_dma2 semaphore(%arg7 : memref<!tpu.dma_semaphore, #tpu.memory_space<semaphore_mem>>) src(%dma_wait3A_837 : memref<512xi32, #tpu.memory_space<hbm>>) dst(%dma_wait3A_835 : memref<512xi32, #tpu.memory_space<vmem>>)
    %dma_wait3A_838 = arith.constant 43 : i32
    %dma_wait3A_839 = arith.constant 22016 : i32
    %dma_wait3A_840 = tpu.memref_slice %arg5[%dma_wait3A_839] : memref<25600xi32, #tpu.memory_space<vmem>> -> memref<512xi32, #tpu.memory_space<vmem>>
    %dma_wait3A_841 = tpu.memref_slice %arg2[%dma_wait3A_838, %mul3A_2] : memref<50x16384xi32, #tpu.memory_space<hbm>> -> memref<1x512xi32, #tpu.memory_space<hbm>>
    %dma_wait3A_842 = tpu.memref_squeeze %dma_wait3A_841 : memref<1x512xi32, #tpu.memory_space<hbm>> -> memref<512xi32, #tpu.memory_space<hbm>>
    %dma_wait3A_843 = arith.constant 22016 : i32
    %dma_wait3A_844 = tpu.memref_slice %arg5[%dma_wait3A_843] : memref<25600xi32, #tpu.memory_space<vmem>> -> memref<512xi32, #tpu.memory_space<vmem>>
    %dma_wait3A_845 = tpu.memref_slice %arg2[%dma_wait3A_838, %mul3A_2] : memref<50x16384xi32, #tpu.memory_space<hbm>> -> memref<1x512xi32, #tpu.memory_space<hbm>>
    %dma_wait3A_846 = tpu.memref_squeeze %dma_wait3A_845 : memref<1x512xi32, #tpu.memory_space<hbm>> -> memref<512xi32, #tpu.memory_space<hbm>>
    tpu.wait_dma2 semaphore(%arg7 : memref<!tpu.dma_semaphore, #tpu.memory_space<semaphore_mem>>) src(%dma_wait3A_846 : memref<512xi32, #tpu.memory_space<hbm>>) dst(%dma_wait3A_844 : memref<512xi32, #tpu.memory_space<vmem>>)
    %dma_wait3A_847 = arith.constant 44 : i32
    %dma_wait3A_848 = arith.constant 22528 : i32
    %dma_wait3A_849 = tpu.memref_slice %arg5[%dma_wait3A_848] : memref<25600xi32, #tpu.memory_space<vmem>> -> memref<512xi32, #tpu.memory_space<vmem>>
    %dma_wait3A_850 = tpu.memref_slice %arg2[%dma_wait3A_847, %mul3A_2] : memref<50x16384xi32, #tpu.memory_space<hbm>> -> memref<1x512xi32, #tpu.memory_space<hbm>>
    %dma_wait3A_851 = tpu.memref_squeeze %dma_wait3A_850 : memref<1x512xi32, #tpu.memory_space<hbm>> -> memref<512xi32, #tpu.memory_space<hbm>>
    %dma_wait3A_852 = arith.constant 22528 : i32
    %dma_wait3A_853 = tpu.memref_slice %arg5[%dma_wait3A_852] : memref<25600xi32, #tpu.memory_space<vmem>> -> memref<512xi32, #tpu.memory_space<vmem>>
    %dma_wait3A_854 = tpu.memref_slice %arg2[%dma_wait3A_847, %mul3A_2] : memref<50x16384xi32, #tpu.memory_space<hbm>> -> memref<1x512xi32, #tpu.memory_space<hbm>>
    %dma_wait3A_855 = tpu.memref_squeeze %dma_wait3A_854 : memref<1x512xi32, #tpu.memory_space<hbm>> -> memref<512xi32, #tpu.memory_space<hbm>>
    tpu.wait_dma2 semaphore(%arg7 : memref<!tpu.dma_semaphore, #tpu.memory_space<semaphore_mem>>) src(%dma_wait3A_855 : memref<512xi32, #tpu.memory_space<hbm>>) dst(%dma_wait3A_853 : memref<512xi32, #tpu.memory_space<vmem>>)
    %dma_wait3A_856 = arith.constant 45 : i32
    %dma_wait3A_857 = arith.constant 23040 : i32
    %dma_wait3A_858 = tpu.memref_slice %arg5[%dma_wait3A_857] : memref<25600xi32, #tpu.memory_space<vmem>> -> memref<512xi32, #tpu.memory_space<vmem>>
    %dma_wait3A_859 = tpu.memref_slice %arg2[%dma_wait3A_856, %mul3A_2] : memref<50x16384xi32, #tpu.memory_space<hbm>> -> memref<1x512xi32, #tpu.memory_space<hbm>>
    %dma_wait3A_860 = tpu.memref_squeeze %dma_wait3A_859 : memref<1x512xi32, #tpu.memory_space<hbm>> -> memref<512xi32, #tpu.memory_space<hbm>>
    %dma_wait3A_861 = arith.constant 23040 : i32
    %dma_wait3A_862 = tpu.memref_slice %arg5[%dma_wait3A_861] : memref<25600xi32, #tpu.memory_space<vmem>> -> memref<512xi32, #tpu.memory_space<vmem>>
    %dma_wait3A_863 = tpu.memref_slice %arg2[%dma_wait3A_856, %mul3A_2] : memref<50x16384xi32, #tpu.memory_space<hbm>> -> memref<1x512xi32, #tpu.memory_space<hbm>>
    %dma_wait3A_864 = tpu.memref_squeeze %dma_wait3A_863 : memref<1x512xi32, #tpu.memory_space<hbm>> -> memref<512xi32, #tpu.memory_space<hbm>>
    tpu.wait_dma2 semaphore(%arg7 : memref<!tpu.dma_semaphore, #tpu.memory_space<semaphore_mem>>) src(%dma_wait3A_864 : memref<512xi32, #tpu.memory_space<hbm>>) dst(%dma_wait3A_862 : memref<512xi32, #tpu.memory_space<vmem>>)
    %dma_wait3A_865 = arith.constant 46 : i32
    %dma_wait3A_866 = arith.constant 23552 : i32
    %dma_wait3A_867 = tpu.memref_slice %arg5[%dma_wait3A_866] : memref<25600xi32, #tpu.memory_space<vmem>> -> memref<512xi32, #tpu.memory_space<vmem>>
    %dma_wait3A_868 = tpu.memref_slice %arg2[%dma_wait3A_865, %mul3A_2] : memref<50x16384xi32, #tpu.memory_space<hbm>> -> memref<1x512xi32, #tpu.memory_space<hbm>>
    %dma_wait3A_869 = tpu.memref_squeeze %dma_wait3A_868 : memref<1x512xi32, #tpu.memory_space<hbm>> -> memref<512xi32, #tpu.memory_space<hbm>>
    %dma_wait3A_870 = arith.constant 23552 : i32
    %dma_wait3A_871 = tpu.memref_slice %arg5[%dma_wait3A_870] : memref<25600xi32, #tpu.memory_space<vmem>> -> memref<512xi32, #tpu.memory_space<vmem>>
    %dma_wait3A_872 = tpu.memref_slice %arg2[%dma_wait3A_865, %mul3A_2] : memref<50x16384xi32, #tpu.memory_space<hbm>> -> memref<1x512xi32, #tpu.memory_space<hbm>>
    %dma_wait3A_873 = tpu.memref_squeeze %dma_wait3A_872 : memref<1x512xi32, #tpu.memory_space<hbm>> -> memref<512xi32, #tpu.memory_space<hbm>>
    tpu.wait_dma2 semaphore(%arg7 : memref<!tpu.dma_semaphore, #tpu.memory_space<semaphore_mem>>) src(%dma_wait3A_873 : memref<512xi32, #tpu.memory_space<hbm>>) dst(%dma_wait3A_871 : memref<512xi32, #tpu.memory_space<vmem>>)
    %dma_wait3A_874 = arith.constant 47 : i32
    %dma_wait3A_875 = arith.constant 24064 : i32
    %dma_wait3A_876 = tpu.memref_slice %arg5[%dma_wait3A_875] : memref<25600xi32, #tpu.memory_space<vmem>> -> memref<512xi32, #tpu.memory_space<vmem>>
    %dma_wait3A_877 = tpu.memref_slice %arg2[%dma_wait3A_874, %mul3A_2] : memref<50x16384xi32, #tpu.memory_space<hbm>> -> memref<1x512xi32, #tpu.memory_space<hbm>>
    %dma_wait3A_878 = tpu.memref_squeeze %dma_wait3A_877 : memref<1x512xi32, #tpu.memory_space<hbm>> -> memref<512xi32, #tpu.memory_space<hbm>>
    %dma_wait3A_879 = arith.constant 24064 : i32
    %dma_wait3A_880 = tpu.memref_slice %arg5[%dma_wait3A_879] : memref<25600xi32, #tpu.memory_space<vmem>> -> memref<512xi32, #tpu.memory_space<vmem>>
    %dma_wait3A_881 = tpu.memref_slice %arg2[%dma_wait3A_874, %mul3A_2] : memref<50x16384xi32, #tpu.memory_space<hbm>> -> memref<1x512xi32, #tpu.memory_space<hbm>>
    %dma_wait3A_882 = tpu.memref_squeeze %dma_wait3A_881 : memref<1x512xi32, #tpu.memory_space<hbm>> -> memref<512xi32, #tpu.memory_space<hbm>>
    tpu.wait_dma2 semaphore(%arg7 : memref<!tpu.dma_semaphore, #tpu.memory_space<semaphore_mem>>) src(%dma_wait3A_882 : memref<512xi32, #tpu.memory_space<hbm>>) dst(%dma_wait3A_880 : memref<512xi32, #tpu.memory_space<vmem>>)
    %dma_wait3A_883 = arith.constant 48 : i32
    %dma_wait3A_884 = arith.constant 24576 : i32
    %dma_wait3A_885 = tpu.memref_slice %arg5[%dma_wait3A_884] : memref<25600xi32, #tpu.memory_space<vmem>> -> memref<512xi32, #tpu.memory_space<vmem>>
    %dma_wait3A_886 = tpu.memref_slice %arg2[%dma_wait3A_883, %mul3A_2] : memref<50x16384xi32, #tpu.memory_space<hbm>> -> memref<1x512xi32, #tpu.memory_space<hbm>>
    %dma_wait3A_887 = tpu.memref_squeeze %dma_wait3A_886 : memref<1x512xi32, #tpu.memory_space<hbm>> -> memref<512xi32, #tpu.memory_space<hbm>>
    %dma_wait3A_888 = arith.constant 24576 : i32
    %dma_wait3A_889 = tpu.memref_slice %arg5[%dma_wait3A_888] : memref<25600xi32, #tpu.memory_space<vmem>> -> memref<512xi32, #tpu.memory_space<vmem>>
    %dma_wait3A_890 = tpu.memref_slice %arg2[%dma_wait3A_883, %mul3A_2] : memref<50x16384xi32, #tpu.memory_space<hbm>> -> memref<1x512xi32, #tpu.memory_space<hbm>>
    %dma_wait3A_891 = tpu.memref_squeeze %dma_wait3A_890 : memref<1x512xi32, #tpu.memory_space<hbm>> -> memref<512xi32, #tpu.memory_space<hbm>>
    tpu.wait_dma2 semaphore(%arg7 : memref<!tpu.dma_semaphore, #tpu.memory_space<semaphore_mem>>) src(%dma_wait3A_891 : memref<512xi32, #tpu.memory_space<hbm>>) dst(%dma_wait3A_889 : memref<512xi32, #tpu.memory_space<vmem>>)
    %dma_wait3A_892 = arith.constant 49 : i32
    %dma_wait3A_893 = arith.constant 25088 : i32
    %dma_wait3A_894 = tpu.memref_slice %arg5[%dma_wait3A_893] : memref<25600xi32, #tpu.memory_space<vmem>> -> memref<512xi32, #tpu.memory_space<vmem>>
    %dma_wait3A_895 = tpu.memref_slice %arg2[%dma_wait3A_892, %mul3A_2] : memref<50x16384xi32, #tpu.memory_space<hbm>> -> memref<1x512xi32, #tpu.memory_space<hbm>>
    %dma_wait3A_896 = tpu.memref_squeeze %dma_wait3A_895 : memref<1x512xi32, #tpu.memory_space<hbm>> -> memref<512xi32, #tpu.memory_space<hbm>>
    %dma_wait3A_897 = arith.constant 25088 : i32
    %dma_wait3A_898 = tpu.memref_slice %arg5[%dma_wait3A_897] : memref<25600xi32, #tpu.memory_space<vmem>> -> memref<512xi32, #tpu.memory_space<vmem>>
    %dma_wait3A_899 = tpu.memref_slice %arg2[%dma_wait3A_892, %mul3A_2] : memref<50x16384xi32, #tpu.memory_space<hbm>> -> memref<1x512xi32, #tpu.memory_space<hbm>>
    %dma_wait3A_900 = tpu.memref_squeeze %dma_wait3A_899 : memref<1x512xi32, #tpu.memory_space<hbm>> -> memref<512xi32, #tpu.memory_space<hbm>>
    tpu.wait_dma2 semaphore(%arg7 : memref<!tpu.dma_semaphore, #tpu.memory_space<semaphore_mem>>) src(%dma_wait3A_900 : memref<512xi32, #tpu.memory_space<hbm>>) dst(%dma_wait3A_898 : memref<512xi32, #tpu.memory_space<vmem>>)
    %dma_start3A_901 = arith.constant 0 : i32
    %dma_start3A_902 = arith.constant 0 : i32
    %dma_start3A_903 = arith.constant 0 : i32
    %dma_start3A_904 = tpu.memref_slice %arg6[%dma_start3A_901, %dma_start3A_902, %dma_start3A_903] : memref<4x128x128xf32, #tpu.memory_space<vmem>> -> memref<1x128x128xf32, #tpu.memory_space<vmem>>
    %dma_start3A_905 = tpu.memref_squeeze %dma_start3A_904 : memref<1x128x128xf32, #tpu.memory_space<vmem>> -> memref<128x128xf32, #tpu.memory_space<vmem>>
    %dma_start3A_906 = arith.constant 0 : i32
    %dma_start3A_907 = tpu.memref_slice %arg5[%dma_start3A_906] : memref<25600xi32, #tpu.memory_space<vmem>> -> memref<128xi32, #tpu.memory_space<vmem>>
    %dma_start3A_908 = arith.constant 0 : i32
    %dma_start3A_909 = arith.constant 0 : i32
    %dma_start3A_910 = tpu.memref_slice %arg3[%dma_start3A_908, %dma_start3A_909] : memref<1000000x128xf32, #tpu.memory_space<hbm>> -> memref<1000000x128xf32, #tpu.memory_space<hbm>>
    tpu.enqueue_indirect_dma source(%dma_start3A_910 : memref<1000000x128xf32, #tpu.memory_space<hbm>>) target(%dma_start3A_905 : memref<128x128xf32, #tpu.memory_space<vmem>>) offsets(%dma_start3A_907 : memref<128xi32, #tpu.memory_space<vmem>>) semaphore(%arg8 : memref<!tpu.dma_semaphore, #tpu.memory_space<semaphore_mem>>)
    %dma_start3A_911 = arith.constant 1 : i32
    %dma_start3A_912 = arith.constant 0 : i32
    %dma_start3A_913 = arith.constant 0 : i32
    %dma_start3A_914 = tpu.memref_slice %arg6[%dma_start3A_911, %dma_start3A_912, %dma_start3A_913] : memref<4x128x128xf32, #tpu.memory_space<vmem>> -> memref<1x128x128xf32, #tpu.memory_space<vmem>>
    %dma_start3A_915 = tpu.memref_squeeze %dma_start3A_914 : memref<1x128x128xf32, #tpu.memory_space<vmem>> -> memref<128x128xf32, #tpu.memory_space<vmem>>
    %dma_start3A_916 = arith.constant 128 : i32
    %dma_start3A_917 = tpu.memref_slice %arg5[%dma_start3A_916] : memref<25600xi32, #tpu.memory_space<vmem>> -> memref<128xi32, #tpu.memory_space<vmem>>
    %dma_start3A_918 = arith.constant 0 : i32
    %dma_start3A_919 = arith.constant 0 : i32
    %dma_start3A_920 = tpu.memref_slice %arg3[%dma_start3A_918, %dma_start3A_919] : memref<1000000x128xf32, #tpu.memory_space<hbm>> -> memref<1000000x128xf32, #tpu.memory_space<hbm>>
    tpu.enqueue_indirect_dma source(%dma_start3A_920 : memref<1000000x128xf32, #tpu.memory_space<hbm>>) target(%dma_start3A_915 : memref<128x128xf32, #tpu.memory_space<vmem>>) offsets(%dma_start3A_917 : memref<128xi32, #tpu.memory_space<vmem>>) semaphore(%arg9 : memref<!tpu.dma_semaphore, #tpu.memory_space<semaphore_mem>>)
    %scan3A = arith.constant 0 : i32
    %scan3A_921 = arith.constant 0 : i32
    %scan3A_922 = arith.constant 50 : i32
    %scan3A_923 = arith.addi %scan3A_921, %scan3A_922 : i32
    %scan3A_924 = arith.constant 1 : i32
    scf.for %scan3A_974 = %scan3A_921 to %scan3A_923 step %scan3A_924  : i32 {
      %mul3A_975 = arith.constant 4 : i32
      %mul3A_976 = arith.muli %scan3A_974, %mul3A_975 : i32
      %add3A_977 = arith.constant 0 : i32
      %add3A_978 = arith.addi %mul3A_976, %add3A_977 : i32
      %dma_wait3A_979 = arith.constant 0 : i32
      %dma_wait3A_980 = arith.constant 0 : i32
      %dma_wait3A_981 = arith.constant 0 : i32
      %dma_wait3A_982 = tpu.memref_slice %arg6[%dma_wait3A_979, %dma_wait3A_980, %dma_wait3A_981] : memref<4x128x128xf32, #tpu.memory_space<vmem>> -> memref<1x128x128xf32, #tpu.memory_space<vmem>>
      %dma_wait3A_983 = tpu.memref_squeeze %dma_wait3A_982 : memref<1x128x128xf32, #tpu.memory_space<vmem>> -> memref<128x128xf32, #tpu.memory_space<vmem>>
      %dma_wait3A_984 = arith.constant 0 : i32
      %dma_wait3A_985 = tpu.memref_slice %arg5[%dma_wait3A_984] : memref<25600xi32, #tpu.memory_space<vmem>> -> memref<128xi32, #tpu.memory_space<vmem>>
      %dma_wait3A_986 = arith.constant 0 : i32
      %dma_wait3A_987 = arith.constant 0 : i32
      %dma_wait3A_988 = tpu.memref_slice %arg3[%dma_wait3A_986, %dma_wait3A_987] : memref<1000000x128xf32, #tpu.memory_space<hbm>> -> memref<1000000x128xf32, #tpu.memory_space<hbm>>
      tpu.wait_indirect_dma semaphore(%arg8 : memref<!tpu.dma_semaphore, #tpu.memory_space<semaphore_mem>>) src(%dma_wait3A_988 : memref<1000000x128xf32, #tpu.memory_space<hbm>>) dst(%dma_wait3A_983 : memref<128x128xf32, #tpu.memory_space<vmem>>)
      %jit3A = arith.constant 4 : i32
      %div3A = arith.divsi %add3A_978, %jit3A : i32
      %sign3A = arith.constant 0 : i32
      %sign3A_989 = arith.cmpi sgt, %add3A_978, %sign3A : i32
      %sign3A_990 = arith.extui %sign3A_989 : i1 to i32
      %sign3A_991 = arith.constant 0 : i32
      %sign3A_992 = arith.cmpi slt, %add3A_978, %sign3A_991 : i32
      %sign3A_993 = arith.extui %sign3A_992 : i1 to i32
      %sign3A_994 = arith.subi %sign3A_990, %sign3A_993 : i32
      %sign3A_995 = arith.constant 0 : i32
      %sign3A_996 = arith.cmpi sgt, %jit3A, %sign3A_995 : i32
      %sign3A_997 = arith.extui %sign3A_996 : i1 to i32
      %sign3A_998 = arith.constant 0 : i32
      %sign3A_999 = arith.cmpi slt, %jit3A, %sign3A_998 : i32
      %sign3A_1000 = arith.extui %sign3A_999 : i1 to i32
      %sign3A_1001 = arith.subi %sign3A_997, %sign3A_1000 : i32
      %ne3A = arith.cmpi ne, %sign3A_994, %sign3A_1001 : i32
      %rem3A = arith.remsi %add3A_978, %jit3A : i32
      %ne3A_1002 = arith.constant 0 : i32
      %ne3A_1003 = arith.cmpi ne, %rem3A, %ne3A_1002 : i32
      %and3A = arith.andi %ne3A, %ne3A_1003 : i1
      %sub3A = arith.constant 1 : i32
      %sub3A_1004 = arith.subi %div3A, %sub3A : i32
      %select_n3A = arith.select %and3A, %sub3A_1004, %div3A : i32
      %jit3A_1005 = arith.constant 4 : i32
      %eq3A = arith.constant 0 : i32
      %eq3A_1006 = arith.cmpi eq, %jit3A_1005, %eq3A : i32
      %jit3A_1007 = arith.constant 1 : i32
      %select_n3A_1008 = arith.select %eq3A_1006, %jit3A_1007, %jit3A_1005 : i32
      %rem3A_1009 = arith.remsi %add3A_978, %select_n3A_1008 : i32
      %ne3A_1010 = arith.constant 0 : i32
      %ne3A_1011 = arith.cmpi ne, %rem3A_1009, %ne3A_1010 : i32
      %lt3A = arith.constant 0 : i32
      %lt3A_1012 = arith.cmpi slt, %rem3A_1009, %lt3A : i32
      %lt3A_1013 = arith.constant 0 : i32
      %lt3A_1014 = arith.cmpi slt, %select_n3A_1008, %lt3A_1013 : i32
      %ne3A_1015 = arith.xori %lt3A_1012, %lt3A_1014 : i1
      %and3A_1016 = arith.andi %ne3A_1015, %ne3A_1011 : i1
      %add3A_1017 = arith.addi %rem3A_1009, %select_n3A_1008 : i32
      %select_n3A_1018 = arith.select %and3A_1016, %add3A_1017, %rem3A_1009 : i32
      %mul3A_1019 = arith.constant 128 : i32
      %mul3A_1020 = arith.muli %select_n3A_1018, %mul3A_1019 : i32
      %add3A_1021 = arith.addi %mul3A_2, %mul3A_1020 : i32
      %dma_start3A_1022 = arith.constant 0 : i32
      %dma_start3A_1023 = arith.constant 0 : i32
      %dma_start3A_1024 = arith.constant 0 : i32
      %dma_start3A_1025 = tpu.memref_slice %arg6[%dma_start3A_1022, %dma_start3A_1023, %dma_start3A_1024] : memref<4x128x128xf32, #tpu.memory_space<vmem>> -> memref<1x128x128xf32, #tpu.memory_space<vmem>>
      %dma_start3A_1026 = tpu.memref_squeeze %dma_start3A_1025 : memref<1x128x128xf32, #tpu.memory_space<vmem>> -> memref<128x128xf32, #tpu.memory_space<vmem>>
      %dma_start3A_1027 = arith.constant 0 : i32
      %dma_start3A_1028 = arith.constant 0 : i32
      %dma_start3A_1029 = tpu.memref_slice %arg4[%select_n3A, %dma_start3A_1027, %dma_start3A_1028] : memref<50x16384x128xf32, #tpu.memory_space<hbm>> -> memref<1x16384x128xf32, #tpu.memory_space<hbm>>
      %dma_start3A_1030 = tpu.memref_squeeze %dma_start3A_1029 : memref<1x16384x128xf32, #tpu.memory_space<hbm>> -> memref<16384x128xf32, #tpu.memory_space<hbm>>
      %dma_start3A_1031 = arith.constant 0 : i32
      %dma_start3A_1032 = tpu.memref_slice %dma_start3A_1030[%add3A_1021, %dma_start3A_1031] : memref<16384x128xf32, #tpu.memory_space<hbm>> -> memref<128x128xf32, #tpu.memory_space<hbm>>
      %dma_start3A_1033 = arith.constant 0 : i32
      %dma_start3A_1034 = arith.constant 0 : i32
      %dma_start3A_1035 = tpu.memref_slice %arg4[%select_n3A, %dma_start3A_1033, %dma_start3A_1034] : memref<50x16384x128xf32, #tpu.memory_space<hbm>> -> memref<1x16384x128xf32, #tpu.memory_space<hbm>>
      %dma_start3A_1036 = tpu.memref_squeeze %dma_start3A_1035 : memref<1x16384x128xf32, #tpu.memory_space<hbm>> -> memref<16384x128xf32, #tpu.memory_space<hbm>>
      %dma_start3A_1037 = arith.constant 0 : i32
      %dma_start3A_1038 = tpu.memref_slice %dma_start3A_1036[%add3A_1021, %dma_start3A_1037] : memref<16384x128xf32, #tpu.memory_space<hbm>> -> memref<128x128xf32, #tpu.memory_space<hbm>>
      %dma_start3A_1039 = arith.constant 0 : i32
      %dma_start3A_1040 = arith.constant 0 : i32
      %dma_start3A_1041 = tpu.memref_slice %arg6[%dma_start3A_1022, %dma_start3A_1039, %dma_start3A_1040] : memref<4x128x128xf32, #tpu.memory_space<vmem>> -> memref<1x128x128xf32, #tpu.memory_space<vmem>>
      %dma_start3A_1042 = tpu.memref_squeeze %dma_start3A_1041 : memref<1x128x128xf32, #tpu.memory_space<vmem>> -> memref<128x128xf32, #tpu.memory_space<vmem>>
      tpu.enqueue_dma source(%dma_start3A_1042 : memref<128x128xf32, #tpu.memory_space<vmem>>) target(%dma_start3A_1038 : memref<128x128xf32, #tpu.memory_space<hbm>>) target_semaphore(%arg12 : memref<!tpu.dma_semaphore, #tpu.memory_space<semaphore_mem>>)
      %ge3A = arith.constant 2 : i32
      %ge3A_1043 = arith.cmpi sge, %add3A_978, %ge3A : i32
      %convert_element_type3A = arith.extui %ge3A_1043 : i1 to i32
      %cond3A = arith.constant 0 : i32
      %cond3A_1044 = arith.cmpi ne, %convert_element_type3A, %cond3A : i32
      scf.if %cond3A_1044 {
        %sub3A_1456 = arith.constant 2 : i32
        %sub3A_1457 = arith.subi %add3A_978, %sub3A_1456 : i32
        %jit3A_1458 = arith.constant 4 : i32
        %div3A_1459 = arith.divsi %sub3A_1457, %jit3A_1458 : i32
        %sign3A_1460 = arith.constant 0 : i32
        %sign3A_1461 = arith.cmpi sgt, %sub3A_1457, %sign3A_1460 : i32
        %sign3A_1462 = arith.extui %sign3A_1461 : i1 to i32
        %sign3A_1463 = arith.constant 0 : i32
        %sign3A_1464 = arith.cmpi slt, %sub3A_1457, %sign3A_1463 : i32
        %sign3A_1465 = arith.extui %sign3A_1464 : i1 to i32
        %sign3A_1466 = arith.subi %sign3A_1462, %sign3A_1465 : i32
        %sign3A_1467 = arith.constant 0 : i32
        %sign3A_1468 = arith.cmpi sgt, %jit3A_1458, %sign3A_1467 : i32
        %sign3A_1469 = arith.extui %sign3A_1468 : i1 to i32
        %sign3A_1470 = arith.constant 0 : i32
        %sign3A_1471 = arith.cmpi slt, %jit3A_1458, %sign3A_1470 : i32
        %sign3A_1472 = arith.extui %sign3A_1471 : i1 to i32
        %sign3A_1473 = arith.subi %sign3A_1469, %sign3A_1472 : i32
        %ne3A_1474 = arith.cmpi ne, %sign3A_1466, %sign3A_1473 : i32
        %rem3A_1475 = arith.remsi %sub3A_1457, %jit3A_1458 : i32
        %ne3A_1476 = arith.constant 0 : i32
        %ne3A_1477 = arith.cmpi ne, %rem3A_1475, %ne3A_1476 : i32
        %and3A_1478 = arith.andi %ne3A_1474, %ne3A_1477 : i1
        %sub3A_1479 = arith.constant 1 : i32
        %sub3A_1480 = arith.subi %div3A_1459, %sub3A_1479 : i32
        %select_n3A_1481 = arith.select %and3A_1478, %sub3A_1480, %div3A_1459 : i32
        %jit3A_1482 = arith.constant 4 : i32
        %eq3A_1483 = arith.constant 0 : i32
        %eq3A_1484 = arith.cmpi eq, %jit3A_1482, %eq3A_1483 : i32
        %jit3A_1485 = arith.constant 1 : i32
        %select_n3A_1486 = arith.select %eq3A_1484, %jit3A_1485, %jit3A_1482 : i32
        %rem3A_1487 = arith.remsi %sub3A_1457, %select_n3A_1486 : i32
        %ne3A_1488 = arith.constant 0 : i32
        %ne3A_1489 = arith.cmpi ne, %rem3A_1487, %ne3A_1488 : i32
        %lt3A_1490 = arith.constant 0 : i32
        %lt3A_1491 = arith.cmpi slt, %rem3A_1487, %lt3A_1490 : i32
        %lt3A_1492 = arith.constant 0 : i32
        %lt3A_1493 = arith.cmpi slt, %select_n3A_1486, %lt3A_1492 : i32
        %ne3A_1494 = arith.xori %lt3A_1491, %lt3A_1493 : i1
        %and3A_1495 = arith.andi %ne3A_1494, %ne3A_1489 : i1
        %add3A_1496 = arith.addi %rem3A_1487, %select_n3A_1486 : i32
        %select_n3A_1497 = arith.select %and3A_1495, %add3A_1496, %rem3A_1487 : i32
        %mul3A_1498 = arith.constant 128 : i32
        %mul3A_1499 = arith.muli %select_n3A_1497, %mul3A_1498 : i32
        %add3A_1500 = arith.addi %mul3A_2, %mul3A_1499 : i32
        %dma_wait3A_1501 = arith.constant 2 : i32
        %dma_wait3A_1502 = arith.constant 0 : i32
        %dma_wait3A_1503 = arith.constant 0 : i32
        %dma_wait3A_1504 = tpu.memref_slice %arg6[%dma_wait3A_1501, %dma_wait3A_1502, %dma_wait3A_1503] : memref<4x128x128xf32, #tpu.memory_space<vmem>> -> memref<1x128x128xf32, #tpu.memory_space<vmem>>
        %dma_wait3A_1505 = tpu.memref_squeeze %dma_wait3A_1504 : memref<1x128x128xf32, #tpu.memory_space<vmem>> -> memref<128x128xf32, #tpu.memory_space<vmem>>
        %dma_wait3A_1506 = arith.constant 0 : i32
        %dma_wait3A_1507 = arith.constant 0 : i32
        %dma_wait3A_1508 = tpu.memref_slice %arg4[%select_n3A_1481, %dma_wait3A_1506, %dma_wait3A_1507] : memref<50x16384x128xf32, #tpu.memory_space<hbm>> -> memref<1x16384x128xf32, #tpu.memory_space<hbm>>
        %dma_wait3A_1509 = tpu.memref_squeeze %dma_wait3A_1508 : memref<1x16384x128xf32, #tpu.memory_space<hbm>> -> memref<16384x128xf32, #tpu.memory_space<hbm>>
        %dma_wait3A_1510 = arith.constant 0 : i32
        %dma_wait3A_1511 = tpu.memref_slice %dma_wait3A_1509[%add3A_1500, %dma_wait3A_1510] : memref<16384x128xf32, #tpu.memory_space<hbm>> -> memref<128x128xf32, #tpu.memory_space<hbm>>
        %dma_wait3A_1512 = arith.constant 0 : i32
        %dma_wait3A_1513 = arith.constant 0 : i32
        %dma_wait3A_1514 = tpu.memref_slice %arg4[%select_n3A_1481, %dma_wait3A_1512, %dma_wait3A_1513] : memref<50x16384x128xf32, #tpu.memory_space<hbm>> -> memref<1x16384x128xf32, #tpu.memory_space<hbm>>
        %dma_wait3A_1515 = tpu.memref_squeeze %dma_wait3A_1514 : memref<1x16384x128xf32, #tpu.memory_space<hbm>> -> memref<16384x128xf32, #tpu.memory_space<hbm>>
        %dma_wait3A_1516 = arith.constant 0 : i32
        %dma_wait3A_1517 = tpu.memref_slice %dma_wait3A_1515[%add3A_1500, %dma_wait3A_1516] : memref<16384x128xf32, #tpu.memory_space<hbm>> -> memref<128x128xf32, #tpu.memory_space<hbm>>
        %dma_wait3A_1518 = arith.constant 0 : i32
        %dma_wait3A_1519 = arith.constant 0 : i32
        %dma_wait3A_1520 = tpu.memref_slice %arg6[%dma_wait3A_1501, %dma_wait3A_1518, %dma_wait3A_1519] : memref<4x128x128xf32, #tpu.memory_space<vmem>> -> memref<1x128x128xf32, #tpu.memory_space<vmem>>
        %dma_wait3A_1521 = tpu.memref_squeeze %dma_wait3A_1520 : memref<1x128x128xf32, #tpu.memory_space<vmem>> -> memref<128x128xf32, #tpu.memory_space<vmem>>
        tpu.wait_dma2 semaphore(%arg14 : memref<!tpu.dma_semaphore, #tpu.memory_space<semaphore_mem>>) src(%dma_wait3A_1521 : memref<128x128xf32, #tpu.memory_space<vmem>>) dst(%dma_wait3A_1517 : memref<128x128xf32, #tpu.memory_space<hbm>>)
      } else {
      }
      %add3A_1045 = arith.constant 2 : i32
      %add3A_1046 = arith.addi %add3A_978, %add3A_1045 : i32
      %mul3A_1047 = arith.constant 128 : i32
      %mul3A_1048 = arith.muli %add3A_1046, %mul3A_1047 : i32
      %dma_start3A_1049 = arith.constant 2 : i32
      %dma_start3A_1050 = arith.constant 0 : i32
      %dma_start3A_1051 = arith.constant 0 : i32
      %dma_start3A_1052 = tpu.memref_slice %arg6[%dma_start3A_1049, %dma_start3A_1050, %dma_start3A_1051] : memref<4x128x128xf32, #tpu.memory_space<vmem>> -> memref<1x128x128xf32, #tpu.memory_space<vmem>>
      %dma_start3A_1053 = tpu.memref_squeeze %dma_start3A_1052 : memref<1x128x128xf32, #tpu.memory_space<vmem>> -> memref<128x128xf32, #tpu.memory_space<vmem>>
      %dma_start3A_1054 = tpu.memref_slice %arg5[%mul3A_1048] : memref<25600xi32, #tpu.memory_space<vmem>> -> memref<128xi32, #tpu.memory_space<vmem>>
      %dma_start3A_1055 = arith.constant 0 : i32
      %dma_start3A_1056 = arith.constant 0 : i32
      %dma_start3A_1057 = tpu.memref_slice %arg3[%dma_start3A_1055, %dma_start3A_1056] : memref<1000000x128xf32, #tpu.memory_space<hbm>> -> memref<1000000x128xf32, #tpu.memory_space<hbm>>
      tpu.enqueue_indirect_dma source(%dma_start3A_1057 : memref<1000000x128xf32, #tpu.memory_space<hbm>>) target(%dma_start3A_1053 : memref<128x128xf32, #tpu.memory_space<vmem>>) offsets(%dma_start3A_1054 : memref<128xi32, #tpu.memory_space<vmem>>) semaphore(%arg10 : memref<!tpu.dma_semaphore, #tpu.memory_space<semaphore_mem>>)
      %mul3A_1058 = arith.constant 4 : i32
      %mul3A_1059 = arith.muli %scan3A_974, %mul3A_1058 : i32
      %add3A_1060 = arith.constant 1 : i32
      %add3A_1061 = arith.addi %mul3A_1059, %add3A_1060 : i32
      %dma_wait3A_1062 = arith.constant 1 : i32
      %dma_wait3A_1063 = arith.constant 0 : i32
      %dma_wait3A_1064 = arith.constant 0 : i32
      %dma_wait3A_1065 = tpu.memref_slice %arg6[%dma_wait3A_1062, %dma_wait3A_1063, %dma_wait3A_1064] : memref<4x128x128xf32, #tpu.memory_space<vmem>> -> memref<1x128x128xf32, #tpu.memory_space<vmem>>
      %dma_wait3A_1066 = tpu.memref_squeeze %dma_wait3A_1065 : memref<1x128x128xf32, #tpu.memory_space<vmem>> -> memref<128x128xf32, #tpu.memory_space<vmem>>
      %dma_wait3A_1067 = arith.constant 0 : i32
      %dma_wait3A_1068 = tpu.memref_slice %arg5[%dma_wait3A_1067] : memref<25600xi32, #tpu.memory_space<vmem>> -> memref<128xi32, #tpu.memory_space<vmem>>
      %dma_wait3A_1069 = arith.constant 0 : i32
      %dma_wait3A_1070 = arith.constant 0 : i32
      %dma_wait3A_1071 = tpu.memref_slice %arg3[%dma_wait3A_1069, %dma_wait3A_1070] : memref<1000000x128xf32, #tpu.memory_space<hbm>> -> memref<1000000x128xf32, #tpu.memory_space<hbm>>
      tpu.wait_indirect_dma semaphore(%arg9 : memref<!tpu.dma_semaphore, #tpu.memory_space<semaphore_mem>>) src(%dma_wait3A_1071 : memref<1000000x128xf32, #tpu.memory_space<hbm>>) dst(%dma_wait3A_1066 : memref<128x128xf32, #tpu.memory_space<vmem>>)
      %jit3A_1072 = arith.constant 4 : i32
      %div3A_1073 = arith.divsi %add3A_1061, %jit3A_1072 : i32
      %sign3A_1074 = arith.constant 0 : i32
      %sign3A_1075 = arith.cmpi sgt, %add3A_1061, %sign3A_1074 : i32
      %sign3A_1076 = arith.extui %sign3A_1075 : i1 to i32
      %sign3A_1077 = arith.constant 0 : i32
      %sign3A_1078 = arith.cmpi slt, %add3A_1061, %sign3A_1077 : i32
      %sign3A_1079 = arith.extui %sign3A_1078 : i1 to i32
      %sign3A_1080 = arith.subi %sign3A_1076, %sign3A_1079 : i32
      %sign3A_1081 = arith.constant 0 : i32
      %sign3A_1082 = arith.cmpi sgt, %jit3A_1072, %sign3A_1081 : i32
      %sign3A_1083 = arith.extui %sign3A_1082 : i1 to i32
      %sign3A_1084 = arith.constant 0 : i32
      %sign3A_1085 = arith.cmpi slt, %jit3A_1072, %sign3A_1084 : i32
      %sign3A_1086 = arith.extui %sign3A_1085 : i1 to i32
      %sign3A_1087 = arith.subi %sign3A_1083, %sign3A_1086 : i32
      %ne3A_1088 = arith.cmpi ne, %sign3A_1080, %sign3A_1087 : i32
      %rem3A_1089 = arith.remsi %add3A_1061, %jit3A_1072 : i32
      %ne3A_1090 = arith.constant 0 : i32
      %ne3A_1091 = arith.cmpi ne, %rem3A_1089, %ne3A_1090 : i32
      %and3A_1092 = arith.andi %ne3A_1088, %ne3A_1091 : i1
      %sub3A_1093 = arith.constant 1 : i32
      %sub3A_1094 = arith.subi %div3A_1073, %sub3A_1093 : i32
      %select_n3A_1095 = arith.select %and3A_1092, %sub3A_1094, %div3A_1073 : i32
      %jit3A_1096 = arith.constant 4 : i32
      %eq3A_1097 = arith.constant 0 : i32
      %eq3A_1098 = arith.cmpi eq, %jit3A_1096, %eq3A_1097 : i32
      %jit3A_1099 = arith.constant 1 : i32
      %select_n3A_1100 = arith.select %eq3A_1098, %jit3A_1099, %jit3A_1096 : i32
      %rem3A_1101 = arith.remsi %add3A_1061, %select_n3A_1100 : i32
      %ne3A_1102 = arith.constant 0 : i32
      %ne3A_1103 = arith.cmpi ne, %rem3A_1101, %ne3A_1102 : i32
      %lt3A_1104 = arith.constant 0 : i32
      %lt3A_1105 = arith.cmpi slt, %rem3A_1101, %lt3A_1104 : i32
      %lt3A_1106 = arith.constant 0 : i32
      %lt3A_1107 = arith.cmpi slt, %select_n3A_1100, %lt3A_1106 : i32
      %ne3A_1108 = arith.xori %lt3A_1105, %lt3A_1107 : i1
      %and3A_1109 = arith.andi %ne3A_1108, %ne3A_1103 : i1
      %add3A_1110 = arith.addi %rem3A_1101, %select_n3A_1100 : i32
      %select_n3A_1111 = arith.select %and3A_1109, %add3A_1110, %rem3A_1101 : i32
      %mul3A_1112 = arith.constant 128 : i32
      %mul3A_1113 = arith.muli %select_n3A_1111, %mul3A_1112 : i32
      %add3A_1114 = arith.addi %mul3A_2, %mul3A_1113 : i32
      %dma_start3A_1115 = arith.constant 1 : i32
      %dma_start3A_1116 = arith.constant 0 : i32
      %dma_start3A_1117 = arith.constant 0 : i32
      %dma_start3A_1118 = tpu.memref_slice %arg6[%dma_start3A_1115, %dma_start3A_1116, %dma_start3A_1117] : memref<4x128x128xf32, #tpu.memory_space<vmem>> -> memref<1x128x128xf32, #tpu.memory_space<vmem>>
      %dma_start3A_1119 = tpu.memref_squeeze %dma_start3A_1118 : memref<1x128x128xf32, #tpu.memory_space<vmem>> -> memref<128x128xf32, #tpu.memory_space<vmem>>
      %dma_start3A_1120 = arith.constant 0 : i32
      %dma_start3A_1121 = arith.constant 0 : i32
      %dma_start3A_1122 = tpu.memref_slice %arg4[%select_n3A_1095, %dma_start3A_1120, %dma_start3A_1121] : memref<50x16384x128xf32, #tpu.memory_space<hbm>> -> memref<1x16384x128xf32, #tpu.memory_space<hbm>>
      %dma_start3A_1123 = tpu.memref_squeeze %dma_start3A_1122 : memref<1x16384x128xf32, #tpu.memory_space<hbm>> -> memref<16384x128xf32, #tpu.memory_space<hbm>>
      %dma_start3A_1124 = arith.constant 0 : i32
      %dma_start3A_1125 = tpu.memref_slice %dma_start3A_1123[%add3A_1114, %dma_start3A_1124] : memref<16384x128xf32, #tpu.memory_space<hbm>> -> memref<128x128xf32, #tpu.memory_space<hbm>>
      %dma_start3A_1126 = arith.constant 0 : i32
      %dma_start3A_1127 = arith.constant 0 : i32
      %dma_start3A_1128 = tpu.memref_slice %arg4[%select_n3A_1095, %dma_start3A_1126, %dma_start3A_1127] : memref<50x16384x128xf32, #tpu.memory_space<hbm>> -> memref<1x16384x128xf32, #tpu.memory_space<hbm>>
      %dma_start3A_1129 = tpu.memref_squeeze %dma_start3A_1128 : memref<1x16384x128xf32, #tpu.memory_space<hbm>> -> memref<16384x128xf32, #tpu.memory_space<hbm>>
      %dma_start3A_1130 = arith.constant 0 : i32
      %dma_start3A_1131 = tpu.memref_slice %dma_start3A_1129[%add3A_1114, %dma_start3A_1130] : memref<16384x128xf32, #tpu.memory_space<hbm>> -> memref<128x128xf32, #tpu.memory_space<hbm>>
      %dma_start3A_1132 = arith.constant 0 : i32
      %dma_start3A_1133 = arith.constant 0 : i32
      %dma_start3A_1134 = tpu.memref_slice %arg6[%dma_start3A_1115, %dma_start3A_1132, %dma_start3A_1133] : memref<4x128x128xf32, #tpu.memory_space<vmem>> -> memref<1x128x128xf32, #tpu.memory_space<vmem>>
      %dma_start3A_1135 = tpu.memref_squeeze %dma_start3A_1134 : memref<1x128x128xf32, #tpu.memory_space<vmem>> -> memref<128x128xf32, #tpu.memory_space<vmem>>
      tpu.enqueue_dma source(%dma_start3A_1135 : memref<128x128xf32, #tpu.memory_space<vmem>>) target(%dma_start3A_1131 : memref<128x128xf32, #tpu.memory_space<hbm>>) target_semaphore(%arg13 : memref<!tpu.dma_semaphore, #tpu.memory_space<semaphore_mem>>)
      %ge3A_1136 = arith.constant 2 : i32
      %ge3A_1137 = arith.cmpi sge, %add3A_1061, %ge3A_1136 : i32
      %convert_element_type3A_1138 = arith.extui %ge3A_1137 : i1 to i32
      %cond3A_1139 = arith.constant 0 : i32
      %cond3A_1140 = arith.cmpi ne, %convert_element_type3A_1138, %cond3A_1139 : i32
      scf.if %cond3A_1140 {
        %sub3A_1456 = arith.constant 2 : i32
        %sub3A_1457 = arith.subi %add3A_1061, %sub3A_1456 : i32
        %jit3A_1458 = arith.constant 4 : i32
        %div3A_1459 = arith.divsi %sub3A_1457, %jit3A_1458 : i32
        %sign3A_1460 = arith.constant 0 : i32
        %sign3A_1461 = arith.cmpi sgt, %sub3A_1457, %sign3A_1460 : i32
        %sign3A_1462 = arith.extui %sign3A_1461 : i1 to i32
        %sign3A_1463 = arith.constant 0 : i32
        %sign3A_1464 = arith.cmpi slt, %sub3A_1457, %sign3A_1463 : i32
        %sign3A_1465 = arith.extui %sign3A_1464 : i1 to i32
        %sign3A_1466 = arith.subi %sign3A_1462, %sign3A_1465 : i32
        %sign3A_1467 = arith.constant 0 : i32
        %sign3A_1468 = arith.cmpi sgt, %jit3A_1458, %sign3A_1467 : i32
        %sign3A_1469 = arith.extui %sign3A_1468 : i1 to i32
        %sign3A_1470 = arith.constant 0 : i32
        %sign3A_1471 = arith.cmpi slt, %jit3A_1458, %sign3A_1470 : i32
        %sign3A_1472 = arith.extui %sign3A_1471 : i1 to i32
        %sign3A_1473 = arith.subi %sign3A_1469, %sign3A_1472 : i32
        %ne3A_1474 = arith.cmpi ne, %sign3A_1466, %sign3A_1473 : i32
        %rem3A_1475 = arith.remsi %sub3A_1457, %jit3A_1458 : i32
        %ne3A_1476 = arith.constant 0 : i32
        %ne3A_1477 = arith.cmpi ne, %rem3A_1475, %ne3A_1476 : i32
        %and3A_1478 = arith.andi %ne3A_1474, %ne3A_1477 : i1
        %sub3A_1479 = arith.constant 1 : i32
        %sub3A_1480 = arith.subi %div3A_1459, %sub3A_1479 : i32
        %select_n3A_1481 = arith.select %and3A_1478, %sub3A_1480, %div3A_1459 : i32
        %jit3A_1482 = arith.constant 4 : i32
        %eq3A_1483 = arith.constant 0 : i32
        %eq3A_1484 = arith.cmpi eq, %jit3A_1482, %eq3A_1483 : i32
        %jit3A_1485 = arith.constant 1 : i32
        %select_n3A_1486 = arith.select %eq3A_1484, %jit3A_1485, %jit3A_1482 : i32
        %rem3A_1487 = arith.remsi %sub3A_1457, %select_n3A_1486 : i32
        %ne3A_1488 = arith.constant 0 : i32
        %ne3A_1489 = arith.cmpi ne, %rem3A_1487, %ne3A_1488 : i32
        %lt3A_1490 = arith.constant 0 : i32
        %lt3A_1491 = arith.cmpi slt, %rem3A_1487, %lt3A_1490 : i32
        %lt3A_1492 = arith.constant 0 : i32
        %lt3A_1493 = arith.cmpi slt, %select_n3A_1486, %lt3A_1492 : i32
        %ne3A_1494 = arith.xori %lt3A_1491, %lt3A_1493 : i1
        %and3A_1495 = arith.andi %ne3A_1494, %ne3A_1489 : i1
        %add3A_1496 = arith.addi %rem3A_1487, %select_n3A_1486 : i32
        %select_n3A_1497 = arith.select %and3A_1495, %add3A_1496, %rem3A_1487 : i32
        %mul3A_1498 = arith.constant 128 : i32
        %mul3A_1499 = arith.muli %select_n3A_1497, %mul3A_1498 : i32
        %add3A_1500 = arith.addi %mul3A_2, %mul3A_1499 : i32
        %dma_wait3A_1501 = arith.constant 3 : i32
        %dma_wait3A_1502 = arith.constant 0 : i32
        %dma_wait3A_1503 = arith.constant 0 : i32
        %dma_wait3A_1504 = tpu.memref_slice %arg6[%dma_wait3A_1501, %dma_wait3A_1502, %dma_wait3A_1503] : memref<4x128x128xf32, #tpu.memory_space<vmem>> -> memref<1x128x128xf32, #tpu.memory_space<vmem>>
        %dma_wait3A_1505 = tpu.memref_squeeze %dma_wait3A_1504 : memref<1x128x128xf32, #tpu.memory_space<vmem>> -> memref<128x128xf32, #tpu.memory_space<vmem>>
        %dma_wait3A_1506 = arith.constant 0 : i32
        %dma_wait3A_1507 = arith.constant 0 : i32
        %dma_wait3A_1508 = tpu.memref_slice %arg4[%select_n3A_1481, %dma_wait3A_1506, %dma_wait3A_1507] : memref<50x16384x128xf32, #tpu.memory_space<hbm>> -> memref<1x16384x128xf32, #tpu.memory_space<hbm>>
        %dma_wait3A_1509 = tpu.memref_squeeze %dma_wait3A_1508 : memref<1x16384x128xf32, #tpu.memory_space<hbm>> -> memref<16384x128xf32, #tpu.memory_space<hbm>>
        %dma_wait3A_1510 = arith.constant 0 : i32
        %dma_wait3A_1511 = tpu.memref_slice %dma_wait3A_1509[%add3A_1500, %dma_wait3A_1510] : memref<16384x128xf32, #tpu.memory_space<hbm>> -> memref<128x128xf32, #tpu.memory_space<hbm>>
        %dma_wait3A_1512 = arith.constant 0 : i32
        %dma_wait3A_1513 = arith.constant 0 : i32
        %dma_wait3A_1514 = tpu.memref_slice %arg4[%select_n3A_1481, %dma_wait3A_1512, %dma_wait3A_1513] : memref<50x16384x128xf32, #tpu.memory_space<hbm>> -> memref<1x16384x128xf32, #tpu.memory_space<hbm>>
        %dma_wait3A_1515 = tpu.memref_squeeze %dma_wait3A_1514 : memref<1x16384x128xf32, #tpu.memory_space<hbm>> -> memref<16384x128xf32, #tpu.memory_space<hbm>>
        %dma_wait3A_1516 = arith.constant 0 : i32
        %dma_wait3A_1517 = tpu.memref_slice %dma_wait3A_1515[%add3A_1500, %dma_wait3A_1516] : memref<16384x128xf32, #tpu.memory_space<hbm>> -> memref<128x128xf32, #tpu.memory_space<hbm>>
        %dma_wait3A_1518 = arith.constant 0 : i32
        %dma_wait3A_1519 = arith.constant 0 : i32
        %dma_wait3A_1520 = tpu.memref_slice %arg6[%dma_wait3A_1501, %dma_wait3A_1518, %dma_wait3A_1519] : memref<4x128x128xf32, #tpu.memory_space<vmem>> -> memref<1x128x128xf32, #tpu.memory_space<vmem>>
        %dma_wait3A_1521 = tpu.memref_squeeze %dma_wait3A_1520 : memref<1x128x128xf32, #tpu.memory_space<vmem>> -> memref<128x128xf32, #tpu.memory_space<vmem>>
        tpu.wait_dma2 semaphore(%arg15 : memref<!tpu.dma_semaphore, #tpu.memory_space<semaphore_mem>>) src(%dma_wait3A_1521 : memref<128x128xf32, #tpu.memory_space<vmem>>) dst(%dma_wait3A_1517 : memref<128x128xf32, #tpu.memory_space<hbm>>)
      } else {
      }
      %add3A_1141 = arith.constant 2 : i32
      %add3A_1142 = arith.addi %add3A_1061, %add3A_1141 : i32
      %mul3A_1143 = arith.constant 128 : i32
      %mul3A_1144 = arith.muli %add3A_1142, %mul3A_1143 : i32
      %dma_start3A_1145 = arith.constant 3 : i32
      %dma_start3A_1146 = arith.constant 0 : i32
      %dma_start3A_1147 = arith.constant 0 : i32
      %dma_start3A_1148 = tpu.memref_slice %arg6[%dma_start3A_1145, %dma_start3A_1146, %dma_start3A_1147] : memref<4x128x128xf32, #tpu.memory_space<vmem>> -> memref<1x128x128xf32, #tpu.memory_space<vmem>>
      %dma_start3A_1149 = tpu.memref_squeeze %dma_start3A_1148 : memref<1x128x128xf32, #tpu.memory_space<vmem>> -> memref<128x128xf32, #tpu.memory_space<vmem>>
      %dma_start3A_1150 = tpu.memref_slice %arg5[%mul3A_1144] : memref<25600xi32, #tpu.memory_space<vmem>> -> memref<128xi32, #tpu.memory_space<vmem>>
      %dma_start3A_1151 = arith.constant 0 : i32
      %dma_start3A_1152 = arith.constant 0 : i32
      %dma_start3A_1153 = tpu.memref_slice %arg3[%dma_start3A_1151, %dma_start3A_1152] : memref<1000000x128xf32, #tpu.memory_space<hbm>> -> memref<1000000x128xf32, #tpu.memory_space<hbm>>
      tpu.enqueue_indirect_dma source(%dma_start3A_1153 : memref<1000000x128xf32, #tpu.memory_space<hbm>>) target(%dma_start3A_1149 : memref<128x128xf32, #tpu.memory_space<vmem>>) offsets(%dma_start3A_1150 : memref<128xi32, #tpu.memory_space<vmem>>) semaphore(%arg11 : memref<!tpu.dma_semaphore, #tpu.memory_space<semaphore_mem>>)
      %mul3A_1154 = arith.constant 4 : i32
      %mul3A_1155 = arith.muli %scan3A_974, %mul3A_1154 : i32
      %add3A_1156 = arith.constant 2 : i32
      %add3A_1157 = arith.addi %mul3A_1155, %add3A_1156 : i32
      %dma_wait3A_1158 = arith.constant 2 : i32
      %dma_wait3A_1159 = arith.constant 0 : i32
      %dma_wait3A_1160 = arith.constant 0 : i32
      %dma_wait3A_1161 = tpu.memref_slice %arg6[%dma_wait3A_1158, %dma_wait3A_1159, %dma_wait3A_1160] : memref<4x128x128xf32, #tpu.memory_space<vmem>> -> memref<1x128x128xf32, #tpu.memory_space<vmem>>
      %dma_wait3A_1162 = tpu.memref_squeeze %dma_wait3A_1161 : memref<1x128x128xf32, #tpu.memory_space<vmem>> -> memref<128x128xf32, #tpu.memory_space<vmem>>
      %dma_wait3A_1163 = arith.constant 0 : i32
      %dma_wait3A_1164 = tpu.memref_slice %arg5[%dma_wait3A_1163] : memref<25600xi32, #tpu.memory_space<vmem>> -> memref<128xi32, #tpu.memory_space<vmem>>
      %dma_wait3A_1165 = arith.constant 0 : i32
      %dma_wait3A_1166 = arith.constant 0 : i32
      %dma_wait3A_1167 = tpu.memref_slice %arg3[%dma_wait3A_1165, %dma_wait3A_1166] : memref<1000000x128xf32, #tpu.memory_space<hbm>> -> memref<1000000x128xf32, #tpu.memory_space<hbm>>
      tpu.wait_indirect_dma semaphore(%arg10 : memref<!tpu.dma_semaphore, #tpu.memory_space<semaphore_mem>>) src(%dma_wait3A_1167 : memref<1000000x128xf32, #tpu.memory_space<hbm>>) dst(%dma_wait3A_1162 : memref<128x128xf32, #tpu.memory_space<vmem>>)
      %jit3A_1168 = arith.constant 4 : i32
      %div3A_1169 = arith.divsi %add3A_1157, %jit3A_1168 : i32
      %sign3A_1170 = arith.constant 0 : i32
      %sign3A_1171 = arith.cmpi sgt, %add3A_1157, %sign3A_1170 : i32
      %sign3A_1172 = arith.extui %sign3A_1171 : i1 to i32
      %sign3A_1173 = arith.constant 0 : i32
      %sign3A_1174 = arith.cmpi slt, %add3A_1157, %sign3A_1173 : i32
      %sign3A_1175 = arith.extui %sign3A_1174 : i1 to i32
      %sign3A_1176 = arith.subi %sign3A_1172, %sign3A_1175 : i32
      %sign3A_1177 = arith.constant 0 : i32
      %sign3A_1178 = arith.cmpi sgt, %jit3A_1168, %sign3A_1177 : i32
      %sign3A_1179 = arith.extui %sign3A_1178 : i1 to i32
      %sign3A_1180 = arith.constant 0 : i32
      %sign3A_1181 = arith.cmpi slt, %jit3A_1168, %sign3A_1180 : i32
      %sign3A_1182 = arith.extui %sign3A_1181 : i1 to i32
      %sign3A_1183 = arith.subi %sign3A_1179, %sign3A_1182 : i32
      %ne3A_1184 = arith.cmpi ne, %sign3A_1176, %sign3A_1183 : i32
      %rem3A_1185 = arith.remsi %add3A_1157, %jit3A_1168 : i32
      %ne3A_1186 = arith.constant 0 : i32
      %ne3A_1187 = arith.cmpi ne, %rem3A_1185, %ne3A_1186 : i32
      %and3A_1188 = arith.andi %ne3A_1184, %ne3A_1187 : i1
      %sub3A_1189 = arith.constant 1 : i32
      %sub3A_1190 = arith.subi %div3A_1169, %sub3A_1189 : i32
      %select_n3A_1191 = arith.select %and3A_1188, %sub3A_1190, %div3A_1169 : i32
      %jit3A_1192 = arith.constant 4 : i32
      %eq3A_1193 = arith.constant 0 : i32
      %eq3A_1194 = arith.cmpi eq, %jit3A_1192, %eq3A_1193 : i32
      %jit3A_1195 = arith.constant 1 : i32
      %select_n3A_1196 = arith.select %eq3A_1194, %jit3A_1195, %jit3A_1192 : i32
      %rem3A_1197 = arith.remsi %add3A_1157, %select_n3A_1196 : i32
      %ne3A_1198 = arith.constant 0 : i32
      %ne3A_1199 = arith.cmpi ne, %rem3A_1197, %ne3A_1198 : i32
      %lt3A_1200 = arith.constant 0 : i32
      %lt3A_1201 = arith.cmpi slt, %rem3A_1197, %lt3A_1200 : i32
      %lt3A_1202 = arith.constant 0 : i32
      %lt3A_1203 = arith.cmpi slt, %select_n3A_1196, %lt3A_1202 : i32
      %ne3A_1204 = arith.xori %lt3A_1201, %lt3A_1203 : i1
      %and3A_1205 = arith.andi %ne3A_1204, %ne3A_1199 : i1
      %add3A_1206 = arith.addi %rem3A_1197, %select_n3A_1196 : i32
      %select_n3A_1207 = arith.select %and3A_1205, %add3A_1206, %rem3A_1197 : i32
      %mul3A_1208 = arith.constant 128 : i32
      %mul3A_1209 = arith.muli %select_n3A_1207, %mul3A_1208 : i32
      %add3A_1210 = arith.addi %mul3A_2, %mul3A_1209 : i32
      %dma_start3A_1211 = arith.constant 2 : i32
      %dma_start3A_1212 = arith.constant 0 : i32
      %dma_start3A_1213 = arith.constant 0 : i32
      %dma_start3A_1214 = tpu.memref_slice %arg6[%dma_start3A_1211, %dma_start3A_1212, %dma_start3A_1213] : memref<4x128x128xf32, #tpu.memory_space<vmem>> -> memref<1x128x128xf32, #tpu.memory_space<vmem>>
      %dma_start3A_1215 = tpu.memref_squeeze %dma_start3A_1214 : memref<1x128x128xf32, #tpu.memory_space<vmem>> -> memref<128x128xf32, #tpu.memory_space<vmem>>
      %dma_start3A_1216 = arith.constant 0 : i32
      %dma_start3A_1217 = arith.constant 0 : i32
      %dma_start3A_1218 = tpu.memref_slice %arg4[%select_n3A_1191, %dma_start3A_1216, %dma_start3A_1217] : memref<50x16384x128xf32, #tpu.memory_space<hbm>> -> memref<1x16384x128xf32, #tpu.memory_space<hbm>>
      %dma_start3A_1219 = tpu.memref_squeeze %dma_start3A_1218 : memref<1x16384x128xf32, #tpu.memory_space<hbm>> -> memref<16384x128xf32, #tpu.memory_space<hbm>>
      %dma_start3A_1220 = arith.constant 0 : i32
      %dma_start3A_1221 = tpu.memref_slice %dma_start3A_1219[%add3A_1210, %dma_start3A_1220] : memref<16384x128xf32, #tpu.memory_space<hbm>> -> memref<128x128xf32, #tpu.memory_space<hbm>>
      %dma_start3A_1222 = arith.constant 0 : i32
      %dma_start3A_1223 = arith.constant 0 : i32
      %dma_start3A_1224 = tpu.memref_slice %arg4[%select_n3A_1191, %dma_start3A_1222, %dma_start3A_1223] : memref<50x16384x128xf32, #tpu.memory_space<hbm>> -> memref<1x16384x128xf32, #tpu.memory_space<hbm>>
      %dma_start3A_1225 = tpu.memref_squeeze %dma_start3A_1224 : memref<1x16384x128xf32, #tpu.memory_space<hbm>> -> memref<16384x128xf32, #tpu.memory_space<hbm>>
      %dma_start3A_1226 = arith.constant 0 : i32
      %dma_start3A_1227 = tpu.memref_slice %dma_start3A_1225[%add3A_1210, %dma_start3A_1226] : memref<16384x128xf32, #tpu.memory_space<hbm>> -> memref<128x128xf32, #tpu.memory_space<hbm>>
      %dma_start3A_1228 = arith.constant 0 : i32
      %dma_start3A_1229 = arith.constant 0 : i32
      %dma_start3A_1230 = tpu.memref_slice %arg6[%dma_start3A_1211, %dma_start3A_1228, %dma_start3A_1229] : memref<4x128x128xf32, #tpu.memory_space<vmem>> -> memref<1x128x128xf32, #tpu.memory_space<vmem>>
      %dma_start3A_1231 = tpu.memref_squeeze %dma_start3A_1230 : memref<1x128x128xf32, #tpu.memory_space<vmem>> -> memref<128x128xf32, #tpu.memory_space<vmem>>
      tpu.enqueue_dma source(%dma_start3A_1231 : memref<128x128xf32, #tpu.memory_space<vmem>>) target(%dma_start3A_1227 : memref<128x128xf32, #tpu.memory_space<hbm>>) target_semaphore(%arg14 : memref<!tpu.dma_semaphore, #tpu.memory_space<semaphore_mem>>)
      %sub3A_1232 = arith.constant 2 : i32
      %sub3A_1233 = arith.subi %add3A_1157, %sub3A_1232 : i32
      %jit3A_1234 = arith.constant 4 : i32
      %div3A_1235 = arith.divsi %sub3A_1233, %jit3A_1234 : i32
      %sign3A_1236 = arith.constant 0 : i32
      %sign3A_1237 = arith.cmpi sgt, %sub3A_1233, %sign3A_1236 : i32
      %sign3A_1238 = arith.extui %sign3A_1237 : i1 to i32
      %sign3A_1239 = arith.constant 0 : i32
      %sign3A_1240 = arith.cmpi slt, %sub3A_1233, %sign3A_1239 : i32
      %sign3A_1241 = arith.extui %sign3A_1240 : i1 to i32
      %sign3A_1242 = arith.subi %sign3A_1238, %sign3A_1241 : i32
      %sign3A_1243 = arith.constant 0 : i32
      %sign3A_1244 = arith.cmpi sgt, %jit3A_1234, %sign3A_1243 : i32
      %sign3A_1245 = arith.extui %sign3A_1244 : i1 to i32
      %sign3A_1246 = arith.constant 0 : i32
      %sign3A_1247 = arith.cmpi slt, %jit3A_1234, %sign3A_1246 : i32
      %sign3A_1248 = arith.extui %sign3A_1247 : i1 to i32
      %sign3A_1249 = arith.subi %sign3A_1245, %sign3A_1248 : i32
      %ne3A_1250 = arith.cmpi ne, %sign3A_1242, %sign3A_1249 : i32
      %rem3A_1251 = arith.remsi %sub3A_1233, %jit3A_1234 : i32
      %ne3A_1252 = arith.constant 0 : i32
      %ne3A_1253 = arith.cmpi ne, %rem3A_1251, %ne3A_1252 : i32
      %and3A_1254 = arith.andi %ne3A_1250, %ne3A_1253 : i1
      %sub3A_1255 = arith.constant 1 : i32
      %sub3A_1256 = arith.subi %div3A_1235, %sub3A_1255 : i32
      %select_n3A_1257 = arith.select %and3A_1254, %sub3A_1256, %div3A_1235 : i32
      %jit3A_1258 = arith.constant 4 : i32
      %eq3A_1259 = arith.constant 0 : i32
      %eq3A_1260 = arith.cmpi eq, %jit3A_1258, %eq3A_1259 : i32
      %jit3A_1261 = arith.constant 1 : i32
      %select_n3A_1262 = arith.select %eq3A_1260, %jit3A_1261, %jit3A_1258 : i32
      %rem3A_1263 = arith.remsi %sub3A_1233, %select_n3A_1262 : i32
      %ne3A_1264 = arith.constant 0 : i32
      %ne3A_1265 = arith.cmpi ne, %rem3A_1263, %ne3A_1264 : i32
      %lt3A_1266 = arith.constant 0 : i32
      %lt3A_1267 = arith.cmpi slt, %rem3A_1263, %lt3A_1266 : i32
      %lt3A_1268 = arith.constant 0 : i32
      %lt3A_1269 = arith.cmpi slt, %select_n3A_1262, %lt3A_1268 : i32
      %ne3A_1270 = arith.xori %lt3A_1267, %lt3A_1269 : i1
      %and3A_1271 = arith.andi %ne3A_1270, %ne3A_1265 : i1
      %add3A_1272 = arith.addi %rem3A_1263, %select_n3A_1262 : i32
      %select_n3A_1273 = arith.select %and3A_1271, %add3A_1272, %rem3A_1263 : i32
      %mul3A_1274 = arith.constant 128 : i32
      %mul3A_1275 = arith.muli %select_n3A_1273, %mul3A_1274 : i32
      %add3A_1276 = arith.addi %mul3A_2, %mul3A_1275 : i32
      %dma_wait3A_1277 = arith.constant 0 : i32
      %dma_wait3A_1278 = arith.constant 0 : i32
      %dma_wait3A_1279 = arith.constant 0 : i32
      %dma_wait3A_1280 = tpu.memref_slice %arg6[%dma_wait3A_1277, %dma_wait3A_1278, %dma_wait3A_1279] : memref<4x128x128xf32, #tpu.memory_space<vmem>> -> memref<1x128x128xf32, #tpu.memory_space<vmem>>
      %dma_wait3A_1281 = tpu.memref_squeeze %dma_wait3A_1280 : memref<1x128x128xf32, #tpu.memory_space<vmem>> -> memref<128x128xf32, #tpu.memory_space<vmem>>
      %dma_wait3A_1282 = arith.constant 0 : i32
      %dma_wait3A_1283 = arith.constant 0 : i32
      %dma_wait3A_1284 = tpu.memref_slice %arg4[%select_n3A_1257, %dma_wait3A_1282, %dma_wait3A_1283] : memref<50x16384x128xf32, #tpu.memory_space<hbm>> -> memref<1x16384x128xf32, #tpu.memory_space<hbm>>
      %dma_wait3A_1285 = tpu.memref_squeeze %dma_wait3A_1284 : memref<1x16384x128xf32, #tpu.memory_space<hbm>> -> memref<16384x128xf32, #tpu.memory_space<hbm>>
      %dma_wait3A_1286 = arith.constant 0 : i32
      %dma_wait3A_1287 = tpu.memref_slice %dma_wait3A_1285[%add3A_1276, %dma_wait3A_1286] : memref<16384x128xf32, #tpu.memory_space<hbm>> -> memref<128x128xf32, #tpu.memory_space<hbm>>
      %dma_wait3A_1288 = arith.constant 0 : i32
      %dma_wait3A_1289 = arith.constant 0 : i32
      %dma_wait3A_1290 = tpu.memref_slice %arg4[%select_n3A_1257, %dma_wait3A_1288, %dma_wait3A_1289] : memref<50x16384x128xf32, #tpu.memory_space<hbm>> -> memref<1x16384x128xf32, #tpu.memory_space<hbm>>
      %dma_wait3A_1291 = tpu.memref_squeeze %dma_wait3A_1290 : memref<1x16384x128xf32, #tpu.memory_space<hbm>> -> memref<16384x128xf32, #tpu.memory_space<hbm>>
      %dma_wait3A_1292 = arith.constant 0 : i32
      %dma_wait3A_1293 = tpu.memref_slice %dma_wait3A_1291[%add3A_1276, %dma_wait3A_1292] : memref<16384x128xf32, #tpu.memory_space<hbm>> -> memref<128x128xf32, #tpu.memory_space<hbm>>
      %dma_wait3A_1294 = arith.constant 0 : i32
      %dma_wait3A_1295 = arith.constant 0 : i32
      %dma_wait3A_1296 = tpu.memref_slice %arg6[%dma_wait3A_1277, %dma_wait3A_1294, %dma_wait3A_1295] : memref<4x128x128xf32, #tpu.memory_space<vmem>> -> memref<1x128x128xf32, #tpu.memory_space<vmem>>
      %dma_wait3A_1297 = tpu.memref_squeeze %dma_wait3A_1296 : memref<1x128x128xf32, #tpu.memory_space<vmem>> -> memref<128x128xf32, #tpu.memory_space<vmem>>
      tpu.wait_dma2 semaphore(%arg12 : memref<!tpu.dma_semaphore, #tpu.memory_space<semaphore_mem>>) src(%dma_wait3A_1297 : memref<128x128xf32, #tpu.memory_space<vmem>>) dst(%dma_wait3A_1293 : memref<128x128xf32, #tpu.memory_space<hbm>>)
      %add3A_1298 = arith.constant 2 : i32
      %add3A_1299 = arith.addi %add3A_1157, %add3A_1298 : i32
      %lt3A_1300 = arith.constant 200 : i32
      %lt3A_1301 = arith.cmpi slt, %add3A_1299, %lt3A_1300 : i32
      %convert_element_type3A_1302 = arith.extui %lt3A_1301 : i1 to i32
      %cond3A_1303 = arith.constant 0 : i32
      %cond3A_1304 = arith.cmpi ne, %convert_element_type3A_1302, %cond3A_1303 : i32
      scf.if %cond3A_1304 {
        %add3A_1456 = arith.constant 2 : i32
        %add3A_1457 = arith.addi %add3A_1157, %add3A_1456 : i32
        %mul3A_1458 = arith.constant 128 : i32
        %mul3A_1459 = arith.muli %add3A_1457, %mul3A_1458 : i32
        %dma_start3A_1460 = arith.constant 0 : i32
        %dma_start3A_1461 = arith.constant 0 : i32
        %dma_start3A_1462 = arith.constant 0 : i32
        %dma_start3A_1463 = tpu.memref_slice %arg6[%dma_start3A_1460, %dma_start3A_1461, %dma_start3A_1462] : memref<4x128x128xf32, #tpu.memory_space<vmem>> -> memref<1x128x128xf32, #tpu.memory_space<vmem>>
        %dma_start3A_1464 = tpu.memref_squeeze %dma_start3A_1463 : memref<1x128x128xf32, #tpu.memory_space<vmem>> -> memref<128x128xf32, #tpu.memory_space<vmem>>
        %dma_start3A_1465 = tpu.memref_slice %arg5[%mul3A_1459] : memref<25600xi32, #tpu.memory_space<vmem>> -> memref<128xi32, #tpu.memory_space<vmem>>
        %dma_start3A_1466 = arith.constant 0 : i32
        %dma_start3A_1467 = arith.constant 0 : i32
        %dma_start3A_1468 = tpu.memref_slice %arg3[%dma_start3A_1466, %dma_start3A_1467] : memref<1000000x128xf32, #tpu.memory_space<hbm>> -> memref<1000000x128xf32, #tpu.memory_space<hbm>>
        tpu.enqueue_indirect_dma source(%dma_start3A_1468 : memref<1000000x128xf32, #tpu.memory_space<hbm>>) target(%dma_start3A_1464 : memref<128x128xf32, #tpu.memory_space<vmem>>) offsets(%dma_start3A_1465 : memref<128xi32, #tpu.memory_space<vmem>>) semaphore(%arg8 : memref<!tpu.dma_semaphore, #tpu.memory_space<semaphore_mem>>)
      } else {
      }
      %mul3A_1305 = arith.constant 4 : i32
      %mul3A_1306 = arith.muli %scan3A_974, %mul3A_1305 : i32
      %add3A_1307 = arith.constant 3 : i32
      %add3A_1308 = arith.addi %mul3A_1306, %add3A_1307 : i32
      %dma_wait3A_1309 = arith.constant 3 : i32
      %dma_wait3A_1310 = arith.constant 0 : i32
      %dma_wait3A_1311 = arith.constant 0 : i32
      %dma_wait3A_1312 = tpu.memref_slice %arg6[%dma_wait3A_1309, %dma_wait3A_1310, %dma_wait3A_1311] : memref<4x128x128xf32, #tpu.memory_space<vmem>> -> memref<1x128x128xf32, #tpu.memory_space<vmem>>
      %dma_wait3A_1313 = tpu.memref_squeeze %dma_wait3A_1312 : memref<1x128x128xf32, #tpu.memory_space<vmem>> -> memref<128x128xf32, #tpu.memory_space<vmem>>
      %dma_wait3A_1314 = arith.constant 0 : i32
      %dma_wait3A_1315 = tpu.memref_slice %arg5[%dma_wait3A_1314] : memref<25600xi32, #tpu.memory_space<vmem>> -> memref<128xi32, #tpu.memory_space<vmem>>
      %dma_wait3A_1316 = arith.constant 0 : i32
      %dma_wait3A_1317 = arith.constant 0 : i32
      %dma_wait3A_1318 = tpu.memref_slice %arg3[%dma_wait3A_1316, %dma_wait3A_1317] : memref<1000000x128xf32, #tpu.memory_space<hbm>> -> memref<1000000x128xf32, #tpu.memory_space<hbm>>
      tpu.wait_indirect_dma semaphore(%arg11 : memref<!tpu.dma_semaphore, #tpu.memory_space<semaphore_mem>>) src(%dma_wait3A_1318 : memref<1000000x128xf32, #tpu.memory_space<hbm>>) dst(%dma_wait3A_1313 : memref<128x128xf32, #tpu.memory_space<vmem>>)
      %jit3A_1319 = arith.constant 4 : i32
      %div3A_1320 = arith.divsi %add3A_1308, %jit3A_1319 : i32
      %sign3A_1321 = arith.constant 0 : i32
      %sign3A_1322 = arith.cmpi sgt, %add3A_1308, %sign3A_1321 : i32
      %sign3A_1323 = arith.extui %sign3A_1322 : i1 to i32
      %sign3A_1324 = arith.constant 0 : i32
      %sign3A_1325 = arith.cmpi slt, %add3A_1308, %sign3A_1324 : i32
      %sign3A_1326 = arith.extui %sign3A_1325 : i1 to i32
      %sign3A_1327 = arith.subi %sign3A_1323, %sign3A_1326 : i32
      %sign3A_1328 = arith.constant 0 : i32
      %sign3A_1329 = arith.cmpi sgt, %jit3A_1319, %sign3A_1328 : i32
      %sign3A_1330 = arith.extui %sign3A_1329 : i1 to i32
      %sign3A_1331 = arith.constant 0 : i32
      %sign3A_1332 = arith.cmpi slt, %jit3A_1319, %sign3A_1331 : i32
      %sign3A_1333 = arith.extui %sign3A_1332 : i1 to i32
      %sign3A_1334 = arith.subi %sign3A_1330, %sign3A_1333 : i32
      %ne3A_1335 = arith.cmpi ne, %sign3A_1327, %sign3A_1334 : i32
      %rem3A_1336 = arith.remsi %add3A_1308, %jit3A_1319 : i32
      %ne3A_1337 = arith.constant 0 : i32
      %ne3A_1338 = arith.cmpi ne, %rem3A_1336, %ne3A_1337 : i32
      %and3A_1339 = arith.andi %ne3A_1335, %ne3A_1338 : i1
      %sub3A_1340 = arith.constant 1 : i32
      %sub3A_1341 = arith.subi %div3A_1320, %sub3A_1340 : i32
      %select_n3A_1342 = arith.select %and3A_1339, %sub3A_1341, %div3A_1320 : i32
      %jit3A_1343 = arith.constant 4 : i32
      %eq3A_1344 = arith.constant 0 : i32
      %eq3A_1345 = arith.cmpi eq, %jit3A_1343, %eq3A_1344 : i32
      %jit3A_1346 = arith.constant 1 : i32
      %select_n3A_1347 = arith.select %eq3A_1345, %jit3A_1346, %jit3A_1343 : i32
      %rem3A_1348 = arith.remsi %add3A_1308, %select_n3A_1347 : i32
      %ne3A_1349 = arith.constant 0 : i32
      %ne3A_1350 = arith.cmpi ne, %rem3A_1348, %ne3A_1349 : i32
      %lt3A_1351 = arith.constant 0 : i32
      %lt3A_1352 = arith.cmpi slt, %rem3A_1348, %lt3A_1351 : i32
      %lt3A_1353 = arith.constant 0 : i32
      %lt3A_1354 = arith.cmpi slt, %select_n3A_1347, %lt3A_1353 : i32
      %ne3A_1355 = arith.xori %lt3A_1352, %lt3A_1354 : i1
      %and3A_1356 = arith.andi %ne3A_1355, %ne3A_1350 : i1
      %add3A_1357 = arith.addi %rem3A_1348, %select_n3A_1347 : i32
      %select_n3A_1358 = arith.select %and3A_1356, %add3A_1357, %rem3A_1348 : i32
      %mul3A_1359 = arith.constant 128 : i32
      %mul3A_1360 = arith.muli %select_n3A_1358, %mul3A_1359 : i32
      %add3A_1361 = arith.addi %mul3A_2, %mul3A_1360 : i32
      %dma_start3A_1362 = arith.constant 3 : i32
      %dma_start3A_1363 = arith.constant 0 : i32
      %dma_start3A_1364 = arith.constant 0 : i32
      %dma_start3A_1365 = tpu.memref_slice %arg6[%dma_start3A_1362, %dma_start3A_1363, %dma_start3A_1364] : memref<4x128x128xf32, #tpu.memory_space<vmem>> -> memref<1x128x128xf32, #tpu.memory_space<vmem>>
      %dma_start3A_1366 = tpu.memref_squeeze %dma_start3A_1365 : memref<1x128x128xf32, #tpu.memory_space<vmem>> -> memref<128x128xf32, #tpu.memory_space<vmem>>
      %dma_start3A_1367 = arith.constant 0 : i32
      %dma_start3A_1368 = arith.constant 0 : i32
      %dma_start3A_1369 = tpu.memref_slice %arg4[%select_n3A_1342, %dma_start3A_1367, %dma_start3A_1368] : memref<50x16384x128xf32, #tpu.memory_space<hbm>> -> memref<1x16384x128xf32, #tpu.memory_space<hbm>>
      %dma_start3A_1370 = tpu.memref_squeeze %dma_start3A_1369 : memref<1x16384x128xf32, #tpu.memory_space<hbm>> -> memref<16384x128xf32, #tpu.memory_space<hbm>>
      %dma_start3A_1371 = arith.constant 0 : i32
      %dma_start3A_1372 = tpu.memref_slice %dma_start3A_1370[%add3A_1361, %dma_start3A_1371] : memref<16384x128xf32, #tpu.memory_space<hbm>> -> memref<128x128xf32, #tpu.memory_space<hbm>>
      %dma_start3A_1373 = arith.constant 0 : i32
      %dma_start3A_1374 = arith.constant 0 : i32
      %dma_start3A_1375 = tpu.memref_slice %arg4[%select_n3A_1342, %dma_start3A_1373, %dma_start3A_1374] : memref<50x16384x128xf32, #tpu.memory_space<hbm>> -> memref<1x16384x128xf32, #tpu.memory_space<hbm>>
      %dma_start3A_1376 = tpu.memref_squeeze %dma_start3A_1375 : memref<1x16384x128xf32, #tpu.memory_space<hbm>> -> memref<16384x128xf32, #tpu.memory_space<hbm>>
      %dma_start3A_1377 = arith.constant 0 : i32
      %dma_start3A_1378 = tpu.memref_slice %dma_start3A_1376[%add3A_1361, %dma_start3A_1377] : memref<16384x128xf32, #tpu.memory_space<hbm>> -> memref<128x128xf32, #tpu.memory_space<hbm>>
      %dma_start3A_1379 = arith.constant 0 : i32
      %dma_start3A_1380 = arith.constant 0 : i32
      %dma_start3A_1381 = tpu.memref_slice %arg6[%dma_start3A_1362, %dma_start3A_1379, %dma_start3A_1380] : memref<4x128x128xf32, #tpu.memory_space<vmem>> -> memref<1x128x128xf32, #tpu.memory_space<vmem>>
      %dma_start3A_1382 = tpu.memref_squeeze %dma_start3A_1381 : memref<1x128x128xf32, #tpu.memory_space<vmem>> -> memref<128x128xf32, #tpu.memory_space<vmem>>
      tpu.enqueue_dma source(%dma_start3A_1382 : memref<128x128xf32, #tpu.memory_space<vmem>>) target(%dma_start3A_1378 : memref<128x128xf32, #tpu.memory_space<hbm>>) target_semaphore(%arg15 : memref<!tpu.dma_semaphore, #tpu.memory_space<semaphore_mem>>)
      %sub3A_1383 = arith.constant 2 : i32
      %sub3A_1384 = arith.subi %add3A_1308, %sub3A_1383 : i32
      %jit3A_1385 = arith.constant 4 : i32
      %div3A_1386 = arith.divsi %sub3A_1384, %jit3A_1385 : i32
      %sign3A_1387 = arith.constant 0 : i32
      %sign3A_1388 = arith.cmpi sgt, %sub3A_1384, %sign3A_1387 : i32
      %sign3A_1389 = arith.extui %sign3A_1388 : i1 to i32
      %sign3A_1390 = arith.constant 0 : i32
      %sign3A_1391 = arith.cmpi slt, %sub3A_1384, %sign3A_1390 : i32
      %sign3A_1392 = arith.extui %sign3A_1391 : i1 to i32
      %sign3A_1393 = arith.subi %sign3A_1389, %sign3A_1392 : i32
      %sign3A_1394 = arith.constant 0 : i32
      %sign3A_1395 = arith.cmpi sgt, %jit3A_1385, %sign3A_1394 : i32
      %sign3A_1396 = arith.extui %sign3A_1395 : i1 to i32
      %sign3A_1397 = arith.constant 0 : i32
      %sign3A_1398 = arith.cmpi slt, %jit3A_1385, %sign3A_1397 : i32
      %sign3A_1399 = arith.extui %sign3A_1398 : i1 to i32
      %sign3A_1400 = arith.subi %sign3A_1396, %sign3A_1399 : i32
      %ne3A_1401 = arith.cmpi ne, %sign3A_1393, %sign3A_1400 : i32
      %rem3A_1402 = arith.remsi %sub3A_1384, %jit3A_1385 : i32
      %ne3A_1403 = arith.constant 0 : i32
      %ne3A_1404 = arith.cmpi ne, %rem3A_1402, %ne3A_1403 : i32
      %and3A_1405 = arith.andi %ne3A_1401, %ne3A_1404 : i1
      %sub3A_1406 = arith.constant 1 : i32
      %sub3A_1407 = arith.subi %div3A_1386, %sub3A_1406 : i32
      %select_n3A_1408 = arith.select %and3A_1405, %sub3A_1407, %div3A_1386 : i32
      %jit3A_1409 = arith.constant 4 : i32
      %eq3A_1410 = arith.constant 0 : i32
      %eq3A_1411 = arith.cmpi eq, %jit3A_1409, %eq3A_1410 : i32
      %jit3A_1412 = arith.constant 1 : i32
      %select_n3A_1413 = arith.select %eq3A_1411, %jit3A_1412, %jit3A_1409 : i32
      %rem3A_1414 = arith.remsi %sub3A_1384, %select_n3A_1413 : i32
      %ne3A_1415 = arith.constant 0 : i32
      %ne3A_1416 = arith.cmpi ne, %rem3A_1414, %ne3A_1415 : i32
      %lt3A_1417 = arith.constant 0 : i32
      %lt3A_1418 = arith.cmpi slt, %rem3A_1414, %lt3A_1417 : i32
      %lt3A_1419 = arith.constant 0 : i32
      %lt3A_1420 = arith.cmpi slt, %select_n3A_1413, %lt3A_1419 : i32
      %ne3A_1421 = arith.xori %lt3A_1418, %lt3A_1420 : i1
      %and3A_1422 = arith.andi %ne3A_1421, %ne3A_1416 : i1
      %add3A_1423 = arith.addi %rem3A_1414, %select_n3A_1413 : i32
      %select_n3A_1424 = arith.select %and3A_1422, %add3A_1423, %rem3A_1414 : i32
      %mul3A_1425 = arith.constant 128 : i32
      %mul3A_1426 = arith.muli %select_n3A_1424, %mul3A_1425 : i32
      %add3A_1427 = arith.addi %mul3A_2, %mul3A_1426 : i32
      %dma_wait3A_1428 = arith.constant 1 : i32
      %dma_wait3A_1429 = arith.constant 0 : i32
      %dma_wait3A_1430 = arith.constant 0 : i32
      %dma_wait3A_1431 = tpu.memref_slice %arg6[%dma_wait3A_1428, %dma_wait3A_1429, %dma_wait3A_1430] : memref<4x128x128xf32, #tpu.memory_space<vmem>> -> memref<1x128x128xf32, #tpu.memory_space<vmem>>
      %dma_wait3A_1432 = tpu.memref_squeeze %dma_wait3A_1431 : memref<1x128x128xf32, #tpu.memory_space<vmem>> -> memref<128x128xf32, #tpu.memory_space<vmem>>
      %dma_wait3A_1433 = arith.constant 0 : i32
      %dma_wait3A_1434 = arith.constant 0 : i32
      %dma_wait3A_1435 = tpu.memref_slice %arg4[%select_n3A_1408, %dma_wait3A_1433, %dma_wait3A_1434] : memref<50x16384x128xf32, #tpu.memory_space<hbm>> -> memref<1x16384x128xf32, #tpu.memory_space<hbm>>
      %dma_wait3A_1436 = tpu.memref_squeeze %dma_wait3A_1435 : memref<1x16384x128xf32, #tpu.memory_space<hbm>> -> memref<16384x128xf32, #tpu.memory_space<hbm>>
      %dma_wait3A_1437 = arith.constant 0 : i32
      %dma_wait3A_1438 = tpu.memref_slice %dma_wait3A_1436[%add3A_1427, %dma_wait3A_1437] : memref<16384x128xf32, #tpu.memory_space<hbm>> -> memref<128x128xf32, #tpu.memory_space<hbm>>
      %dma_wait3A_1439 = arith.constant 0 : i32
      %dma_wait3A_1440 = arith.constant 0 : i32
      %dma_wait3A_1441 = tpu.memref_slice %arg4[%select_n3A_1408, %dma_wait3A_1439, %dma_wait3A_1440] : memref<50x16384x128xf32, #tpu.memory_space<hbm>> -> memref<1x16384x128xf32, #tpu.memory_space<hbm>>
      %dma_wait3A_1442 = tpu.memref_squeeze %dma_wait3A_1441 : memref<1x16384x128xf32, #tpu.memory_space<hbm>> -> memref<16384x128xf32, #tpu.memory_space<hbm>>
      %dma_wait3A_1443 = arith.constant 0 : i32
      %dma_wait3A_1444 = tpu.memref_slice %dma_wait3A_1442[%add3A_1427, %dma_wait3A_1443] : memref<16384x128xf32, #tpu.memory_space<hbm>> -> memref<128x128xf32, #tpu.memory_space<hbm>>
      %dma_wait3A_1445 = arith.constant 0 : i32
      %dma_wait3A_1446 = arith.constant 0 : i32
      %dma_wait3A_1447 = tpu.memref_slice %arg6[%dma_wait3A_1428, %dma_wait3A_1445, %dma_wait3A_1446] : memref<4x128x128xf32, #tpu.memory_space<vmem>> -> memref<1x128x128xf32, #tpu.memory_space<vmem>>
      %dma_wait3A_1448 = tpu.memref_squeeze %dma_wait3A_1447 : memref<1x128x128xf32, #tpu.memory_space<vmem>> -> memref<128x128xf32, #tpu.memory_space<vmem>>
      tpu.wait_dma2 semaphore(%arg13 : memref<!tpu.dma_semaphore, #tpu.memory_space<semaphore_mem>>) src(%dma_wait3A_1448 : memref<128x128xf32, #tpu.memory_space<vmem>>) dst(%dma_wait3A_1444 : memref<128x128xf32, #tpu.memory_space<hbm>>)
      %add3A_1449 = arith.constant 2 : i32
      %add3A_1450 = arith.addi %add3A_1308, %add3A_1449 : i32
      %lt3A_1451 = arith.constant 200 : i32
      %lt3A_1452 = arith.cmpi slt, %add3A_1450, %lt3A_1451 : i32
      %convert_element_type3A_1453 = arith.extui %lt3A_1452 : i1 to i32
      %cond3A_1454 = arith.constant 0 : i32
      %cond3A_1455 = arith.cmpi ne, %convert_element_type3A_1453, %cond3A_1454 : i32
      scf.if %cond3A_1455 {
        %add3A_1456 = arith.constant 2 : i32
        %add3A_1457 = arith.addi %add3A_1308, %add3A_1456 : i32
        %mul3A_1458 = arith.constant 128 : i32
        %mul3A_1459 = arith.muli %add3A_1457, %mul3A_1458 : i32
        %dma_start3A_1460 = arith.constant 1 : i32
        %dma_start3A_1461 = arith.constant 0 : i32
        %dma_start3A_1462 = arith.constant 0 : i32
        %dma_start3A_1463 = tpu.memref_slice %arg6[%dma_start3A_1460, %dma_start3A_1461, %dma_start3A_1462] : memref<4x128x128xf32, #tpu.memory_space<vmem>> -> memref<1x128x128xf32, #tpu.memory_space<vmem>>
        %dma_start3A_1464 = tpu.memref_squeeze %dma_start3A_1463 : memref<1x128x128xf32, #tpu.memory_space<vmem>> -> memref<128x128xf32, #tpu.memory_space<vmem>>
        %dma_start3A_1465 = tpu.memref_slice %arg5[%mul3A_1459] : memref<25600xi32, #tpu.memory_space<vmem>> -> memref<128xi32, #tpu.memory_space<vmem>>
        %dma_start3A_1466 = arith.constant 0 : i32
        %dma_start3A_1467 = arith.constant 0 : i32
        %dma_start3A_1468 = tpu.memref_slice %arg3[%dma_start3A_1466, %dma_start3A_1467] : memref<1000000x128xf32, #tpu.memory_space<hbm>> -> memref<1000000x128xf32, #tpu.memory_space<hbm>>
        tpu.enqueue_indirect_dma source(%dma_start3A_1468 : memref<1000000x128xf32, #tpu.memory_space<hbm>>) target(%dma_start3A_1464 : memref<128x128xf32, #tpu.memory_space<vmem>>) offsets(%dma_start3A_1465 : memref<128xi32, #tpu.memory_space<vmem>>) semaphore(%arg9 : memref<!tpu.dma_semaphore, #tpu.memory_space<semaphore_mem>>)
      } else {
      }
    }
    %scan3A_925 = arith.constant 50 : i32
    %add3A_926 = arith.constant 256 : i32
    %add3A_927 = arith.addi %mul3A_2, %add3A_926 : i32
    %dma_wait3A_928 = arith.constant 2 : i32
    %dma_wait3A_929 = arith.constant 49 : i32
    %dma_wait3A_930 = arith.constant 0 : i32
    %dma_wait3A_931 = arith.constant 0 : i32
    %dma_wait3A_932 = tpu.memref_slice %arg6[%dma_wait3A_928, %dma_wait3A_930, %dma_wait3A_931] : memref<4x128x128xf32, #tpu.memory_space<vmem>> -> memref<1x128x128xf32, #tpu.memory_space<vmem>>
    %dma_wait3A_933 = tpu.memref_squeeze %dma_wait3A_932 : memref<1x128x128xf32, #tpu.memory_space<vmem>> -> memref<128x128xf32, #tpu.memory_space<vmem>>
    %dma_wait3A_934 = arith.constant 0 : i32
    %dma_wait3A_935 = arith.constant 0 : i32
    %dma_wait3A_936 = tpu.memref_slice %arg4[%dma_wait3A_929, %dma_wait3A_934, %dma_wait3A_935] : memref<50x16384x128xf32, #tpu.memory_space<hbm>> -> memref<1x16384x128xf32, #tpu.memory_space<hbm>>
    %dma_wait3A_937 = tpu.memref_squeeze %dma_wait3A_936 : memref<1x16384x128xf32, #tpu.memory_space<hbm>> -> memref<16384x128xf32, #tpu.memory_space<hbm>>
    %dma_wait3A_938 = arith.constant 0 : i32
    %dma_wait3A_939 = tpu.memref_slice %dma_wait3A_937[%add3A_927, %dma_wait3A_938] : memref<16384x128xf32, #tpu.memory_space<hbm>> -> memref<128x128xf32, #tpu.memory_space<hbm>>
    %dma_wait3A_940 = arith.constant 0 : i32
    %dma_wait3A_941 = arith.constant 0 : i32
    %dma_wait3A_942 = tpu.memref_slice %arg4[%dma_wait3A_929, %dma_wait3A_940, %dma_wait3A_941] : memref<50x16384x128xf32, #tpu.memory_space<hbm>> -> memref<1x16384x128xf32, #tpu.memory_space<hbm>>
    %dma_wait3A_943 = tpu.memref_squeeze %dma_wait3A_942 : memref<1x16384x128xf32, #tpu.memory_space<hbm>> -> memref<16384x128xf32, #tpu.memory_space<hbm>>
    %dma_wait3A_944 = arith.constant 0 : i32
    %dma_wait3A_945 = tpu.memref_slice %dma_wait3A_943[%add3A_927, %dma_wait3A_944] : memref<16384x128xf32, #tpu.memory_space<hbm>> -> memref<128x128xf32, #tpu.memory_space<hbm>>
    %dma_wait3A_946 = arith.constant 0 : i32
    %dma_wait3A_947 = arith.constant 0 : i32
    %dma_wait3A_948 = tpu.memref_slice %arg6[%dma_wait3A_928, %dma_wait3A_946, %dma_wait3A_947] : memref<4x128x128xf32, #tpu.memory_space<vmem>> -> memref<1x128x128xf32, #tpu.memory_space<vmem>>
    %dma_wait3A_949 = tpu.memref_squeeze %dma_wait3A_948 : memref<1x128x128xf32, #tpu.memory_space<vmem>> -> memref<128x128xf32, #tpu.memory_space<vmem>>
    tpu.wait_dma2 semaphore(%arg14 : memref<!tpu.dma_semaphore, #tpu.memory_space<semaphore_mem>>) src(%dma_wait3A_949 : memref<128x128xf32, #tpu.memory_space<vmem>>) dst(%dma_wait3A_945 : memref<128x128xf32, #tpu.memory_space<hbm>>)
    %add3A_950 = arith.constant 384 : i32
    %add3A_951 = arith.addi %mul3A_2, %add3A_950 : i32
    %dma_wait3A_952 = arith.constant 3 : i32
    %dma_wait3A_953 = arith.constant 49 : i32
    %dma_wait3A_954 = arith.constant 0 : i32
    %dma_wait3A_955 = arith.constant 0 : i32
    %dma_wait3A_956 = tpu.memref_slice %arg6[%dma_wait3A_952, %dma_wait3A_954, %dma_wait3A_955] : memref<4x128x128xf32, #tpu.memory_space<vmem>> -> memref<1x128x128xf32, #tpu.memory_space<vmem>>
    %dma_wait3A_957 = tpu.memref_squeeze %dma_wait3A_956 : memref<1x128x128xf32, #tpu.memory_space<vmem>> -> memref<128x128xf32, #tpu.memory_space<vmem>>
    %dma_wait3A_958 = arith.constant 0 : i32
    %dma_wait3A_959 = arith.constant 0 : i32
    %dma_wait3A_960 = tpu.memref_slice %arg4[%dma_wait3A_953, %dma_wait3A_958, %dma_wait3A_959] : memref<50x16384x128xf32, #tpu.memory_space<hbm>> -> memref<1x16384x128xf32, #tpu.memory_space<hbm>>
    %dma_wait3A_961 = tpu.memref_squeeze %dma_wait3A_960 : memref<1x16384x128xf32, #tpu.memory_space<hbm>> -> memref<16384x128xf32, #tpu.memory_space<hbm>>
    %dma_wait3A_962 = arith.constant 0 : i32
    %dma_wait3A_963 = tpu.memref_slice %dma_wait3A_961[%add3A_951, %dma_wait3A_962] : memref<16384x128xf32, #tpu.memory_space<hbm>> -> memref<128x128xf32, #tpu.memory_space<hbm>>
    %dma_wait3A_964 = arith.constant 0 : i32
    %dma_wait3A_965 = arith.constant 0 : i32
    %dma_wait3A_966 = tpu.memref_slice %arg4[%dma_wait3A_953, %dma_wait3A_964, %dma_wait3A_965] : memref<50x16384x128xf32, #tpu.memory_space<hbm>> -> memref<1x16384x128xf32, #tpu.memory_space<hbm>>
    %dma_wait3A_967 = tpu.memref_squeeze %dma_wait3A_966 : memref<1x16384x128xf32, #tpu.memory_space<hbm>> -> memref<16384x128xf32, #tpu.memory_space<hbm>>
    %dma_wait3A_968 = arith.constant 0 : i32
    %dma_wait3A_969 = tpu.memref_slice %dma_wait3A_967[%add3A_951, %dma_wait3A_968] : memref<16384x128xf32, #tpu.memory_space<hbm>> -> memref<128x128xf32, #tpu.memory_space<hbm>>
    %dma_wait3A_970 = arith.constant 0 : i32
    %dma_wait3A_971 = arith.constant 0 : i32
    %dma_wait3A_972 = tpu.memref_slice %arg6[%dma_wait3A_952, %dma_wait3A_970, %dma_wait3A_971] : memref<4x128x128xf32, #tpu.memory_space<vmem>> -> memref<1x128x128xf32, #tpu.memory_space<vmem>>
    %dma_wait3A_973 = tpu.memref_squeeze %dma_wait3A_972 : memref<1x128x128xf32, #tpu.memory_space<vmem>> -> memref<128x128xf32, #tpu.memory_space<vmem>>
    tpu.wait_dma2 semaphore(%arg15 : memref<!tpu.dma_semaphore, #tpu.memory_space<semaphore_mem>>) src(%dma_wait3A_973 : memref<128x128xf32, #tpu.memory_space<vmem>>) dst(%dma_wait3A_969 : memref<128x128xf32, #tpu.memory_space<hbm>>)
    return
  }
}

</mosaic_0001>

<sc_bundles>
// kernel: kernel.3.cloned.1.call-start
scs
__scs_entry_jumppad:
0x0: {  	(pc) =	sbr.rel $0x88, $3  }
0x1: {  	(tag) =	ssettag $0x0;
	lr =	simm.s32 $0x1  }
0x2: {  	[smem:$0x3F9F] =	sst lr;
	_ =	strace $0xD0000000  }
0x3: {  	_ = 	snop  }
0x4: {  	_ = 	snop  }
0x5: {  	_ = 	snop  }
0x6: {  	_ = 	snop  }
0x7: {  	_ = 	snop  }
__scs_overlays_trampoline_lowered:
0x8: {  	[smem:$0x3FAE] =	sst s0  }
0x9: {  	[smem:$0x3FAF] =	sst s1  }
0xa: {  	[smem:$0x3FB0] =	sst s2  }
0xb: {  	[smem:$0x3FB1] =	sst s3  }
0xc: {  	[smem:$0x3FB2] =	sst s4  }
0xd: {  	[smem:$0x3FB3] =	sst s5  }
0xe: {  	[smem:$0x3FB4] =	sst s6  }
0xf: {  	[smem:$0x3FB5] =	sst s7  }
0x10: {  	[smem:$0x3FB6] =	sst s8  }
0x11: {  	[smem:$0x3FB7] =	sst s9;
	s0 =	simm.s32 @!p0 $0x0  }
0x12: {  	s1 =	sld [smem:$0x3F9D];
	s0 =	simm.s32 @p0 $0x1  }
0x13: {  	[smem:$0x3FB8] =	sst s0;
	s0 =	simm.s32 @!p1 $0x0  }
0x14: {  	s2 =	sld [smem:$0x3F9C];
	s0 =	simm.s32 @p1 $0x1  }
0x15: {  	[smem:$0x3FB9] =	sst s0;
	s0 =	simm.s32 @!p2 $0x0  }
0x16: {  	s3 =	sld [smem:$0x3FDB];
	s0 =	simm.s32 @p2 $0x1  }
0x17: {  	s4 =	simm.s32 $0x1BF5;
	[smem:$0x3FBB] =	sst s0  }
0x18: {  	s0 =	sld [smem:$0x3F9E];
	_ =	swait.ge [sflag:s4], $0x0  }
0x19: {  	s7 =	sld [smem:$0x3F9F]  }
0x1a: {  	s8 =	sadd.s32 $0xFFFFE003, lr  }
0x1b: {  	s9 =	sadd.s32 $0xFFFFFEF7, lr;
	s5 =	simm.s32 $0xFFFFFFFF;
	p2 =	slt.u32 s8, $0xFFFFF086  }
0x1c: {  	p1 =	slt.u32 s9, $0xF7A;
	s5 =	simm.s32 @!p2 $0x0  }
0x1d: {  	s5 =	simm.s32 @p1 $0x1;
	p0 =	seq.s32 s7, s2  }
0x1e: {  	s7 =	smul.u32 @!p0 $0xF7A, s2;
	p2 =	seq.s32 @!p0 s5, $0x0  }
0x1f: {  	s9 =	smul.u32 $0xF7A, s1;
	s8 =	simm.s32 @!p0 $0x1BF5;
	p2 =	por !p2, p0  }
0x20: {  	[sflag:s8] =	ssyncset.s32 @!p0 $0xFFFFF086;
	s6 =	sadd.s32 @!p0 s3, s7;
	s7 =	simm.s32 @!p0 $0x108  }
0x21: {  	s3 =	sadd.s32 s3, s9;
	s6 =	sadd.s32 @!p0 $0x88, s6;
	s7 =	simm.s32 @p2 $0x1082  }
0x22: {  	[simem:s7], [sflag:s8] =	dma.local @!p0 [hbm:s6], $0xF7A  }
0x23: {  	s9 =	sor.u32 $0xD0000000, s2;
	s6 =	simm.s32 $0x108;
	_ =	swait.ge @!p0 [sflag:s8], $0x0  }
0x24: {  	s3 =	sadd.s32 $0x88, s3;
	s6 =	simm.s32 @!p1 $0x1082;
	[sflag:s4] =	ssyncset.s32 $0xFFFFF086  }
0x25: {  	[simem:s6], [sflag:s4] =	dma.local [hbm:s3], $0xF7A  }
0x26: {  	[smem:$0x3F9F] =	sst s1;
	(tag) =	ssettag s2;
	_ =	strace s9  }
0x27: {  	s1 =	sld [smem:$0x3FAF]  }
0x28: {  	s2 =	sld [smem:$0x3FB0]  }
0x29: {  	s4 =	sld [smem:$0x3FB2]  }
0x2a: {  	p0 =	seq.s32 s5, $0x0;
	s5 =	sld [smem:$0x3FB3]  }
0x2b: {  	s6 =	sld [smem:$0x3FB4]  }
0x2c: {  	s7 =	sld [smem:$0x3FB5]  }
0x2d: {  	s3 =	simm.s32 $0x108;
	s8 =	sld [smem:$0x3FB6]  }
0x2e: {  	s3 =	simm.s32 @!p0 $0x1082;
	s9 =	sld [smem:$0x3FB7]  }
0x2f: {  	lr =	sadd.s32 s0, s3;
	s0 =	sld [smem:$0x3FAE]  }
0x30: {  	s3 =	sld [smem:$0x3FB1]  }
0x31: {  	[smem:$0x3FBA] =	sst s10  }
0x32: {  	s10 =	sld [smem:$0x3FB8];
	_ =	sdelay $0x3  }
0x33: {  	p0 =	seq.s32 s10, $0x1;
	s10 =	sld [smem:$0x3FBA];
	_ =	sdelay $0x3  }
0x34: {  	[smem:$0x3FBA] =	sst s10  }
0x35: {  	s10 =	sld [smem:$0x3FB9];
	_ =	sdelay $0x3  }
0x36: {  	p1 =	seq.s32 s10, $0x1;
	s10 =	sld [smem:$0x3FBA];
	_ =	sdelay $0x3  }
0x37: {  	[smem:$0x3FBA] =	sst s10  }
0x38: {  	s10 =	sld [smem:$0x3FBB]  }
0x39: {  	_ = 	snop;
	(pc) =	sbr.ind lr, $3  }
0x3a: {  	_ = 	snop  }
0x3b: {  	_ = 	snop  }
0x3c: {  	p2 =	seq.s32 s10, $0x1;
	s10 =	sld [smem:$0x3FBA]  }
0x3d: {  	_ =	shalt  }
0x3e: {  	_ =	shalt  }
0x3f: {  	_ =	shalt  }
0x40: {  	_ =	shalt  }
0x41: {  	_ =	shalt  }
0x42: {  	_ =	shalt  }
0x43: {  	_ =	shalt  }
0x44: {  	_ =	shalt  }
0x45: {  	_ =	shalt  }
0x46: {  	_ =	shalt  }
0x47: {  	_ =	shalt  }
0x48: {  	_ =	shalt  }
0x49: {  	_ =	shalt  }
0x4a: {  	_ =	shalt  }
0x4b: {  	_ =	shalt  }
0x4c: {  	_ =	shalt  }
0x4d: {  	_ =	shalt  }
0x4e: {  	_ =	shalt  }
0x4f: {  	_ =	shalt  }
0x50: {  	_ =	shalt  }
0x51: {  	_ =	shalt  }
0x52: {  	_ =	shalt  }
0x53: {  	_ =	shalt  }
0x54: {  	_ =	shalt  }
0x55: {  	_ =	shalt  }
0x56: {  	_ =	shalt  }
0x57: {  	_ =	shalt  }
0x58: {  	_ =	shalt  }
0x59: {  	_ =	shalt  }
0x5a: {  	_ =	shalt  }
0x5b: {  	_ =	shalt  }
0x5c: {  	_ =	shalt  }
0x5d: {  	_ =	shalt  }
0x5e: {  	_ =	shalt  }
0x5f: {  	_ =	shalt  }
0x60: {  	_ =	shalt  }
0x61: {  	_ =	shalt  }
0x62: {  	_ =	shalt  }
0x63: {  	_ =	shalt  }
0x64: {  	_ =	shalt  }
0x65: {  	_ =	shalt  }
0x66: {  	_ =	shalt  }
0x67: {  	_ =	shalt  }
0x68: {  	_ =	shalt  }
0x69: {  	_ =	shalt  }
0x6a: {  	_ =	shalt  }
0x6b: {  	_ =	shalt  }
0x6c: {  	_ =	shalt  }
0x6d: {  	_ =	shalt  }
0x6e: {  	_ =	shalt  }
0x6f: {  	_ =	shalt  }
0x70: {  	_ =	shalt  }
0x71: {  	_ =	shalt  }
0x72: {  	_ =	shalt  }
0x73: {  	_ =	shalt  }
0x74: {  	_ =	shalt  }
0x75: {  	_ =	shalt  }
0x76: {  	_ =	shalt  }
0x77: {  	_ =	shalt  }
0x78: {  	_ =	shalt  }
0x79: {  	_ =	shalt  }
0x7a: {  	_ =	shalt  }
0x7b: {  	_ =	shalt  }
0x7c: {  	_ =	shalt  }
0x7d: {  	_ =	shalt  }
0x7e: {  	_ =	shalt  }
0x7f: {  	_ =	shalt  }
0x80: {  	_ =	shalt  }
0x81: {  	_ =	shalt  }
0x82: {  	_ =	shalt  }
0x83: {  	_ =	shalt  }
0x84: {  	_ =	shalt  }
0x85: {  	_ =	shalt  }
0x86: {  	_ =	shalt  }
0x87: {  	_ =	shalt  }
.Lfunc_end0:
.L_simem_size_0:
called_computation.1_lowered:
.L_overlay_start_0:
0x88: {  	s2 =	sld [smem:$0x3FD9]  }
0x89: {  	s3 =	sld [smem:$0x3FFE];
	_ =	sdelay $0x1  }
0x8a: {  	s1 =	srdreg.scid  }
0x8b: {  	s0 =	sand.u32 $0x1, s1  }
0x8c: {  	s17 =	sshll.u32 s0, $0xA;
	s2 =	sadd.s32 s3, s2  }
0x8d: {  	s2 =	sadd.s32 s2, s17  }
0x8e: {  	[smem:$0x3FC6] =	sst s2  }
0x8f: {  	_ = 	snop  }
0x90: {  	s2 =	sld [smem:$0x3FC9];
	(tm) =	ssettm $0x1  }
0x91: {  	s18 =	sld [smem:$0x3FFB];
	_ =	sdelay $0x3  }
0x92: {  	_ =	strace s18  }
0x93: {  	s3 =	sld [smem:$0x3FFC];
	_ =	sdelay $0x3  }
0x94: {  	_ =	strace s3  }
0x95: {  	s3 =	sld [smem:$0x3FFD];
	_ =	sdelay $0x3  }
0x96: {  	_ =	strace s3  }
0x97: {  	_ =	strace $0x8FFFFFFF  }
0x98: {  	s19 =	sld [smem:$0x3FDB];
	_ =	sdelay $0x1  }
0x99: {  	s4 =	simm.s32 $_scs_section_size  }
0x9a: {  	s5 =	simm.s32 $_size__tile_overlayer_lowered;
	s6 =	simm.s32 $_tile_overlayer_lowered  }
0x9b: {  	s22 =	simm.s32 $0x1BFF;
	s21 =	sshll.u32 s6, $0x1;
	s3 =	sadd.s32 s4, s19  }
0x9c: {  	s7 =	simm.s32 $0x0;
	s20 =	sshll.u32 s5, $0x1;
	s5 =	sadd.s32 s21, s3  }
0x9d: {  	[timem:s7], [sflag:s22] =	dma.local [hbm:s5], s20  }
0x9e: {  	_ =	swait.ge [sflag:s22], s20  }
0x9f: {  	s4 =	ssub.s32 $0x0, s20;
	[sflag:s22] =	ssyncset.done $0x0  }
0xa0: {  	[sflag:s22] =	ssyncadd.s32 s4;
	_ =	sdelay $0x1  }
0xa1: {  	s23 =	simm.s32 $0x1B8B  }
0xa2: {  	_ =	swait.ge [sflag:s23], $0x1  }
0xa3: {  	[sflag:s23] =	ssyncset.done $0x0  }
0xa4: {  	s25 =	simm.s32 $0x1B8E;
	s24 =	sld [smem:$0x3FFE];
	[sflag:s23] =	ssyncadd.s32 $0xFFFFFFFF  }
0xa5: {  	s26 =	simm.s32 $execute0_lowered;
	[smem:$0x3FD2] =	sst s25  }
0xa6: {  	s5 =	sshll.u32 s26, $0x1;
	_ =	strace $0x80000046;
	[dreg:$0x1] =	wrdreg $0xFFFFFFFF  }
0xa7: {  	s28 =	simm.s32 $_size_execute0_lowered;
	s3 =	sadd.s32 s3, s5;
	[dreg:$0x0] =	wrdreg $0x0  }
0xa8: {  	s5 =	sshll.u32 s28, $0x1;
	[dreg:$0x2] =	wrdreg s3  }
0xa9: {  	[dreg:$0x3] =	wrdreg s5  }
0xaa: {  	[dreg:$0x4] =	wrdreg $0xC0  }
0xab: {  	_ =	task [dreg:s7], $0x5FFFF  }
0xac: {  	[dreg:$0x1] =	wrdreg $0xFFFFFFFF  }
0xad: {  	[dreg:$0x0] =	wrdreg $0x60  }
0xae: {  	[dreg:$0x2] =	wrdreg s2  }
0xaf: {  	[dreg:$0x3] =	wrdreg s24  }
0xb0: {  	[dreg:$0x4] =	wrdreg $0x9  }
0xb1: {  	_ =	task.clear_ibuf [dreg:s7], $0x5FFFF;
	_ =	strace $0x90000046  }
0xb2: {  	s29 =	simm.s32 $0x9;
	_ =	strace $0x80000048  }
0xb3: {  	_ =	swait.ge [sflag:s29], $0x1  }
0xb4: {  	[sflag:s29] =	ssyncadd.s32 $0xFFFFFFFF  }
0xb5: {  	_ =	strace $0x90000048  }
0xb6: {  	_ =	sfence  }
0xb7: {  	s30 =	sld [smem:$0x0];
	_ =	sdelay $0x2  }
0xb8: {  	s31 =	sshll.u32 s1, $0xD;
	s1 =	sshrl.u32 s1, $0x2  }
0xb9: {  	s3 =	sand.u32 $0x4000, s31;
	s1 =	sadd.s32 s1, s30  }
0xba: {  	s0 =	sor.u32 s3, s0;
	s1 =	sshll.u32 s1, $0x11  }
0xbb: {  	s0 =	sor.u32 s1, s0  }
0xbc: {  	s0 =	sadd.s32 $0x8F2B, s0  }
0xbd: {  	[sflag:s0] =	ssyncadd.remote.s32 $0x1  }
0xbe: {  	_ =	sfence.sel $0xFFFF  }
0xbf: {  	[dreg:$0x0] =	wrdreg $0xFFFFFFFF;
	(pc) =	sbr.abs _section_cstart, $3  }
0xc0: {  	[dreg:$0x1] =	wrdreg $0xFFFFFFFF  }
0xc1: {  	_ =	task.clear_ibuf [dreg:s7], $0x2FFFF;
	_ =	strace $0x9FFFFFFF  }
0xc2: {  	(tm) =	ssettm $0x7FFFFFFF  }
0xc3: {  	_ =	shalt  }
tec
execute0_lowered:
.L_overlay_start_1:
0x0: {  	(tag) =	ssettag $0x1  }
0x1: {  	s3 =	srdreg.scid  }
0x2: {  	s4 =	stileid.u32;
	s3 =	sand.u32 $0x1, s3  }
0x3: {  	s0 =	rddreg [dreg:$0x0];
	s4 =	sshll.u32 s4, $0xA;
	s5 =	sshll.u32 s3, $0x9  }
0x4: {  	s1 =	rddreg [dreg:$0x1];
	s6 =	ssub.s32 $0x2, s3;
	s7 =	sor.u32 s5, s4  }
0x5: {  	s2 =	simm.s32 $0x0;
	s8 =	sshrl.u32 s6, $0x1;
	s4 =	sadd.s32 s0, s7  }
0x6: {  	[smem:$0x7FF] =	sst s2;
	s31 =	ssub.s32 s6, s8;
	s6 =	sadd.s32 $0x10, s4  }
0x7: {  	_ =	strace $0x80000047;
	s8 =	sadd.s32 $0x20, s4;
	[dreg:$0x3] =	wrdreg s6  }
0x8: {  	s9 =	sadd.s32 $0x30, s4;
	[dreg:$0x4] =	wrdreg s8  }
0x9: {  	s10 =	sadd.s32 $0x40, s4;
	[dreg:$0x5] =	wrdreg s9  }
0xa: {  	s11 =	sadd.s32 $0x50, s4;
	[dreg:$0x6] =	wrdreg s10  }
0xb: {  	s12 =	sadd.s32 $0x60, s4;
	[dreg:$0x7] =	wrdreg s11  }
0xc: {  	s13 =	sadd.s32 $0x70, s4;
	[dreg:$0x8] =	wrdreg s12  }
0xd: {  	s14 =	sadd.s32 $0x4000, s4;
	[dreg:$0x9] =	wrdreg s13  }
0xe: {  	s15 =	sadd.s32 $0x4010, s4;
	[dreg:$0xa] =	wrdreg s14  }
0xf: {  	s16 =	sadd.s32 $0x4020, s4;
	[dreg:$0xb] =	wrdreg s15  }
0x10: {  	s17 =	sadd.s32 $0x4030, s4;
	[dreg:$0xc] =	wrdreg s16  }
0x11: {  	s18 =	sadd.s32 $0x4040, s4;
	[dreg:$0xd] =	wrdreg s17  }
0x12: {  	s19 =	sadd.s32 $0x4050, s4;
	[dreg:$0xe] =	wrdreg s18  }
0x13: {  	s20 =	sadd.s32 $0x4060, s4;
	[dreg:$0xf] =	wrdreg s19  }
0x14: {  	s21 =	sadd.s32 $0x4070, s4;
	[dreg:$0x10] =	wrdreg s20  }
0x15: {  	s22 =	sadd.s32 $0x8000, s4;
	[dreg:$0x11] =	wrdreg s21  }
0x16: {  	s23 =	sadd.s32 $0x8010, s4;
	[dreg:$0x12] =	wrdreg s22  }
0x17: {  	s24 =	sadd.s32 $0x8020, s4;
	[dreg:$0x13] =	wrdreg s23  }
0x18: {  	s0 =	smax.u32 s31, $0x1;
	[dreg:$0x14] =	wrdreg s24  }
0x19: {  	s25 =	sadd.s32 $0x8030, s4;
	[dreg:$0x15] =	wrdreg s0  }
0x1a: {  	s26 =	sadd.s32 $0x8040, s4;
	[dreg:$0x16] =	wrdreg s25  }
0x1b: {  	s28 =	sadd.s32 $0x8050, s4;
	[dreg:$0x17] =	wrdreg s26  }
0x1c: {  	s29 =	sadd.s32 $0x8060, s4;
	[dreg:$0x18] =	wrdreg s28  }
0x1d: {  	s30 =	sadd.s32 $0x8070, s4;
	[dreg:$0x19] =	wrdreg s29  }
0x1e: {  	s3 =	sadd.s32 $0xF42C00, s1;
	s31 =	sadd.s32 $0xC000, s4;
	[dreg:$0x1a] =	wrdreg s30  }
0x1f: {  	s5 =	sadd.s32 $0x800, s1;
	s1 =	sadd.s32 $0xC010, s4;
	[dreg:$0x1b] =	wrdreg s31  }
0x20: {  	[dreg:$0x1c] =	wrdreg s1;
	s6 =	sadd.s32 $0xC020, s4  }
0x21: {  	s24 =	sshll.u32 s7, $0x4;
	s7 =	sadd.s32 $0xC030, s4;
	[dreg:$0x1d] =	wrdreg s6  }
0x22: {  	s8 =	sadd.s32 $0xC040, s4;
	[dreg:$0x1e] =	wrdreg s7  }
0x23: {  	s9 =	sadd.s32 $0xC050, s4;
	[dreg:$0x1f] =	wrdreg s8  }
0x24: {  	s10 =	sadd.s32 $0xC060, s4;
	[smem:$0x7E9] =	sst s9  }
0x25: {  	s11 =	sadd.s32 $0xC070, s4;
	[smem:$0x7EA] =	sst s10  }
0x26: {  	s12 =	sadd.s32 $0x10000, s4;
	[smem:$0x7EB] =	sst s11  }
0x27: {  	s13 =	sadd.s32 $0x10010, s4;
	[smem:$0x7EC] =	sst s12  }
0x28: {  	s14 =	sadd.s32 $0x10020, s4;
	[smem:$0x7ED] =	sst s13  }
0x29: {  	s15 =	sadd.s32 $0x10030, s4;
	[smem:$0x7EE] =	sst s14  }
0x2a: {  	s16 =	sadd.s32 $0x10040, s4;
	[smem:$0x7EF] =	sst s15  }
0x2b: {  	s17 =	sadd.s32 $0x10050, s4;
	[smem:$0x7F0] =	sst s16  }
0x2c: {  	s18 =	sadd.s32 $0x10060, s4;
	[smem:$0x7F1] =	sst s17  }
0x2d: {  	s19 =	sadd.s32 $0x10070, s4;
	[smem:$0x7F2] =	sst s18  }
0x2e: {  	s20 =	sadd.s32 $0x14000, s4;
	[smem:$0x7F3] =	sst s19  }
0x2f: {  	s21 =	sadd.s32 $0x14010, s4;
	[smem:$0x7F4] =	sst s20  }
0x30: {  	s22 =	sadd.s32 $0x14020, s4;
	[smem:$0x7F5] =	sst s21  }
0x31: {  	s23 =	sadd.s32 $0x14030, s4;
	[smem:$0x7F6] =	sst s22  }
0x32: {  	s25 =	sadd.s32 $0x14040, s4;
	[smem:$0x7F7] =	sst s23  }
0x33: {  	s26 =	sadd.s32 $0x14050, s4;
	[smem:$0x7F8] =	sst s25  }
0x34: {  	s28 =	sadd.s32 $0x14060, s4;
	[smem:$0x7F9] =	sst s26  }
0x35: {  	s29 =	sadd.s32 $0x14070, s4;
	[smem:$0x7FA] =	sst s28  }
0x36: {  	s30 =	sadd.s32 $0x18000, s4;
	[smem:$0x7FB] =	sst s29  }
0x37: {  	s31 =	sadd.s32 $0x18010, s4;
	[smem:$0x7FC] =	sst s30  }
0x38: {  	[smem:$0x7FD] =	sst s31  }
0x39: {  	s0 =	sor.u32 $0x800, s24;
	s1 =	sor.u32 $0x1000, s24;
	s6 =	sor.u32 $0x1800, s24  }
0x3a: {  	s7 =	simm.s32 $0x80;
	s8 =	simm.s32 $0x400;
	s9 =	simm.s32 $0x200  }
.Ltmp0:
0x3b: {  	s10 =	simm.s32 $0x1;
	s11 =	simm.s32 $0x6400;
	(pc) =	sbr.rel .LBB2_1-.Ltmp0, $4  }
0x3c: {  	s12 =	simm.s32 $0xA400;
	s13 =	simm.s32 $0x2;
	s14 =	simm.s32 $0xE400  }
0x3d: {  	s15 =	simm.s32 $0x3;
	s16 =	simm.s32 $0x12400;
	s17 =	simm.s32 $0x4  }
0x3e: {  	s18 =	simm.s32 $0x6;
	s19 =	simm.s32 $0x5;
	s20 =	simm.s32 $0x7  }
0x3f: {  	s21 =	simm.s32 $0x8;
	s22 =	simm.s32 $0x9;
	s23 =	simm.s32 $0x0  }
.LBB2_4:
0x40: {  	_ =	swait.ge [sflag:s21], $0x4000  }
0x41: {  	[sflag:s21] =	ssyncset.done $0x0  }
0x42: {  	[sflag:s21] =	ssyncadd.s32 $0xFFFFC000  }
0x43: {  	_ =	swait.ge [sflag:s22], $0x4000  }
0x44: {  	s23 =	sadd.s32 $0x1, s23;
	s25 =	rddreg [dreg:$0x15]  }
0x45: {  	p0 =	sne.s32 s23, s25  }
.Ltmp1:
0x46: {  	_ = 	snop;
	(pc) =	sbr.rel @!p0 .LBB2_5-.Ltmp1, $3  }
0x47: {  	_ =	sdelay $0x1  }
0x48: {  	[sflag:s22] =	ssyncset.done $0x0  }
0x49: {  	[sflag:s22] =	ssyncadd.s32 $0xFFFFC000  }
.LBB2_1:
0x4a: {  	[tilespmem:s2], [sflag:$0x1] =	stream.strided.gather [hbm4b:s4+s7], $0x200, s8, s7, $0x38;
	[tilespmem:$0x16400] =	vst v63  }
0x4b: {  	s25 =	rddreg [dreg:$0x3]  }
0x4c: {  	s28 =	rddreg [dreg:$0x4]  }
0x4d: {  	[tilespmem:s9], [sflag:$0x1] =	stream.strided.gather [hbm4b:s25+s7], $0x200, s8, s7, $0x38;
	[tilespmem:$0x16400] =	vst v63  }
0x4e: {  	s29 =	rddreg [dreg:$0x5]  }
0x4f: {  	[tilespmem:s8], [sflag:$0x1] =	stream.strided.gather [hbm4b:s28+s7], $0x200, s8, s7, $0x38;
	[tilespmem:$0x16400] =	vst v63  }
0x50: {  	s26 =	simm.s32 $0x600;
	s30 =	rddreg [dreg:$0x6]  }
0x51: {  	[tilespmem:s26], [sflag:$0x1] =	stream.strided.gather [hbm4b:s29+s7], $0x200, s8, s7, $0x38;
	[tilespmem:$0x16400] =	vst v63  }
0x52: {  	s31 =	simm.s32 $0x800;
	s28 =	rddreg [dreg:$0x7]  }
0x53: {  	[tilespmem:s31], [sflag:$0x1] =	stream.strided.gather [hbm4b:s30+s7], $0x200, s8, s7, $0x38;
	[tilespmem:$0x16400] =	vst v63  }
0x54: {  	s29 =	simm.s32 $0xA00;
	s30 =	rddreg [dreg:$0x8]  }
0x55: {  	[tilespmem:s29], [sflag:$0x1] =	stream.strided.gather [hbm4b:s28+s7], $0x200, s8, s7, $0x38;
	[tilespmem:$0x16400] =	vst v63  }
0x56: {  	s31 =	simm.s32 $0xC00;
	s28 =	rddreg [dreg:$0x9]  }
0x57: {  	[tilespmem:s31], [sflag:$0x1] =	stream.strided.gather [hbm4b:s30+s7], $0x200, s8, s7, $0x38;
	[tilespmem:$0x16400] =	vst v63  }
0x58: {  	s29 =	simm.s32 $0xE00;
	s30 =	rddreg [dreg:$0xa]  }
0x59: {  	[tilespmem:s29], [sflag:$0x1] =	stream.strided.gather [hbm4b:s28+s7], $0x200, s8, s7, $0x38;
	[tilespmem:$0x16400] =	vst v63  }
0x5a: {  	s31 =	simm.s32 $0x1000;
	s28 =	rddreg [dreg:$0xb]  }
0x5b: {  	[tilespmem:s31], [sflag:$0x1] =	stream.strided.gather [hbm4b:s30+s7], $0x200, s8, s7, $0x38;
	[tilespmem:$0x16400] =	vst v63  }
0x5c: {  	s29 =	simm.s32 $0x1200;
	s30 =	rddreg [dreg:$0xc]  }
0x5d: {  	[tilespmem:s29], [sflag:$0x1] =	stream.strided.gather [hbm4b:s28+s7], $0x200, s8, s7, $0x38;
	[tilespmem:$0x16400] =	vst v63  }
0x5e: {  	s31 =	simm.s32 $0x1400;
	s28 =	rddreg [dreg:$0xd]  }
0x5f: {  	[tilespmem:s31], [sflag:$0x1] =	stream.strided.gather [hbm4b:s30+s7], $0x200, s8, s7, $0x38;
	[tilespmem:$0x16400] =	vst v63  }
0x60: {  	s29 =	simm.s32 $0x1600;
	s30 =	rddreg [dreg:$0xe]  }
0x61: {  	[tilespmem:s29], [sflag:$0x1] =	stream.strided.gather [hbm4b:s28+s7], $0x200, s8, s7, $0x38;
	[tilespmem:$0x16400] =	vst v63  }
0x62: {  	s31 =	simm.s32 $0x1800;
	s28 =	rddreg [dreg:$0xf]  }
0x63: {  	[tilespmem:s31], [sflag:$0x1] =	stream.strided.gather [hbm4b:s30+s7], $0x200, s8, s7, $0x38;
	[tilespmem:$0x16400] =	vst v63  }
0x64: {  	s29 =	simm.s32 $0x1A00;
	s30 =	rddreg [dreg:$0x10]  }
0x65: {  	[tilespmem:s29], [sflag:$0x1] =	stream.strided.gather [hbm4b:s28+s7], $0x200, s8, s7, $0x38;
	[tilespmem:$0x16400] =	vst v63  }
0x66: {  	s31 =	simm.s32 $0x1C00;
	s28 =	rddreg [dreg:$0x11]  }
0x67: {  	[tilespmem:s31], [sflag:$0x1] =	stream.strided.gather [hbm4b:s30+s7], $0x200, s8, s7, $0x38;
	[tilespmem:$0x16400] =	vst v63  }
0x68: {  	s29 =	simm.s32 $0x1E00;
	s30 =	rddreg [dreg:$0x12]  }
0x69: {  	[tilespmem:s29], [sflag:$0x1] =	stream.strided.gather [hbm4b:s28+s7], $0x200, s8, s7, $0x38;
	[tilespmem:$0x16400] =	vst v63  }
0x6a: {  	s31 =	simm.s32 $0x2000;
	s28 =	rddreg [dreg:$0x13]  }
0x6b: {  	[tilespmem:s31], [sflag:$0x1] =	stream.strided.gather [hbm4b:s30+s7], $0x200, s8, s7, $0x38;
	[tilespmem:$0x16400] =	vst v63  }
0x6c: {  	s29 =	simm.s32 $0x2200;
	s30 =	rddreg [dreg:$0x14]  }
0x6d: {  	[tilespmem:s29], [sflag:$0x1] =	stream.strided.gather [hbm4b:s28+s7], $0x200, s8, s7, $0x38;
	[tilespmem:$0x16400] =	vst v63  }
0x6e: {  	s31 =	simm.s32 $0x2400;
	s28 =	rddreg [dreg:$0x16]  }
0x6f: {  	[tilespmem:s31], [sflag:$0x1] =	stream.strided.gather [hbm4b:s30+s7], $0x200, s8, s7, $0x38;
	[tilespmem:$0x16400] =	vst v63  }
0x70: {  	s29 =	simm.s32 $0x2600;
	s30 =	rddreg [dreg:$0x17]  }
0x71: {  	[tilespmem:s29], [sflag:$0x1] =	stream.strided.gather [hbm4b:s28+s7], $0x200, s8, s7, $0x38;
	[tilespmem:$0x16400] =	vst v63  }
0x72: {  	s31 =	simm.s32 $0x2800;
	s28 =	rddreg [dreg:$0x18]  }
0x73: {  	[tilespmem:s31], [sflag:$0x1] =	stream.strided.gather [hbm4b:s30+s7], $0x200, s8, s7, $0x38;
	[tilespmem:$0x16400] =	vst v63  }
0x74: {  	s29 =	simm.s32 $0x2A00;
	s30 =	rddreg [dreg:$0x19]  }
0x75: {  	[tilespmem:s29], [sflag:$0x1] =	stream.strided.gather [hbm4b:s28+s7], $0x200, s8, s7, $0x38;
	[tilespmem:$0x16400] =	vst v63  }
0x76: {  	s31 =	simm.s32 $0x2C00;
	s28 =	rddreg [dreg:$0x1a]  }
0x77: {  	[tilespmem:s31], [sflag:$0x1] =	stream.strided.gather [hbm4b:s30+s7], $0x200, s8, s7, $0x38;
	[tilespmem:$0x16400] =	vst v63  }
0x78: {  	s29 =	simm.s32 $0x2E00;
	s30 =	rddreg [dreg:$0x1b]  }
0x79: {  	[tilespmem:s29], [sflag:$0x1] =	stream.strided.gather [hbm4b:s28+s7], $0x200, s8, s7, $0x38;
	[tilespmem:$0x16400] =	vst v63  }
0x7a: {  	s31 =	simm.s32 $0x3000;
	s28 =	rddreg [dreg:$0x1c]  }
0x7b: {  	[tilespmem:s31], [sflag:$0x1] =	stream.strided.gather [hbm4b:s30+s7], $0x200, s8, s7, $0x38;
	[tilespmem:$0x16400] =	vst v63  }
0x7c: {  	s29 =	simm.s32 $0x3200;
	s30 =	rddreg [dreg:$0x1d]  }
0x7d: {  	[tilespmem:s29], [sflag:$0x1] =	stream.strided.gather [hbm4b:s28+s7], $0x200, s8, s7, $0x38;
	[tilespmem:$0x16400] =	vst v63  }
0x7e: {  	s31 =	simm.s32 $0x3400;
	s28 =	rddreg [dreg:$0x1e]  }
0x7f: {  	[tilespmem:s31], [sflag:$0x1] =	stream.strided.gather [hbm4b:s30+s7], $0x200, s8, s7, $0x38;
	[tilespmem:$0x16400] =	vst v63  }
0x80: {  	s29 =	simm.s32 $0x3600;
	s30 =	rddreg [dreg:$0x1f]  }
0x81: {  	[tilespmem:s29], [sflag:$0x1] =	stream.strided.gather [hbm4b:s28+s7], $0x200, s8, s7, $0x38;
	[tilespmem:$0x16400] =	vst v63  }
0x82: {  	s31 =	simm.s32 $0x3800;
	s28 =	sld [smem:$0x7E9]  }
0x83: {  	[tilespmem:s31], [sflag:$0x1] =	stream.strided.gather [hbm4b:s30+s7], $0x200, s8, s7, $0x38;
	[tilespmem:$0x16400] =	vst v63  }
0x84: {  	s29 =	simm.s32 $0x3A00;
	s30 =	sld [smem:$0x7EA]  }
0x85: {  	[tilespmem:s29], [sflag:$0x1] =	stream.strided.gather [hbm4b:s28+s7], $0x200, s8, s7, $0x38;
	[tilespmem:$0x16400] =	vst v63  }
0x86: {  	s31 =	simm.s32 $0x3C00;
	s28 =	sld [smem:$0x7EB]  }
0x87: {  	[tilespmem:s31], [sflag:$0x1] =	stream.strided.gather [hbm4b:s30+s7], $0x200, s8, s7, $0x38;
	[tilespmem:$0x16400] =	vst v63  }
0x88: {  	s29 =	simm.s32 $0x3E00;
	s30 =	sld [smem:$0x7EC]  }
0x89: {  	[tilespmem:s29], [sflag:$0x1] =	stream.strided.gather [hbm4b:s28+s7], $0x200, s8, s7, $0x38;
	[tilespmem:$0x16400] =	vst v63  }
0x8a: {  	s31 =	simm.s32 $0x4000;
	s28 =	sld [smem:$0x7ED]  }
0x8b: {  	[tilespmem:s31], [sflag:$0x1] =	stream.strided.gather [hbm4b:s30+s7], $0x200, s8, s7, $0x38;
	[tilespmem:$0x16400] =	vst v63  }
0x8c: {  	s29 =	simm.s32 $0x4200;
	s30 =	sld [smem:$0x7EE]  }
0x8d: {  	[tilespmem:s29], [sflag:$0x1] =	stream.strided.gather [hbm4b:s28+s7], $0x200, s8, s7, $0x38;
	[tilespmem:$0x16400] =	vst v63  }
0x8e: {  	s31 =	simm.s32 $0x4400;
	s28 =	sld [smem:$0x7EF]  }
0x8f: {  	[tilespmem:s31], [sflag:$0x1] =	stream.strided.gather [hbm4b:s30+s7], $0x200, s8, s7, $0x38;
	[tilespmem:$0x16400] =	vst v63  }
0x90: {  	s29 =	simm.s32 $0x4600;
	s30 =	sld [smem:$0x7F0]  }
0x91: {  	[tilespmem:s29], [sflag:$0x1] =	stream.strided.gather [hbm4b:s28+s7], $0x200, s8, s7, $0x38;
	[tilespmem:$0x16400] =	vst v63  }
0x92: {  	s31 =	simm.s32 $0x4800;
	s28 =	sld [smem:$0x7F1]  }
0x93: {  	[tilespmem:s31], [sflag:$0x1] =	stream.strided.gather [hbm4b:s30+s7], $0x200, s8, s7, $0x38;
	[tilespmem:$0x16400] =	vst v63  }
0x94: {  	s29 =	simm.s32 $0x4A00;
	s30 =	sld [smem:$0x7F2]  }
0x95: {  	[tilespmem:s29], [sflag:$0x1] =	stream.strided.gather [hbm4b:s28+s7], $0x200, s8, s7, $0x38;
	[tilespmem:$0x16400] =	vst v63  }
0x96: {  	s31 =	simm.s32 $0x4C00;
	s28 =	sld [smem:$0x7F3]  }
0x97: {  	[tilespmem:s31], [sflag:$0x1] =	stream.strided.gather [hbm4b:s30+s7], $0x200, s8, s7, $0x38;
	[tilespmem:$0x16400] =	vst v63  }
0x98: {  	s29 =	simm.s32 $0x4E00;
	s30 =	sld [smem:$0x7F4]  }
0x99: {  	[tilespmem:s29], [sflag:$0x1] =	stream.strided.gather [hbm4b:s28+s7], $0x200, s8, s7, $0x38;
	[tilespmem:$0x16400] =	vst v63  }
0x9a: {  	s31 =	simm.s32 $0x5000;
	s28 =	sld [smem:$0x7F5]  }
0x9b: {  	[tilespmem:s31], [sflag:$0x1] =	stream.strided.gather [hbm4b:s30+s7], $0x200, s8, s7, $0x38;
	[tilespmem:$0x16400] =	vst v63  }
0x9c: {  	s29 =	simm.s32 $0x5200;
	s30 =	sld [smem:$0x7F6]  }
0x9d: {  	[tilespmem:s29], [sflag:$0x1] =	stream.strided.gather [hbm4b:s28+s7], $0x200, s8, s7, $0x38;
	[tilespmem:$0x16400] =	vst v63  }
0x9e: {  	s31 =	simm.s32 $0x5400;
	s28 =	sld [smem:$0x7F7]  }
0x9f: {  	[tilespmem:s31], [sflag:$0x1] =	stream.strided.gather [hbm4b:s30+s7], $0x200, s8, s7, $0x38;
	[tilespmem:$0x16400] =	vst v63  }
0xa0: {  	s29 =	simm.s32 $0x5600;
	s30 =	sld [smem:$0x7F8]  }
0xa1: {  	[tilespmem:s29], [sflag:$0x1] =	stream.strided.gather [hbm4b:s28+s7], $0x200, s8, s7, $0x38;
	[tilespmem:$0x16400] =	vst v63  }
0xa2: {  	s31 =	simm.s32 $0x5800;
	s28 =	sld [smem:$0x7F9]  }
0xa3: {  	[tilespmem:s31], [sflag:$0x1] =	stream.strided.gather [hbm4b:s30+s7], $0x200, s8, s7, $0x38;
	[tilespmem:$0x16400] =	vst v63  }
0xa4: {  	s29 =	simm.s32 $0x5A00;
	s30 =	sld [smem:$0x7FA]  }
0xa5: {  	[tilespmem:s29], [sflag:$0x1] =	stream.strided.gather [hbm4b:s28+s7], $0x200, s8, s7, $0x38;
	[tilespmem:$0x16400] =	vst v63  }
0xa6: {  	s31 =	simm.s32 $0x5C00;
	s28 =	sld [smem:$0x7FB]  }
0xa7: {  	[tilespmem:s31], [sflag:$0x1] =	stream.strided.gather [hbm4b:s30+s7], $0x200, s8, s7, $0x38;
	[tilespmem:$0x16400] =	vst v63  }
0xa8: {  	s29 =	simm.s32 $0x5E00;
	s30 =	sld [smem:$0x7FC]  }
0xa9: {  	[tilespmem:s29], [sflag:$0x1] =	stream.strided.gather [hbm4b:s28+s7], $0x200, s8, s7, $0x38;
	[tilespmem:$0x16400] =	vst v63  }
0xaa: {  	s31 =	simm.s32 $0x6000;
	s28 =	sld [smem:$0x7FD]  }
0xab: {  	[tilespmem:s31], [sflag:$0x1] =	stream.strided.gather [hbm4b:s30+s7], $0x200, s8, s7, $0x38;
	[tilespmem:$0x16400] =	vst v63  }
0xac: {  	s29 =	simm.s32 $0x6200  }
0xad: {  	[tilespmem:s29], [sflag:$0x1] =	stream.strided.gather [hbm4b:s28+s7], $0x200, s8, s7, $0x38;
	[tilespmem:$0x16400] =	vst v63  }
0xae: {  	_ =	swait.ge [sflag:s10], $0x200  }
0xaf: {  	[sflag:s10] =	ssyncset.done $0x0  }
0xb0: {  	[sflag:s10] =	ssyncadd.s32 $0xFFFFFE00  }
0xb1: {  	_ =	swait.ge [sflag:s10], $0x200  }
0xb2: {  	[sflag:s10] =	ssyncset.done $0x0  }
0xb3: {  	[sflag:s10] =	ssyncadd.s32 $0xFFFFFE00  }
0xb4: {  	_ =	swait.ge [sflag:s10], $0x200  }
0xb5: {  	[sflag:s10] =	ssyncset.done $0x0  }
0xb6: {  	[sflag:s10] =	ssyncadd.s32 $0xFFFFFE00  }
0xb7: {  	_ =	swait.ge [sflag:s10], $0x200  }
0xb8: {  	[sflag:s10] =	ssyncset.done $0x0  }
0xb9: {  	[sflag:s10] =	ssyncadd.s32 $0xFFFFFE00  }
0xba: {  	_ =	swait.ge [sflag:s10], $0x200  }
0xbb: {  	[sflag:s10] =	ssyncset.done $0x0  }
0xbc: {  	[sflag:s10] =	ssyncadd.s32 $0xFFFFFE00  }
0xbd: {  	_ =	swait.ge [sflag:s10], $0x200  }
0xbe: {  	[sflag:s10] =	ssyncset.done $0x0  }
0xbf: {  	[sflag:s10] =	ssyncadd.s32 $0xFFFFFE00  }
0xc0: {  	_ =	swait.ge [sflag:s10], $0x200  }
0xc1: {  	[sflag:s10] =	ssyncset.done $0x0  }
0xc2: {  	[sflag:s10] =	ssyncadd.s32 $0xFFFFFE00  }
0xc3: {  	_ =	swait.ge [sflag:s10], $0x200  }
0xc4: {  	[sflag:s10] =	ssyncset.done $0x0  }
0xc5: {  	[sflag:s10] =	ssyncadd.s32 $0xFFFFFE00  }
0xc6: {  	_ =	swait.ge [sflag:s10], $0x200  }
0xc7: {  	[sflag:s10] =	ssyncset.done $0x0  }
0xc8: {  	[sflag:s10] =	ssyncadd.s32 $0xFFFFFE00  }
0xc9: {  	_ =	swait.ge [sflag:s10], $0x200  }
0xca: {  	[sflag:s10] =	ssyncset.done $0x0  }
0xcb: {  	[sflag:s10] =	ssyncadd.s32 $0xFFFFFE00  }
0xcc: {  	_ =	swait.ge [sflag:s10], $0x200  }
0xcd: {  	[sflag:s10] =	ssyncset.done $0x0  }
0xce: {  	[sflag:s10] =	ssyncadd.s32 $0xFFFFFE00  }
0xcf: {  	_ =	swait.ge [sflag:s10], $0x200  }
0xd0: {  	[sflag:s10] =	ssyncset.done $0x0  }
0xd1: {  	[sflag:s10] =	ssyncadd.s32 $0xFFFFFE00  }
0xd2: {  	_ =	swait.ge [sflag:s10], $0x200  }
0xd3: {  	[sflag:s10] =	ssyncset.done $0x0  }
0xd4: {  	[sflag:s10] =	ssyncadd.s32 $0xFFFFFE00  }
0xd5: {  	_ =	swait.ge [sflag:s10], $0x200  }
0xd6: {  	[sflag:s10] =	ssyncset.done $0x0  }
0xd7: {  	[sflag:s10] =	ssyncadd.s32 $0xFFFFFE00  }
0xd8: {  	_ =	swait.ge [sflag:s10], $0x200  }
0xd9: {  	[sflag:s10] =	ssyncset.done $0x0  }
0xda: {  	[sflag:s10] =	ssyncadd.s32 $0xFFFFFE00  }
0xdb: {  	_ =	swait.ge [sflag:s10], $0x200  }
0xdc: {  	[sflag:s10] =	ssyncset.done $0x0  }
0xdd: {  	[sflag:s10] =	ssyncadd.s32 $0xFFFFFE00  }
0xde: {  	_ =	swait.ge [sflag:s10], $0x200  }
0xdf: {  	[sflag:s10] =	ssyncset.done $0x0  }
0xe0: {  	[sflag:s10] =	ssyncadd.s32 $0xFFFFFE00  }
0xe1: {  	_ =	swait.ge [sflag:s10], $0x200  }
0xe2: {  	[sflag:s10] =	ssyncset.done $0x0  }
0xe3: {  	[sflag:s10] =	ssyncadd.s32 $0xFFFFFE00  }
0xe4: {  	_ =	swait.ge [sflag:s10], $0x200  }
0xe5: {  	[sflag:s10] =	ssyncset.done $0x0  }
0xe6: {  	[sflag:s10] =	ssyncadd.s32 $0xFFFFFE00  }
0xe7: {  	_ =	swait.ge [sflag:s10], $0x200  }
0xe8: {  	[sflag:s10] =	ssyncset.done $0x0  }
0xe9: {  	[sflag:s10] =	ssyncadd.s32 $0xFFFFFE00  }
0xea: {  	_ =	swait.ge [sflag:s10], $0x200  }
0xeb: {  	[sflag:s10] =	ssyncset.done $0x0  }
0xec: {  	[sflag:s10] =	ssyncadd.s32 $0xFFFFFE00  }
0xed: {  	_ =	swait.ge [sflag:s10], $0x200  }
0xee: {  	[sflag:s10] =	ssyncset.done $0x0  }
0xef: {  	[sflag:s10] =	ssyncadd.s32 $0xFFFFFE00  }
0xf0: {  	_ =	swait.ge [sflag:s10], $0x200  }
0xf1: {  	[sflag:s10] =	ssyncset.done $0x0  }
0xf2: {  	[sflag:s10] =	ssyncadd.s32 $0xFFFFFE00  }
0xf3: {  	_ =	swait.ge [sflag:s10], $0x200  }
0xf4: {  	[sflag:s10] =	ssyncset.done $0x0  }
0xf5: {  	[sflag:s10] =	ssyncadd.s32 $0xFFFFFE00  }
0xf6: {  	_ =	swait.ge [sflag:s10], $0x200  }
0xf7: {  	[sflag:s10] =	ssyncset.done $0x0  }
0xf8: {  	[sflag:s10] =	ssyncadd.s32 $0xFFFFFE00  }
0xf9: {  	_ =	swait.ge [sflag:s10], $0x200  }
0xfa: {  	[sflag:s10] =	ssyncset.done $0x0  }
0xfb: {  	[sflag:s10] =	ssyncadd.s32 $0xFFFFFE00  }
0xfc: {  	_ =	swait.ge [sflag:s10], $0x200  }
0xfd: {  	[sflag:s10] =	ssyncset.done $0x0  }
0xfe: {  	[sflag:s10] =	ssyncadd.s32 $0xFFFFFE00  }
0xff: {  	_ =	swait.ge [sflag:s10], $0x200  }
0x100: {  	[sflag:s10] =	ssyncset.done $0x0  }
0x101: {  	[sflag:s10] =	ssyncadd.s32 $0xFFFFFE00  }
0x102: {  	_ =	swait.ge [sflag:s10], $0x200  }
0x103: {  	[sflag:s10] =	ssyncset.done $0x0  }
0x104: {  	[sflag:s10] =	ssyncadd.s32 $0xFFFFFE00  }
0x105: {  	_ =	swait.ge [sflag:s10], $0x200  }
0x106: {  	[sflag:s10] =	ssyncset.done $0x0  }
0x107: {  	[sflag:s10] =	ssyncadd.s32 $0xFFFFFE00  }
0x108: {  	_ =	swait.ge [sflag:s10], $0x200  }
0x109: {  	[sflag:s10] =	ssyncset.done $0x0  }
0x10a: {  	[sflag:s10] =	ssyncadd.s32 $0xFFFFFE00  }
0x10b: {  	_ =	swait.ge [sflag:s10], $0x200  }
0x10c: {  	[sflag:s10] =	ssyncset.done $0x0  }
0x10d: {  	[sflag:s10] =	ssyncadd.s32 $0xFFFFFE00  }
0x10e: {  	_ =	swait.ge [sflag:s10], $0x200  }
0x10f: {  	[sflag:s10] =	ssyncset.done $0x0  }
0x110: {  	[sflag:s10] =	ssyncadd.s32 $0xFFFFFE00  }
0x111: {  	_ =	swait.ge [sflag:s10], $0x200  }
0x112: {  	[sflag:s10] =	ssyncset.done $0x0  }
0x113: {  	[sflag:s10] =	ssyncadd.s32 $0xFFFFFE00  }
0x114: {  	_ =	swait.ge [sflag:s10], $0x200  }
0x115: {  	[sflag:s10] =	ssyncset.done $0x0  }
0x116: {  	[sflag:s10] =	ssyncadd.s32 $0xFFFFFE00  }
0x117: {  	_ =	swait.ge [sflag:s10], $0x200  }
0x118: {  	[sflag:s10] =	ssyncset.done $0x0  }
0x119: {  	[sflag:s10] =	ssyncadd.s32 $0xFFFFFE00  }
0x11a: {  	_ =	swait.ge [sflag:s10], $0x200  }
0x11b: {  	[sflag:s10] =	ssyncset.done $0x0  }
0x11c: {  	[sflag:s10] =	ssyncadd.s32 $0xFFFFFE00  }
0x11d: {  	_ =	swait.ge [sflag:s10], $0x200  }
0x11e: {  	[sflag:s10] =	ssyncset.done $0x0  }
0x11f: {  	[sflag:s10] =	ssyncadd.s32 $0xFFFFFE00  }
0x120: {  	_ =	swait.ge [sflag:s10], $0x200  }
0x121: {  	[sflag:s10] =	ssyncset.done $0x0  }
0x122: {  	[sflag:s10] =	ssyncadd.s32 $0xFFFFFE00  }
0x123: {  	_ =	swait.ge [sflag:s10], $0x200  }
0x124: {  	[sflag:s10] =	ssyncset.done $0x0  }
0x125: {  	[sflag:s10] =	ssyncadd.s32 $0xFFFFFE00  }
0x126: {  	_ =	swait.ge [sflag:s10], $0x200  }
0x127: {  	[sflag:s10] =	ssyncset.done $0x0  }
0x128: {  	[sflag:s10] =	ssyncadd.s32 $0xFFFFFE00  }
0x129: {  	_ =	swait.ge [sflag:s10], $0x200  }
0x12a: {  	[sflag:s10] =	ssyncset.done $0x0  }
0x12b: {  	[sflag:s10] =	ssyncadd.s32 $0xFFFFFE00  }
0x12c: {  	_ =	swait.ge [sflag:s10], $0x200  }
0x12d: {  	[sflag:s10] =	ssyncset.done $0x0  }
0x12e: {  	[sflag:s10] =	ssyncadd.s32 $0xFFFFFE00  }
0x12f: {  	_ =	swait.ge [sflag:s10], $0x200  }
0x130: {  	[sflag:s10] =	ssyncset.done $0x0  }
0x131: {  	[sflag:s10] =	ssyncadd.s32 $0xFFFFFE00  }
0x132: {  	_ =	swait.ge [sflag:s10], $0x200  }
0x133: {  	[sflag:s10] =	ssyncset.done $0x0  }
0x134: {  	[sflag:s10] =	ssyncadd.s32 $0xFFFFFE00  }
0x135: {  	_ =	swait.ge [sflag:s10], $0x200  }
0x136: {  	[sflag:s10] =	ssyncset.done $0x0  }
0x137: {  	[sflag:s10] =	ssyncadd.s32 $0xFFFFFE00  }
0x138: {  	_ =	swait.ge [sflag:s10], $0x200  }
0x139: {  	[sflag:s10] =	ssyncset.done $0x0  }
0x13a: {  	[sflag:s10] =	ssyncadd.s32 $0xFFFFFE00  }
0x13b: {  	_ =	swait.ge [sflag:s10], $0x200  }
0x13c: {  	[sflag:s10] =	ssyncset.done $0x0  }
0x13d: {  	[sflag:s10] =	ssyncadd.s32 $0xFFFFFE00  }
0x13e: {  	_ =	swait.ge [sflag:s10], $0x200  }
0x13f: {  	[sflag:s10] =	ssyncset.done $0x0  }
0x140: {  	[sflag:s10] =	ssyncadd.s32 $0xFFFFFE00  }
0x141: {  	_ =	swait.ge [sflag:s10], $0x200  }
0x142: {  	[sflag:s10] =	ssyncset.done $0x0  }
0x143: {  	[sflag:s10] =	ssyncadd.s32 $0xFFFFFE00  }
0x144: {  	[tilespmem:s11], [sflag:$0x2] =	stream.indirect.gather [hbm4b:s3+s7], $0x80, s2, s7, $0xb8;
	[tilespmem:$0x16400] =	vst v63  }
0x145: {  	_ = 	snop  }
0x146: {  	[tilespmem:s12], [sflag:$0x3] =	stream.indirect.gather [hbm4b:s3+s7], $0x80, s7, s7, $0xb8;
	[tilespmem:$0x16400] =	vst v63  }
0x147: {  	_ =	swait.ge [sflag:s13], $0x4000  }
0x148: {  	[sflag:s13] =	ssyncset.done $0x0  }
0x149: {  	s30 =	sadd.s32 s24, s5;
	[sflag:s13] =	ssyncadd.s32 $0xFFFFC000  }
0x14a: {  	[hbm4b:s30+s2] =	stream.linear.scatter [tilespmem:s11], [sflag:$0x6], $0x4000, $0x38;
	[tilespmem:$0x16400] =	vst v63  }
0x14b: {  	s31 =	simm.s32 $0x100  }
0x14c: {  	[tilespmem:s14], [sflag:$0x4] =	stream.indirect.gather [hbm4b:s3+s7], $0x80, s31, s7, $0xb8;
	[tilespmem:$0x16400] =	vst v63  }
0x14d: {  	_ =	swait.ge [sflag:s15], $0x4000  }
0x14e: {  	[sflag:s15] =	ssyncset.done $0x0  }
0x14f: {  	s26 =	sadd.s32 s5, s0;
	[sflag:s15] =	ssyncadd.s32 $0xFFFFC000  }
0x150: {  	[hbm4b:s26+s2] =	stream.linear.scatter [tilespmem:s12], [sflag:$0x7], $0x4000, $0x38;
	[tilespmem:$0x16400] =	vst v63  }
0x151: {  	s28 =	simm.s32 $0x180  }
0x152: {  	[tilespmem:s16], [sflag:$0x5] =	stream.indirect.gather [hbm4b:s3+s7], $0x80, s28, s7, $0xb8;
	[tilespmem:$0x16400] =	vst v63  }
0x153: {  	_ =	swait.ge [sflag:s17], $0x4000  }
0x154: {  	[sflag:s17] =	ssyncset.done $0x0  }
0x155: {  	s29 =	sadd.s32 s5, s1;
	[sflag:s17] =	ssyncadd.s32 $0xFFFFC000  }
0x156: {  	[hbm4b:s29+s2] =	stream.linear.scatter [tilespmem:s14], [sflag:$0x8], $0x4000, $0x38;
	[tilespmem:$0x16400] =	vst v63  }
0x157: {  	_ =	swait.ge [sflag:s18], $0x4000  }
0x158: {  	[sflag:s18] =	ssyncset.done $0x0  }
0x159: {  	[sflag:s18] =	ssyncadd.s32 $0xFFFFC000  }
0x15a: {  	[tilespmem:s11], [sflag:$0x2] =	stream.indirect.gather [hbm4b:s3+s7], $0x80, s9, s7, $0xb8;
	[tilespmem:$0x16400] =	vst v63  }
0x15b: {  	_ =	swait.ge [sflag:s19], $0x4000  }
0x15c: {  	[sflag:s19] =	ssyncset.done $0x0  }
0x15d: {  	s30 =	sadd.s32 s5, s6;
	[sflag:s19] =	ssyncadd.s32 $0xFFFFC000  }
0x15e: {  	[hbm4b:s30+s2] =	stream.linear.scatter [tilespmem:s16], [sflag:$0x9], $0x4000, $0x38;
	[tilespmem:$0x16400] =	vst v63  }
0x15f: {  	_ =	swait.ge [sflag:s20], $0x4000  }
0x160: {  	s25 =	simm.s32 $0x40000;
	[sflag:s20] =	ssyncset.done $0x0  }
0x161: {  	s31 =	simm.s32 $0x280;
	s26 =	simm.s32 $0x480;
	[sflag:s20] =	ssyncadd.s32 $0xFFFFC000  }
0x162: {  	[tilespmem:s12], [sflag:$0x3] =	stream.indirect.gather [hbm4b:s3+s7], $0x80, s31, s7, $0xb8;
	[tilespmem:$0x16400] =	vst v63  }
.LBB2_2:
0x163: {  	_ =	swait.ge [sflag:s13], $0x4000  }
0x164: {  	s28 =	sadd.s32 s25, s5;
	[sflag:s13] =	ssyncset.done $0x0  }
0x165: {  	s29 =	sadd.s32 s24, s28;
	[sflag:s13] =	ssyncadd.s32 $0xFFFFC000  }
0x166: {  	[hbm4b:s29+s2] =	stream.linear.scatter [tilespmem:s11], [sflag:$0x6], $0x4000, $0x38;
	[tilespmem:$0x16400] =	vst v63  }
0x167: {  	_ =	swait.ge [sflag:s21], $0x4000  }
0x168: {  	[sflag:s21] =	ssyncset.done $0x0  }
0x169: {  	s30 =	sadd.s32 $0xFFFFFE80, s26;
	[sflag:s21] =	ssyncadd.s32 $0xFFFFC000  }
0x16a: {  	[tilespmem:s14], [sflag:$0x4] =	stream.indirect.gather [hbm4b:s3+s7], $0x80, s30, s7, $0xb8;
	[tilespmem:$0x16400] =	vst v63  }
0x16b: {  	_ =	swait.ge [sflag:s15], $0x4000  }
0x16c: {  	[sflag:s15] =	ssyncset.done $0x0  }
0x16d: {  	s31 =	sadd.s32 s28, s0;
	[sflag:s15] =	ssyncadd.s32 $0xFFFFC000  }
0x16e: {  	[hbm4b:s31+s2] =	stream.linear.scatter [tilespmem:s12], [sflag:$0x7], $0x4000, $0x38;
	[tilespmem:$0x16400] =	vst v63  }
0x16f: {  	_ =	swait.ge [sflag:s22], $0x4000  }
0x170: {  	[sflag:s22] =	ssyncset.done $0x0  }
0x171: {  	s30 =	sadd.s32 $0xFFFFFF00, s26;
	[sflag:s22] =	ssyncadd.s32 $0xFFFFC000  }
0x172: {  	[tilespmem:s16], [sflag:$0x5] =	stream.indirect.gather [hbm4b:s3+s7], $0x80, s30, s7, $0xb8;
	[tilespmem:$0x16400] =	vst v63  }
0x173: {  	_ =	swait.ge [sflag:s17], $0x4000  }
0x174: {  	[sflag:s17] =	ssyncset.done $0x0  }
0x175: {  	s31 =	sadd.s32 s28, s1;
	[sflag:s17] =	ssyncadd.s32 $0xFFFFC000  }
0x176: {  	[hbm4b:s31+s2] =	stream.linear.scatter [tilespmem:s14], [sflag:$0x8], $0x4000, $0x38;
	[tilespmem:$0x16400] =	vst v63  }
0x177: {  	p0 =	seq.s32 s25, $0xC40000;
	_ =	swait.ge [sflag:s18], $0x4000  }
0x178: {  	s29 =	sadd.s32 @!p0 $0xFFFFFF80, s26;
	[sflag:s18] =	ssyncset.done $0x0  }
0x179: {  	s30 =	simm.s32 @!p0 $0x80;
	s31 =	simm.s32 @!p0 $0x6400;
	[sflag:s18] =	ssyncadd.s32 $0xFFFFC000  }
0x17a: {  	[tilespmem:s31], [sflag:$0x2] =	stream.indirect.gather @!p0 [hbm4b:s3+s30], $0x80, s29, s30, $0xb8;
	[tilespmem:$0x16400] =	vst v63  }
0x17b: {  	_ =	swait.ge [sflag:s19], $0x4000  }
0x17c: {  	[sflag:s19] =	ssyncset.done $0x0  }
.Ltmp2:
0x17d: {  	s28 =	sadd.s32 s28, s6;
	[sflag:s19] =	ssyncadd.s32 $0xFFFFC000;
	(pc) =	sbr.rel @p0 .LBB2_4-.Ltmp2, $4  }
0x17e: {  	[hbm4b:s28+s2] =	stream.linear.scatter [tilespmem:s16], [sflag:$0x9], $0x4000, $0x38;
	[tilespmem:$0x16400] =	vst v63  }
0x17f: {  	_ =	swait.ge [sflag:s20], $0x4000  }
0x180: {  	[sflag:s20] =	ssyncset.done $0x0  }
0x181: {  	[sflag:s20] =	ssyncadd.s32 $0xFFFFC000  }
.Ltmp3:
0x182: {  	(pc) =	sbr.rel .LBB2_2-.Ltmp3, $3  }
0x183: {  	_ =	sdelay $0x1  }
0x184: {  	[tilespmem:s12], [sflag:$0x3] =	stream.indirect.gather [hbm4b:s3+s7], $0x80, s26, s7, $0xb8;
	[tilespmem:$0x16400] =	vst v63  }
0x185: {  	s25 =	sadd.s32 $0x40000, s25;
	s26 =	sadd.s32 $0x200, s26  }
.LBB2_5:
0x186: {  	_ =	sfence.sel $0x180000  }
0x187: {  	[bflag:$0x0] =	sbarrier.arrive $0xFFFF  }
0x188: {  	_ =	strace $0x90000047  }
0x189: {  	s0 =	stileid.u32;
	[bflag:$0x2] =	sbarrier.arrive $0xFFFF  }
0x18a: {  	p0 =	sne.s32 s0, $0x0;
	s0 =	rddreg [dreg:$0x2]  }
0x18b: {  	s0 =	sadd.s32 @!p0 $0x100000, s0  }
0x18c: {  	[sflag:s0] =	ssyncadd.tile.s32 @!p0 $0x1;
	_ =	shalt  }
.Lfunc_end2:
_tile_overlayer_lowered:
.L_overlay_start_2:
0x18d: {  	(tag) =	ssettag $0x2  }
0x18e: {  	s0 =	rddreg [dreg:$0x0];
	s2 =	stileid.u32  }
0x18f: {  	s1 =	rddreg [dreg:$0x1];
	p0 =	sne.s32 s2, $0x0  }
0x190: {  	s3 =	rddreg [dreg:$0x2];
	[bflag:$0x3] =	sbarrier.arrive $0xFFFF;
	s2 =	simm.s32 @!p0 $0x1C0A  }
0x191: {  	[timem:s3], [sflag:s2] =	dma.local @!p0 [hbm:s0], s1  }
0x192: {  	s0 =	simm.s32 @!p0 $0xA  }
0x193: {  	_ =	swait.ge @!p0 [sflag:s0], s1  }
0x194: {  	s1 =	ssub.s32 @!p0 $0x0, s1;
	[sflag:s0] =	ssyncset.done @!p0 $0x0  }
0x195: {  	[sflag:s0] =	ssyncadd.s32 @!p0 s1  }
0x196: {  	[bflag:$0x3] =	sbarrier.arrive $0xFFFF  }
0x197: {  	_ =	shalt  }

// kernel: sparse-core-data-format-call.cloned.1.call-start
scs
called_computation_lowered:
.L_overlay_start_0:
0x0: {  	s2 =	sld [smem:$0x3FD9]  }
0x1: {  	s3 =	sld [smem:$0x3FFE];
	_ =	sdelay $0x1  }
0x2: {  	s1 =	srdreg.scid  }
0x3: {  	s0 =	sand.u32 $0x1, s1  }
0x4: {  	s18 =	sshll.u32 s0, $0xA;
	s2 =	sadd.s32 s3, s2  }
0x5: {  	s2 =	sadd.s32 s2, s18  }
0x6: {  	[smem:$0x3FC6] =	sst s2  }
0x7: {  	_ = 	snop  }
0x8: {  	s2 =	sld [smem:$0x3FD0];
	(tm) =	ssettm $0x1  }
0x9: {  	s19 =	sld [smem:$0x3FFB];
	_ =	sdelay $0x3  }
0xa: {  	_ =	strace s19  }
0xb: {  	s3 =	sld [smem:$0x3FFC];
	_ =	sdelay $0x3  }
0xc: {  	_ =	strace s3  }
0xd: {  	s3 =	sld [smem:$0x3FFD];
	_ =	sdelay $0x3  }
0xe: {  	_ =	strace s3  }
0xf: {  	_ =	strace $0x8FFFFFFF  }
0x10: {  	s20 =	sld [smem:$0x3FDB];
	_ =	sdelay $0x1  }
0x11: {  	s4 =	simm.s32 $_scs_section_size  }
0x12: {  	s5 =	simm.s32 $_size__tile_overlayer_lowered;
	s6 =	simm.s32 $_tile_overlayer_lowered  }
0x13: {  	s23 =	simm.s32 $0x1BFF;
	s22 =	sshll.u32 s6, $0x1;
	s3 =	sadd.s32 s4, s20  }
0x14: {  	s7 =	simm.s32 $0x0;
	s21 =	sshll.u32 s5, $0x1;
	s5 =	sadd.s32 s22, s3  }
0x15: {  	[timem:s7], [sflag:s23] =	dma.local [hbm:s5], s21  }
0x16: {  	_ =	swait.ge [sflag:s23], s21  }
0x17: {  	s4 =	ssub.s32 $0x0, s21;
	[sflag:s23] =	ssyncset.done $0x0  }
0x18: {  	[sflag:s23] =	ssyncadd.s32 s4;
	_ =	sdelay $0x1  }
0x19: {  	s24 =	simm.s32 $0x1B8B  }
0x1a: {  	_ =	swait.ge [sflag:s24], $0x1  }
0x1b: {  	[sflag:s24] =	ssyncset.done $0x0  }
0x1c: {  	s26 =	simm.s32 $0x1B8E;
	s25 =	sld [smem:$0x3FFE];
	[sflag:s24] =	ssyncadd.s32 $0xFFFFFFFF  }
0x1d: {  	s27 =	simm.s32 $execute0_lowered;
	[smem:$0x3FD2] =	sst s26  }
0x1e: {  	s5 =	sshll.u32 s27, $0x1;
	_ =	strace $0x80000049;
	[dreg:$0x1] =	wrdreg $0xFFFFFFFF  }
0x1f: {  	s28 =	simm.s32 $_size_execute0_lowered;
	s3 =	sadd.s32 s3, s5;
	[dreg:$0x0] =	wrdreg $0x0  }
0x20: {  	s5 =	sshll.u32 s28, $0x1;
	[dreg:$0x2] =	wrdreg s3  }
0x21: {  	[dreg:$0x3] =	wrdreg s5  }
0x22: {  	[dreg:$0x4] =	wrdreg $0xC0  }
0x23: {  	_ =	task [dreg:s7], $0x5FFFF  }
0x24: {  	[dreg:$0x1] =	wrdreg $0xFFFFFFFF  }
0x25: {  	[dreg:$0x0] =	wrdreg $0x60  }
0x26: {  	[dreg:$0x2] =	wrdreg s25  }
0x27: {  	[dreg:$0x3] =	wrdreg s2  }
0x28: {  	[dreg:$0x4] =	wrdreg $0x9  }
0x29: {  	_ =	task.clear_ibuf [dreg:s7], $0x5FFFF;
	_ =	strace $0x90000049  }
0x2a: {  	s29 =	simm.s32 $0x9;
	_ =	strace $0x8000004B  }
0x2b: {  	_ =	swait.ge [sflag:s29], $0x1  }
0x2c: {  	[sflag:s29] =	ssyncadd.s32 $0xFFFFFFFF  }
0x2d: {  	_ =	strace $0x9000004B  }
0x2e: {  	_ =	sfence  }
0x2f: {  	s30 =	sld [smem:$0x0];
	_ =	sdelay $0x2  }
0x30: {  	s31 =	sshll.u32 s1, $0xD;
	s1 =	sshrl.u32 s1, $0x2  }
0x31: {  	s3 =	sand.u32 $0x4000, s31;
	s1 =	sadd.s32 s1, s30  }
0x32: {  	s0 =	sor.u32 s3, s0;
	s1 =	sshll.u32 s1, $0x11  }
0x33: {  	s0 =	sor.u32 s1, s0  }
0x34: {  	s0 =	sadd.s32 $0x8F2B, s0  }
0x35: {  	[sflag:s0] =	ssyncadd.remote.s32 $0x1  }
0x36: {  	_ =	sfence.sel $0xFFFF  }
0x37: {  	[dreg:$0x0] =	wrdreg $0xFFFFFFFF;
	(pc) =	sbr.abs _section_cstart, $3  }
0x38: {  	[dreg:$0x1] =	wrdreg $0xFFFFFFFF  }
0x39: {  	_ =	task.clear_ibuf [dreg:s7], $0x2FFFF;
	_ =	strace $0x9FFFFFFF  }
0x3a: {  	(tm) =	ssettm $0x7FFFFFFF  }
0x3b: {  	_ =	shalt  }
tec
execute0_lowered:
.L_overlay_start_1:
0x0: {  	(tag) =	ssettag $0x1  }
0x1: {  	s0 =	srdreg.scid  }
0x2: {  	s1 =	sshll.u32 s0, $0x4  }
0x3: {  	s0 =	stileid.u32;
	s1 =	sand.u32 $0x10, s1  }
0x4: {  	s7 =	rddreg [dreg:$0x0];
	s1 =	sor.u32 s0, s1  }
0x5: {  	s4 =	simm.s32 $0x1;
	s8 =	simm.s32 $0x2;
	s2 =	sshll.u32 s1, $0x7  }
0x6: {  	s13 =	simm.s32 $0x0;
	s9 =	simm.s32 $0x20000;
	s1 =	ssub.s32 $0x4000, s2  }
0x7: {  	s14 =	simm.s32 $0x0;
	s11 =	simm.s32 $0x0;
	s3 =	sand.u32 $0xF80, s1  }
0x8: {  	s12 =	simm.s32 $0x0;
	s5 =	sshrl.u32 s1, $0xC;
	p0 =	sne.s32 s3, $0x0  }
.Ltmp0:
0x9: {  	s1 =	rddreg [dreg:$0x2];
	s4 =	simm.s32 @!p0 $0x0;
	(pc) =	sbr.rel .LBB1_1-.Ltmp0, $4  }
0xa: {  	s6 =	sadd.s32 $0x800, s7;
	s3 =	rddreg [dreg:$0x1];
	s5 =	sadd.s32 s4, s5  }
0xb: {  	_ =	strace $0x8000004A;
	s4 =	simm.s32 $0x1;
	s5 =	smul.u32 $0x19, s5  }
0xc: {  	s7 =	sadd.s32 $0x40800, s7;
	s10 =	smov.u32 s2;
	[sflag:s4] =	ssyncpa.u1 $0x0  }
0xd: {  	p0 =	por $0x0, $0x0;
	[sflag:s8] =	ssyncpa.u1 $0x0;
	s8 =	sadd.s32 $0x1, s5  }
.LBB1_7:
0xe: {  	s15 =	sadd.s32 $0x1000, s10  }
0xf: {  	s13 =	sadd.s32 $0x2, s11;
	s17 =	smov.u32 s11;
	p2 =	sgt.s32 s15, $0x3FFF  }
0x10: {  	s17 =	smov.u32 @p2 s13  }
0x11: {  	s15 =	smov.u32 @p2 s2;
	p2 =	sgt.s32 s17, $0x31  }
0x12: {  	s17 =	simm.s32 @p2 $0x0;
	p2 =	sne.s32 s12, s8  }
.Ltmp1:
0x13: {  	p1 =	slt.u32 s12, $0x2;
	(pc) =	sbr.rel @!p2 .LBB1_8-.Ltmp1, $4  }
0x14: {  	s16 =	simm.s32 @!p1 $0x2  }
0x15: {  	s14 =	smov.u32 s11;
	p0 =	por !p0, !p0;
	_ =	swait.ge @!p1 [sflag:s16], $0x4000  }
0x16: {  	s13 =	smov.u32 s10;
	[sflag:s16] =	ssyncset.done @!p1 $0x0;
	s10 =	smov.u32 s15  }
0x17: {  	s12 =	sadd.s32 $0x1, s12;
	[sflag:s16] =	ssyncadd.s32 @!p1 $0xFFFFC000;
	s11 =	smov.u32 s17  }
.LBB1_1:
0x18: {  	p1 =	sge.u32 s12, s5  }
0x19: {  	s15 =	sxor.u32 @!p1 $0xFFFFFFFF, s12;
	s16 =	sshll.u32 @!p1 s11, $0x12  }
0x1a: {  	s17 =	sshll.u32 @!p1 s10, $0x4;
	s19 =	simm.s32 @!p1 $0x40;
	s20 =	simm.s32 @!p1 $0x80  }
0x1b: {  	s15 =	sshll.u32 @!p1 s15, $0xE;
	s17 =	sand.u32 @!p1 $0x3FFF0, s17;
	s18 =	sadd.s32 @!p1 s6, s16  }
0x1c: {  	s16 =	sadd.s32 @!p1 s16, s7;
	s15 =	sand.u32 @!p1 $0x4000, s15;
	s18 =	sadd.s32 @!p1 s17, s18  }
0x1d: {  	[tilespmem:s15], [sflag:$0x1] =	stream.strided.gather @!p1 [hbm4b:s18+s19], $0x2000, s20, s19, $0x38;
	[tilespmem:$0x10100] =	vst v63  }
0x1e: {  	s31 =	sadd.s32 $0xFFFFFFFF, s12;
	s16 =	sadd.s32 @!p1 s17, s16;
	s15 =	sor.u32 @!p1 $0x2000, s15  }
0x1f: {  	[tilespmem:s15], [sflag:$0x1] =	stream.strided.gather @!p1 [hbm4b:s16+s19], $0x2000, s20, s19, $0x38;
	[tilespmem:$0x10100] =	vst v63  }
0x20: {  	p1 =	sge.u32 s31, s5  }
.Ltmp2:
0x21: {  	_ = 	snop;
	(pc) =	sbr.rel @p1 .LBB1_7-.Ltmp2, $1  }
0x22: {  	_ =	sdelay $0x3  }
0x23: {  	s15 =	simm.s32 $0x1;
	s17 =	sand.u32 $0x1, s12  }
0x24: {  	_ =	swait.ge [sflag:s4], $0x4000;
	s15 =	simm.s32 @!p0 $0x0;
	s17 =	smul.u32 $0x10200, s17  }
0x25: {  	p2 =	por $0x1, $0x1;
	[sflag:s4] =	ssyncset.done $0x0;
	s16 =	smul.u32 $0x10200, s15  }
0x26: {  	s18 =	sshll.u32 s15, $0x10;
	[sflag:s4] =	ssyncadd.s32 $0xFFFFC000;
	s30 =	sshrl.u32 s17, $0x2  }
0x27: {  	s31 =	sshrl.u32 s18, $0x2;
	s18 =	simm.s32 $0x0;
	s16 =	sshrl.u32 s16, $0x2  }
0x28: {  	s15 =	sor.u32 $0x8000, s30;
	s17 =	sadd.s32 $0x20, s31;
	s16 =	sor.u32 $0x8000, s16  }
.LBB1_3:
0x29: {  	s19 =	sshll.u32 s18, $0xD  }
0x2a: {  	s19 =	sand.u32 $0x3FFFE000, s19  }
0x2b: {  	s21 =	sadd.s32 s19, s17  }
0x2c: {  	s31 =	smul.u32 $0x8100, s18;
	v3 =	vld [tilespmem:s21+$0x10]  }
0x2d: {  	v1 =	vld [tilespmem:s21+$0xFFFFFFF0]  }
0x2e: {  	s18 =	sshra.s32 s31, $0x2;
	v0 =	vld [tilespmem:s21+$0x0]  }
0x2f: {  	s18 =	sadd.s32 s18, s16;
	v2 =	vld [tilespmem:s21+$0xFFFFFFE0]  }
0x30: {  	s19 =	sadd.s32 $0x0, s18  }
0x31: {  	p1 =	por p2, p2;
	s20 =	simm.s32 $0x4;
	s21 =	sadd.s32 $0x40, s21;
	[tilespmem:s19+$0x1830 ss:$0x81] =	vst.msk $0xffff, v3  }
.LBB1_4:
0x32: {  	v3 =	vld [tilespmem:s21+$0x10];
	p2 =	sne.s32 s20, $0x1FC;
	[tilespmem:s19+$0x810 ss:$0x81] =	vst.msk $0xffff, v1;
	s22 =	smov.u32 s20;
	s20 =	sadd.s32 $0x4, s20  }
.Ltmp3:
0x33: {  	v1 =	vld [tilespmem:s21+$0xFFFFFFF0];
	[tilespmem:s19+$0x1020 ss:$0x81] =	vst.msk $0xffff, v0;
	(pc) =	sbr.rel @p2 .LBB1_4-.Ltmp3, $4  }
0x34: {  	v0 =	vld [tilespmem:s21+$0x0];
	[tilespmem:s19+$0x0 ss:$0x81] =	vst.msk $0xffff, v2  }
0x35: {  	s19 =	sshra.s32 s22, $0x2;
	v2 =	vld [tilespmem:s21+$0xFFFFFFE0]  }
0x36: {  	s19 =	sadd.s32 s19, s18  }
0x37: {  	s21 =	sadd.s32 $0x40, s21;
	[tilespmem:s19+$0x1830 ss:$0x81] =	vst.msk $0xffff, v3  }
.Ltmp4:
0x38: {  	(pc) =	sbr.rel @p1 .LBB1_3-.Ltmp4, $4  }
0x39: {  	_ = 	snop  }
0x3a: {  	[tilespmem:s19+$0x810 ss:$0x81] =	vst.msk $0xffff, v1  }
0x3b: {  	[tilespmem:s19+$0x1020 ss:$0x81] =	vst.msk $0xffff, v0  }
0x3c: {  	s18 =	simm.s32 $0x1;
	p2 =	por $0x0, $0x0;
	[tilespmem:s19+$0x0 ss:$0x81] =	vst.msk $0xffff, v2  }
0x3d: {  	s16 =	sshll.u32 s13, $0x3;
	s17 =	sand.u32 $0x78, s13;
	s14 =	sshll.u32 s14, $0x11  }
.Ltmp5:
0x3e: {  	s30 =	sand.u32 $0x1F800, s13;
	s16 =	sand.u32 $0x3C00, s16;
	(pc) =	sbr.rel .LBB1_7-.Ltmp5, $4  }
0x3f: {  	s31 =	sand.u32 $0x7, s13;
	s14 =	sadd.s32 s3, s14;
	s16 =	sor.u32 s17, s16  }
0x40: {  	s13 =	sshll.u32 s31, $0x12;
	s14 =	sadd.s32 s30, s14;
	s16 =	sshrl.u32 s16, $0x3  }
0x41: {  	s13 =	sor.u32 $0x400, s13;
	s14 =	sadd.s32 s16, s14  }
0x42: {  	[hbm4b:s14+s13] =	stream.strided.scatter [tilespmem:s15], [sflag:$0x2], $0x4000, s9, s13, $0x20;
	[tilespmem:$0x10100] =	vst v63  }
.LBB1_8:
0x43: {  	_ =	sfence.sel $0x180000  }
0x44: {  	s2 =	simm.s32 $0x1;
	[bflag:$0x0] =	sbarrier.arrive $0xFFFF  }
0x45: {  	s31 =	simm.s32 $0x2;
	[sflag:s2] =	ssyncpa.u1 $0x1  }
0x46: {  	[sflag:s31] =	ssyncpa.u1 $0x1  }
0x47: {  	p0 =	sne.s32 s0, $0x0;
	_ =	strace $0x9000004A  }
0x48: {  	s0 =	sadd.s32 @!p0 $0x100000, s1;
	[bflag:$0x2] =	sbarrier.arrive $0xFFFF  }
0x49: {  	[sflag:s0] =	ssyncadd.tile.s32 @!p0 $0x1;
	_ =	shalt  }
.Lfunc_end1:
_tile_overlayer_lowered:
.L_overlay_start_2:
0x4a: {  	(tag) =	ssettag $0x2  }
0x4b: {  	s0 =	rddreg [dreg:$0x0];
	s2 =	stileid.u32  }
0x4c: {  	s1 =	rddreg [dreg:$0x1];
	p0 =	sne.s32 s2, $0x0  }
0x4d: {  	s3 =	rddreg [dreg:$0x2];
	[bflag:$0x3] =	sbarrier.arrive $0xFFFF;
	s2 =	simm.s32 @!p0 $0x1C01  }
0x4e: {  	[timem:s3], [sflag:s2] =	dma.local @!p0 [hbm:s0], s1  }
0x4f: {  	s0 =	simm.s32 @!p0 $0x1  }
0x50: {  	_ =	swait.ge @!p0 [sflag:s0], s1  }
0x51: {  	s1 =	ssub.s32 @!p0 $0x0, s1;
	[sflag:s0] =	ssyncset.done @!p0 $0x0  }
0x52: {  	[sflag:s0] =	ssyncadd.s32 @!p0 s1  }
0x53: {  	[bflag:$0x3] =	sbarrier.arrive $0xFFFF  }
0x54: {  	_ =	shalt  }

</sc_bundles>
